<compile_context>
chip_gen: v7x
topology: tpu7x:2x2x1
jax: 0.10.2.dev20260603
libtpu: 0.0.44.dev20260713+nightly
codegen_flags: <defaults>
</compile_context>

<pallas_src>
import functools

import jax
import jax.numpy as jnp
from jax import lax
from jax.experimental import pallas as pl
from jax.experimental.pallas import tpu as pltpu
from jax.experimental.pallas import tpu_sc as plsc

IC = 96
OC = 192
K = 8
B = 2
H = 56
W = 56
N = H * W
BN = B * N

_NEG_SLOPE = 0.05
_BIG = 3.0e38


def _leaky(v):
    return jnp.where(v >= 0, v, _NEG_SLOPE * v)



def _prep_body(x_ref, w_ref, cb_ref, g_ref, b_ref, out_ref, hp_ref):
    col = lax.broadcasted_iota(jnp.int32, (1, N), 1) % W
    ys = []
    for bb in range(B):
        x = x_ref[bb]
        acc = jnp.zeros((IC, N), jnp.float32)
        for ki in range(3):
            for kj in range(3):
                s = (ki - 1) * W + (kj - 1)
                if s > 0:
                    xs = jnp.concatenate(
                        [x[:, s:], jnp.zeros((IC, s), jnp.float32)], axis=1)
                elif s < 0:
                    xs = jnp.concatenate(
                        [jnp.zeros((IC, -s), jnp.float32), x[:, :s]], axis=1)
                else:
                    xs = x
                if kj == 2:
                    xs = jnp.where(col < (W - 1), xs, 0.0)
                elif kj == 0:
                    xs = jnp.where(col > 0, xs, 0.0)
                acc = acc + lax.dot(w_ref[ki, kj], xs,
                                    preferred_element_type=jnp.float32)
        ys.append(acc + cb_ref[...])
    total = jnp.float32(B * N)
    ssum = ys[0].sum(axis=1, keepdims=True) + ys[1].sum(axis=1, keepdims=True)
    mean = ssum / total
    d0 = ys[0] - mean
    d1 = ys[1] - mean
    var = ((d0 * d0).sum(axis=1, keepdims=True)
           + (d1 * d1).sum(axis=1, keepdims=True)) / total
    scale = g_ref[...] * lax.rsqrt(var + 1e-5)
    h0 = _leaky(d0 * scale + b_ref[...])
    h1 = _leaky(d1 * scale + b_ref[...])
    out_ref[0] = h0
    out_ref[1] = h1
    hp_ref[pl.ds(0, N), :] = h0.T
    hp_ref[pl.ds(N, N), :] = h1.T
    hp_ref[pl.ds(2 * N, _BNP - 2 * N), :] = jnp.zeros(
        (_BNP - 2 * N, IC), jnp.float32)


def _prep_call(x3, wt, cb, g, b):
    return pl.pallas_call(
        _prep_body,
        out_shape=(jax.ShapeDtypeStruct((B, IC, N), jnp.float32),
                   jax.ShapeDtypeStruct((_BNP, IC), jnp.float32)),
    )(x3, wt, cb, g, b)



_BLK = 392


def _knn_body(h_ref, ht_ref, out_ref):
    hb = h_ref[...]
    ht = ht_ref[0]
    sq = jnp.sum(ht * ht, axis=0, keepdims=True)
    m = sq - 2.0 * lax.dot(hb, ht, preferred_element_type=jnp.float32)
    iota_n = lax.broadcasted_iota(jnp.int32, (_BLK, N), 1)
    base = pl.program_id(0) * N
    row = (pl.program_id(1) * _BLK
           + lax.broadcasted_iota(jnp.int32, (_BLK, 1), 0))
    cols = [row]
    m = jnp.where(iota_n == row, _BIG, m)
    for _ in range(K - 1):
        mn = jnp.min(m, axis=1, keepdims=True)
        eq = m == mn
        idxk = jnp.min(jnp.where(eq, iota_n, jnp.int32(N)),
                       axis=1, keepdims=True)
        cols.append(idxk)
        m = jnp.where(eq, _BIG, m)
    out_ref[0] = jnp.concatenate(cols, axis=1) + base


def _knn_call(hp, ht):
    return pl.pallas_call(
        _knn_body,
        grid=(B, N // _BLK),
        in_specs=[
            pl.BlockSpec((_BLK, IC), lambda bb, i: (bb * (N // _BLK) + i, 0)),
            pl.BlockSpec((1, IC, N), lambda bb, i: (bb, 0, 0)),
        ],
        out_specs=pl.BlockSpec((1, _BLK, K), lambda bb, i: (bb, i, 0)),
        out_shape=jax.ShapeDtypeStruct((B, N, K), jnp.int32),
    )(hp, ht)



_NW = 32
_NPW = 208
_BNP = _NW * _NPW
_CH = 104


def _gmean_call(hflat, idx4, c):
    mesh = plsc.VectorSubcoreMesh(core_axis_name="c", subcore_axis_name="s")

    @functools.partial(
        pl.kernel,
        mesh=mesh,
        compiler_params=pltpu.CompilerParams(use_tc_tiling_on_sc=False),
        out_type=jax.ShapeDtypeStruct((_BNP, c), jnp.float32),
        scratch_types=[
            pltpu.VMEM((K, _NPW // _CH, _CH), jnp.int32),
            pltpu.VMEM((_NPW, c), jnp.float32),
            pltpu.SemaphoreType.DMA,
        ],
    )
    def gmean(h_hbm, idx_hbm, out_hbm, idx_v, acc_v, sem):
        cid = lax.axis_index("c")
        sid = lax.axis_index("s")
        wid = sid * 2 + cid
        with jax.named_scope("gm_idx"):
            pltpu.sync_copy(idx_hbm.at[wid], idx_v)

        def zbody(i, carry):
            for j in range(c // 16):
                acc_v[i, pl.ds(j * 16, 16)] = jnp.zeros((16,), jnp.float32)
            return carry

        with jax.named_scope("gm_zero"):
            lax.fori_loop(0, _NPW, zbody, 0)
        with jax.named_scope("gm_gather"):
            cps = []
            for k in range(K):
                for ch in range(_NPW // _CH):
                    cps.append(pltpu.async_copy(
                        h_hbm.at[idx_v.at[k, ch]],
                        acc_v.at[pl.ds(ch * _CH, _CH)],
                        sem, add=True))
            for cp in cps:
                cp.wait()
        with jax.named_scope("gm_out"):
            pltpu.sync_copy(acc_v, out_hbm.at[pl.ds(wid * _NPW, _NPW)])

    return gmean(hflat, idx4)



_GBLK = 832


def _gc_body(h_ref, agg_ref, ws_ref, wn_ref, b_ref, out_ref):
    out = (lax.dot(h_ref[...], ws_ref[...], preferred_element_type=jnp.float32)
           + lax.dot(agg_ref[...], wn_ref[...],
                     preferred_element_type=jnp.float32)
           + b_ref[...])
    out_ref[...] = _leaky(out)


def _gc_call(h, agg, ws, wn, b):
    cin = ws.shape[0]
    cout = ws.shape[1]
    return pl.pallas_call(
        _gc_body,
        grid=(_BNP // _GBLK,),
        in_specs=[
            pl.BlockSpec((_GBLK, cin), lambda i: (i, 0)),
            pl.BlockSpec((_GBLK, cin), lambda i: (i, 0)),
            pl.BlockSpec((cin, cout), lambda i: (0, 0)),
            pl.BlockSpec((cin, cout), lambda i: (0, 0)),
            pl.BlockSpec((1, cout), lambda i: (0, 0)),
        ],
        out_specs=pl.BlockSpec((_GBLK, cout), lambda i: (i, 0)),
        out_shape=jax.ShapeDtypeStruct((_BNP, cout), jnp.float32),
    )(h, agg, ws, wn * (1.0 / K), b)



def kernel(x, conv_w, conv_b, bn_gamma, bn_beta, w_self1, w_neigh1, b1,
           w_self2, w_neigh2, b2, w_self3, w_neigh3, b3):
    x3 = x.reshape(B, IC, N)
    wt = conv_w.transpose(2, 3, 0, 1)
    ht, hp = _prep_call(x3, wt, conv_b.reshape(IC, 1),
                        bn_gamma.reshape(IC, 1),
                        bn_beta.reshape(IC, 1))
    gidx = _knn_call(hp, ht)
    idx4 = jnp.pad(gidx.reshape(BN, K), ((0, _BNP - BN), (0, 0))).reshape(
        _NW, _NPW // _CH, _CH, K).transpose(0, 3, 1, 2)

    agg1 = _gmean_call(hp, idx4, IC)
    h1 = _gc_call(hp, agg1, w_self1, w_neigh1, b1.reshape(1, IC))
    agg2 = _gmean_call(h1, idx4, IC)
    h2 = _gc_call(h1, agg2, w_self2, w_neigh2, b2.reshape(1, OC))
    agg3 = _gmean_call(h2, idx4, OC)
    h3 = _gc_call(h2, agg3, w_self3, w_neigh3, b3.reshape(1, OC))

    return h3[:BN].reshape(B, N, OC).transpose(0, 2, 1).reshape(B, OC, H, W)

# --- scband reference (transcript-rebuilt; emitter-appended) ---
"""Pipeline reference for scband-hpf-84894323572806 (READ-ONLY COPY).

The authoritative reference and input builder live on the scoring server;
editing this copy changes nothing except your own understanding.
"""

import jax, jax.numpy as jnp
import numpy as np

IC = 96
OC = 192
K = 8
B, H, W = 2, 56, 56


def setup_inputs(seed: int = 0) -> dict:
    key = jax.random.key(seed)
    ks = jax.random.split(key, 10)
    inp = {}
    inp["x"] = jax.random.normal(ks[0], (B, IC, H, W), dtype=jnp.float32)
    inp["conv_w"] = jax.random.normal(ks[1], (IC, IC, 3, 3), dtype=jnp.float32) * (1.0 / np.sqrt(IC * 9.0))
    inp["conv_b"] = jnp.zeros((IC,), dtype=jnp.float32)
    inp["bn_gamma"] = jnp.ones((IC,), dtype=jnp.float32)
    inp["bn_beta"] = jnp.zeros((IC,), dtype=jnp.float32)
    inp["w_self1"] = jax.random.normal(ks[2], (IC, IC), dtype=jnp.float32) * (1.0 / np.sqrt(IC))
    inp["w_neigh1"] = jax.random.normal(ks[3], (IC, IC), dtype=jnp.float32) * (1.0 / np.sqrt(IC))
    inp["b1"] = jnp.zeros((IC,), dtype=jnp.float32)
    inp["w_self2"] = jax.random.normal(ks[4], (IC, OC), dtype=jnp.float32) * (1.0 / np.sqrt(IC))
    inp["w_neigh2"] = jax.random.normal(ks[5], (IC, OC), dtype=jnp.float32) * (1.0 / np.sqrt(IC))
    inp["b2"] = jnp.zeros((OC,), dtype=jnp.float32)
    inp["w_self3"] = jax.random.normal(ks[6], (OC, OC), dtype=jnp.float32) * (1.0 / np.sqrt(OC))
    inp["w_neigh3"] = jax.random.normal(ks[7], (OC, OC), dtype=jnp.float32) * (1.0 / np.sqrt(OC))
    inp["b3"] = jnp.zeros((OC,), dtype=jnp.float32)
    return inp


def _leaky(v):
    return jnp.where(v >= 0, v, 0.05 * v)


def _gc(h_img, idx, w_self, w_neigh, b):
    Bq, C, Hq, Wq = h_img.shape
    N = Hq * Wq
    h = h_img.reshape(Bq, C, N).transpose(0, 2, 1)
    neigh = h[jnp.arange(Bq)[:, None, None], idx, :]
    agg = jnp.mean(neigh, axis=2)
    out = h @ w_self + agg @ w_neigh + b
    oc = w_self.shape[1]
    return out.transpose(0, 2, 1).reshape(Bq, oc, Hq, Wq)


def _forward(x, conv_w, conv_b, bn_gamma, bn_beta, w_self1, w_neigh1, b1, w_self2, w_neigh2, b2, w_self3, w_neigh3, b3):
    y = jax.lax.conv_general_dilated(x, conv_w, (1, 1), 'SAME', dimension_numbers=('NCHW', 'OIHW', 'NCHW'))
    y = y + conv_b[None, :, None, None]
    mean = jnp.mean(y, axis=(0, 2, 3), keepdims=True)
    var = jnp.var(y, axis=(0, 2, 3), keepdims=True)
    y = (y - mean) / jnp.sqrt(var + 1e-5)
    y = y * bn_gamma[None, :, None, None] + bn_beta[None, :, None, None]
    y = _leaky(y)
    Bq, C, Hq, Wq = y.shape
    N = Hq * Wq
    h = y.reshape(Bq, C, N).transpose(0, 2, 1)
    sq = jnp.sum(h * h, axis=-1)
    dist = sq[:, :, None] + sq[:, None, :] - 2.0 * jnp.einsum('bnc,bmc->bnm', h, h)
    _, idx = jax.lax.top_k(-dist, K)
    out = _leaky(_gc(y, idx, w_self1, w_neigh1, b1))
    out = _leaky(_gc(out, idx, w_self2, w_neigh2, b2))
    out = _leaky(_gc(out, idx, w_self3, w_neigh3, b3))
    return out


def reference(x, conv_w, conv_b, bn_gamma, bn_beta, w_self1, w_neigh1, b1, w_self2, w_neigh2, b2, w_self3, w_neigh3, b3):
    return _forward(x, conv_w, conv_b, bn_gamma, bn_beta, w_self1, w_neigh1, b1, w_self2, w_neigh2, b2, w_self3, w_neigh3, b3)

if __name__ == "__main__":
    import jax
    _d = setup_inputs()
    print(jax.jit(kernel)(*tuple(_d.values())))

</pallas_src>

<mosaic_0001>
#map = affine_map<(d0, d1) -> (0, 0)>
#map1 = affine_map<(d0, d1) -> (0, 0, 0, 0)>
module attributes {stable_mosaic.version = 14 : i64} {
  func.func @gmean(%arg0: i32, %arg1: i32, %arg2: memref<6656x96xf32, #tpu.memory_space<hbm>>, %arg3: memref<32x8x2x104xi32, #tpu.memory_space<hbm>>, %arg4: memref<6656x96xf32, #tpu.memory_space<hbm>>, %arg5: memref<8x2x104xi32, #tpu.memory_space<vmem>>, %arg6: memref<208x96xf32, #tpu.memory_space<vmem>>, %arg7: memref<!tpu.dma_semaphore, #tpu.memory_space<semaphore_mem>>) attributes {dimension_semantics = [#tpu.dimension_semantics<core_parallel>, #tpu.dimension_semantics<subcore_parallel>], iteration_bounds = array<i64: 2, 16>, scalar_prefetch = 0 : i64, scratch_operands = 3 : i64, tpu.core_type = #tpu.core_type<sc_vector_subcore>, window_params = [{transform_indices = #map}, {transform_indices = #map1}, {transform_indices = #map}]} {
    %mul3A = arith.constant 2 : i32
    %mul3A_0 = arith.muli %arg1, %mul3A : i32
    %add3A = arith.addi %mul3A_0, %arg0 : i32
    "tpu.trace_start"() <{level = 10 : i32, message = "gm_idx"}> : () -> ()
    "tpu.region"() ({
      %run_scoped3A = tpu.sem_alloc : memref<!tpu.dma_semaphore, #tpu.memory_space<semaphore_mem>>
      %dma_start3A_358 = arith.constant 0 : i32
      %dma_start3A_359 = arith.constant 0 : i32
      %dma_start3A_360 = arith.constant 0 : i32
      %dma_start3A_361 = tpu.memref_slice %arg3[%add3A, %dma_start3A_358, %dma_start3A_359, %dma_start3A_360] : memref<32x8x2x104xi32, #tpu.memory_space<hbm>> -> memref<1x8x2x104xi32, #tpu.memory_space<hbm>>
      %dma_start3A_362 = tpu.memref_squeeze %dma_start3A_361 : memref<1x8x2x104xi32, #tpu.memory_space<hbm>> -> memref<8x2x104xi32, #tpu.memory_space<hbm>>
      %dma_start3A_363 = arith.constant 0 : i32
      %dma_start3A_364 = arith.constant 0 : i32
      %dma_start3A_365 = arith.constant 0 : i32
      %dma_start3A_366 = tpu.memref_slice %arg3[%add3A, %dma_start3A_363, %dma_start3A_364, %dma_start3A_365] : memref<32x8x2x104xi32, #tpu.memory_space<hbm>> -> memref<1x8x2x104xi32, #tpu.memory_space<hbm>>
      %dma_start3A_367 = tpu.memref_squeeze %dma_start3A_366 : memref<1x8x2x104xi32, #tpu.memory_space<hbm>> -> memref<8x2x104xi32, #tpu.memory_space<hbm>>
      tpu.enqueue_dma source(%dma_start3A_367 : memref<8x2x104xi32, #tpu.memory_space<hbm>>) target(%arg5 : memref<8x2x104xi32, #tpu.memory_space<vmem>>) target_semaphore(%run_scoped3A : memref<!tpu.dma_semaphore, #tpu.memory_space<semaphore_mem>>)
      %dma_wait3A_368 = arith.constant 0 : i32
      %dma_wait3A_369 = arith.constant 0 : i32
      %dma_wait3A_370 = arith.constant 0 : i32
      %dma_wait3A_371 = tpu.memref_slice %arg3[%add3A, %dma_wait3A_368, %dma_wait3A_369, %dma_wait3A_370] : memref<32x8x2x104xi32, #tpu.memory_space<hbm>> -> memref<1x8x2x104xi32, #tpu.memory_space<hbm>>
      %dma_wait3A_372 = tpu.memref_squeeze %dma_wait3A_371 : memref<1x8x2x104xi32, #tpu.memory_space<hbm>> -> memref<8x2x104xi32, #tpu.memory_space<hbm>>
      %dma_wait3A_373 = arith.constant 0 : i32
      %dma_wait3A_374 = arith.constant 0 : i32
      %dma_wait3A_375 = arith.constant 0 : i32
      %dma_wait3A_376 = tpu.memref_slice %arg3[%add3A, %dma_wait3A_373, %dma_wait3A_374, %dma_wait3A_375] : memref<32x8x2x104xi32, #tpu.memory_space<hbm>> -> memref<1x8x2x104xi32, #tpu.memory_space<hbm>>
      %dma_wait3A_377 = tpu.memref_squeeze %dma_wait3A_376 : memref<1x8x2x104xi32, #tpu.memory_space<hbm>> -> memref<8x2x104xi32, #tpu.memory_space<hbm>>
      tpu.wait_dma2 semaphore(%run_scoped3A : memref<!tpu.dma_semaphore, #tpu.memory_space<semaphore_mem>>) src(%dma_wait3A_377 : memref<8x2x104xi32, #tpu.memory_space<hbm>>) dst(%arg5 : memref<8x2x104xi32, #tpu.memory_space<vmem>>)
      tpu.yield
    }) : () -> ()
    "tpu.trace_stop"() : () -> ()
    "tpu.trace_start"() <{level = 10 : i32, message = "gm_zero"}> : () -> ()
    %scan3A = arith.constant 0 : i32
    %scan3A_1 = arith.constant 0 : i32
    %scan3A_2 = arith.constant 208 : i32
    %scan3A_3 = arith.addi %scan3A_1, %scan3A_2 : i32
    %scan3A_4 = arith.constant 1 : i32
    scf.for %scan3A_358 = %scan3A_1 to %scan3A_3 step %scan3A_4  : i32 {
      %broadcast_in_dim3A = arith.constant 0.000000e+00 : f32
      %broadcast_in_dim3A_359 = vector.broadcast %broadcast_in_dim3A : f32 to vector<16xf32>
      %swap3A = arith.index_cast %scan3A_358 : i32 to index
      %swap3A_360 = arith.constant 0 : index
      %swap3A_361 = tpu.vector_load %arg6[%swap3A, %swap3A_360] {strides = array<i32>} : memref<208x96xf32, #tpu.memory_space<vmem>>, vector<1x16xf32>,
      %swap3A_362 = vector.shape_cast %swap3A_361 : vector<1x16xf32> to vector<16xf32>
      %swap3A_363 = vector.shape_cast %broadcast_in_dim3A_359 : vector<16xf32> to vector<1x16xf32>
      tpu.vector_store %arg6[%swap3A, %swap3A_360], %swap3A_363 {strides = array<i32>} : memref<208x96xf32, #tpu.memory_space<vmem>>, vector<1x16xf32>,
      %broadcast_in_dim3A_364 = arith.constant 0.000000e+00 : f32
      %broadcast_in_dim3A_365 = vector.broadcast %broadcast_in_dim3A_364 : f32 to vector<16xf32>
      %swap3A_366 = arith.index_cast %scan3A_358 : i32 to index
      %swap3A_367 = arith.constant 16 : index
      %swap3A_368 = tpu.vector_load %arg6[%swap3A_366, %swap3A_367] {strides = array<i32>} : memref<208x96xf32, #tpu.memory_space<vmem>>, vector<1x16xf32>,
      %swap3A_369 = vector.shape_cast %swap3A_368 : vector<1x16xf32> to vector<16xf32>
      %swap3A_370 = vector.shape_cast %broadcast_in_dim3A_365 : vector<16xf32> to vector<1x16xf32>
      tpu.vector_store %arg6[%swap3A_366, %swap3A_367], %swap3A_370 {strides = array<i32>} : memref<208x96xf32, #tpu.memory_space<vmem>>, vector<1x16xf32>,
      %broadcast_in_dim3A_371 = arith.constant 0.000000e+00 : f32
      %broadcast_in_dim3A_372 = vector.broadcast %broadcast_in_dim3A_371 : f32 to vector<16xf32>
      %swap3A_373 = arith.index_cast %scan3A_358 : i32 to index
      %swap3A_374 = arith.constant 32 : index
      %swap3A_375 = tpu.vector_load %arg6[%swap3A_373, %swap3A_374] {strides = array<i32>} : memref<208x96xf32, #tpu.memory_space<vmem>>, vector<1x16xf32>,
      %swap3A_376 = vector.shape_cast %swap3A_375 : vector<1x16xf32> to vector<16xf32>
      %swap3A_377 = vector.shape_cast %broadcast_in_dim3A_372 : vector<16xf32> to vector<1x16xf32>
      tpu.vector_store %arg6[%swap3A_373, %swap3A_374], %swap3A_377 {strides = array<i32>} : memref<208x96xf32, #tpu.memory_space<vmem>>, vector<1x16xf32>,
      %broadcast_in_dim3A_378 = arith.constant 0.000000e+00 : f32
      %broadcast_in_dim3A_379 = vector.broadcast %broadcast_in_dim3A_378 : f32 to vector<16xf32>
      %swap3A_380 = arith.index_cast %scan3A_358 : i32 to index
      %swap3A_381 = arith.constant 48 : index
      %swap3A_382 = tpu.vector_load %arg6[%swap3A_380, %swap3A_381] {strides = array<i32>} : memref<208x96xf32, #tpu.memory_space<vmem>>, vector<1x16xf32>,
      %swap3A_383 = vector.shape_cast %swap3A_382 : vector<1x16xf32> to vector<16xf32>
      %swap3A_384 = vector.shape_cast %broadcast_in_dim3A_379 : vector<16xf32> to vector<1x16xf32>
      tpu.vector_store %arg6[%swap3A_380, %swap3A_381], %swap3A_384 {strides = array<i32>} : memref<208x96xf32, #tpu.memory_space<vmem>>, vector<1x16xf32>,
      %broadcast_in_dim3A_385 = arith.constant 0.000000e+00 : f32
      %broadcast_in_dim3A_386 = vector.broadcast %broadcast_in_dim3A_385 : f32 to vector<16xf32>
      %swap3A_387 = arith.index_cast %scan3A_358 : i32 to index
      %swap3A_388 = arith.constant 64 : index
      %swap3A_389 = tpu.vector_load %arg6[%swap3A_387, %swap3A_388] {strides = array<i32>} : memref<208x96xf32, #tpu.memory_space<vmem>>, vector<1x16xf32>,
      %swap3A_390 = vector.shape_cast %swap3A_389 : vector<1x16xf32> to vector<16xf32>
      %swap3A_391 = vector.shape_cast %broadcast_in_dim3A_386 : vector<16xf32> to vector<1x16xf32>
      tpu.vector_store %arg6[%swap3A_387, %swap3A_388], %swap3A_391 {strides = array<i32>} : memref<208x96xf32, #tpu.memory_space<vmem>>, vector<1x16xf32>,
      %broadcast_in_dim3A_392 = arith.constant 0.000000e+00 : f32
      %broadcast_in_dim3A_393 = vector.broadcast %broadcast_in_dim3A_392 : f32 to vector<16xf32>
      %swap3A_394 = arith.index_cast %scan3A_358 : i32 to index
      %swap3A_395 = arith.constant 80 : index
      %swap3A_396 = tpu.vector_load %arg6[%swap3A_394, %swap3A_395] {strides = array<i32>} : memref<208x96xf32, #tpu.memory_space<vmem>>, vector<1x16xf32>,
      %swap3A_397 = vector.shape_cast %swap3A_396 : vector<1x16xf32> to vector<16xf32>
      %swap3A_398 = vector.shape_cast %broadcast_in_dim3A_393 : vector<16xf32> to vector<1x16xf32>
      tpu.vector_store %arg6[%swap3A_394, %swap3A_395], %swap3A_398 {strides = array<i32>} : memref<208x96xf32, #tpu.memory_space<vmem>>, vector<1x16xf32>,
    }
    %scan3A_5 = arith.constant 208 : i32
    %dma_start3A = arith.constant 0 : i32
    %dma_start3A_6 = arith.constant 0 : i32
    "tpu.trace_stop"() : () -> ()
    "tpu.trace_start"() <{level = 10 : i32, message = "gm_gather"}> : () -> ()
    %dma_start3A_7 = arith.constant 0 : i32
    %dma_start3A_8 = arith.constant 0 : i32
    %dma_start3A_9 = tpu.memref_slice %arg6[%dma_start3A_7, %dma_start3A_8] : memref<208x96xf32, #tpu.memory_space<vmem>> -> memref<104x96xf32, #tpu.memory_space<vmem>>
    %dma_start3A_10 = arith.constant 0 : i32
    %dma_start3A_11 = tpu.memref_slice %arg5[%dma_start3A, %dma_start3A_6, %dma_start3A_10] : memref<8x2x104xi32, #tpu.memory_space<vmem>> -> memref<1x1x104xi32, #tpu.memory_space<vmem>>
    %dma_start3A_12 = tpu.memref_squeeze %dma_start3A_11 : memref<1x1x104xi32, #tpu.memory_space<vmem>> -> memref<104xi32, #tpu.memory_space<vmem>>
    %dma_start3A_13 = arith.constant 0 : i32
    %dma_start3A_14 = arith.constant 0 : i32
    %dma_start3A_15 = tpu.memref_slice %arg2[%dma_start3A_13, %dma_start3A_14] : memref<6656x96xf32, #tpu.memory_space<hbm>> -> memref<6656x96xf32, #tpu.memory_space<hbm>>
    tpu.enqueue_indirect_dma source(%dma_start3A_15 : memref<6656x96xf32, #tpu.memory_space<hbm>>) target(%dma_start3A_9 : memref<104x96xf32, #tpu.memory_space<vmem>>) offsets(%dma_start3A_12 : memref<104xi32, #tpu.memory_space<vmem>>) semaphore(%arg7 : memref<!tpu.dma_semaphore, #tpu.memory_space<semaphore_mem>>) {add = true}
    %dma_start3A_16 = arith.constant 0 : i32
    %dma_start3A_17 = arith.constant 1 : i32
    %dma_start3A_18 = arith.constant 104 : i32
    %dma_start3A_19 = arith.constant 0 : i32
    %dma_start3A_20 = tpu.memref_slice %arg6[%dma_start3A_18, %dma_start3A_19] : memref<208x96xf32, #tpu.memory_space<vmem>> -> memref<104x96xf32, #tpu.memory_space<vmem>>
    %dma_start3A_21 = arith.constant 0 : i32
    %dma_start3A_22 = tpu.memref_slice %arg5[%dma_start3A_16, %dma_start3A_17, %dma_start3A_21] : memref<8x2x104xi32, #tpu.memory_space<vmem>> -> memref<1x1x104xi32, #tpu.memory_space<vmem>>
    %dma_start3A_23 = tpu.memref_squeeze %dma_start3A_22 : memref<1x1x104xi32, #tpu.memory_space<vmem>> -> memref<104xi32, #tpu.memory_space<vmem>>
    %dma_start3A_24 = arith.constant 0 : i32
    %dma_start3A_25 = arith.constant 0 : i32
    %dma_start3A_26 = tpu.memref_slice %arg2[%dma_start3A_24, %dma_start3A_25] : memref<6656x96xf32, #tpu.memory_space<hbm>> -> memref<6656x96xf32, #tpu.memory_space<hbm>>
    tpu.enqueue_indirect_dma source(%dma_start3A_26 : memref<6656x96xf32, #tpu.memory_space<hbm>>) target(%dma_start3A_20 : memref<104x96xf32, #tpu.memory_space<vmem>>) offsets(%dma_start3A_23 : memref<104xi32, #tpu.memory_space<vmem>>) semaphore(%arg7 : memref<!tpu.dma_semaphore, #tpu.memory_space<semaphore_mem>>) {add = true}
    %dma_start3A_27 = arith.constant 1 : i32
    %dma_start3A_28 = arith.constant 0 : i32
    %dma_start3A_29 = arith.constant 0 : i32
    %dma_start3A_30 = arith.constant 0 : i32
    %dma_start3A_31 = tpu.memref_slice %arg6[%dma_start3A_29, %dma_start3A_30] : memref<208x96xf32, #tpu.memory_space<vmem>> -> memref<104x96xf32, #tpu.memory_space<vmem>>
    %dma_start3A_32 = arith.constant 0 : i32
    %dma_start3A_33 = tpu.memref_slice %arg5[%dma_start3A_27, %dma_start3A_28, %dma_start3A_32] : memref<8x2x104xi32, #tpu.memory_space<vmem>> -> memref<1x1x104xi32, #tpu.memory_space<vmem>>
    %dma_start3A_34 = tpu.memref_squeeze %dma_start3A_33 : memref<1x1x104xi32, #tpu.memory_space<vmem>> -> memref<104xi32, #tpu.memory_space<vmem>>
    %dma_start3A_35 = arith.constant 0 : i32
    %dma_start3A_36 = arith.constant 0 : i32
    %dma_start3A_37 = tpu.memref_slice %arg2[%dma_start3A_35, %dma_start3A_36] : memref<6656x96xf32, #tpu.memory_space<hbm>> -> memref<6656x96xf32, #tpu.memory_space<hbm>>
    tpu.enqueue_indirect_dma source(%dma_start3A_37 : memref<6656x96xf32, #tpu.memory_space<hbm>>) target(%dma_start3A_31 : memref<104x96xf32, #tpu.memory_space<vmem>>) offsets(%dma_start3A_34 : memref<104xi32, #tpu.memory_space<vmem>>) semaphore(%arg7 : memref<!tpu.dma_semaphore, #tpu.memory_space<semaphore_mem>>) {add = true}
    %dma_start3A_38 = arith.constant 1 : i32
    %dma_start3A_39 = arith.constant 1 : i32
    %dma_start3A_40 = arith.constant 104 : i32
    %dma_start3A_41 = arith.constant 0 : i32
    %dma_start3A_42 = tpu.memref_slice %arg6[%dma_start3A_40, %dma_start3A_41] : memref<208x96xf32, #tpu.memory_space<vmem>> -> memref<104x96xf32, #tpu.memory_space<vmem>>
    %dma_start3A_43 = arith.constant 0 : i32
    %dma_start3A_44 = tpu.memref_slice %arg5[%dma_start3A_38, %dma_start3A_39, %dma_start3A_43] : memref<8x2x104xi32, #tpu.memory_space<vmem>> -> memref<1x1x104xi32, #tpu.memory_space<vmem>>
    %dma_start3A_45 = tpu.memref_squeeze %dma_start3A_44 : memref<1x1x104xi32, #tpu.memory_space<vmem>> -> memref<104xi32, #tpu.memory_space<vmem>>
    %dma_start3A_46 = arith.constant 0 : i32
    %dma_start3A_47 = arith.constant 0 : i32
    %dma_start3A_48 = tpu.memref_slice %arg2[%dma_start3A_46, %dma_start3A_47] : memref<6656x96xf32, #tpu.memory_space<hbm>> -> memref<6656x96xf32, #tpu.memory_space<hbm>>
    tpu.enqueue_indirect_dma source(%dma_start3A_48 : memref<6656x96xf32, #tpu.memory_space<hbm>>) target(%dma_start3A_42 : memref<104x96xf32, #tpu.memory_space<vmem>>) offsets(%dma_start3A_45 : memref<104xi32, #tpu.memory_space<vmem>>) semaphore(%arg7 : memref<!tpu.dma_semaphore, #tpu.memory_space<semaphore_mem>>) {add = true}
    %dma_start3A_49 = arith.constant 2 : i32
    %dma_start3A_50 = arith.constant 0 : i32
    %dma_start3A_51 = arith.constant 0 : i32
    %dma_start3A_52 = arith.constant 0 : i32
    %dma_start3A_53 = tpu.memref_slice %arg6[%dma_start3A_51, %dma_start3A_52] : memref<208x96xf32, #tpu.memory_space<vmem>> -> memref<104x96xf32, #tpu.memory_space<vmem>>
    %dma_start3A_54 = arith.constant 0 : i32
    %dma_start3A_55 = tpu.memref_slice %arg5[%dma_start3A_49, %dma_start3A_50, %dma_start3A_54] : memref<8x2x104xi32, #tpu.memory_space<vmem>> -> memref<1x1x104xi32, #tpu.memory_space<vmem>>
    %dma_start3A_56 = tpu.memref_squeeze %dma_start3A_55 : memref<1x1x104xi32, #tpu.memory_space<vmem>> -> memref<104xi32, #tpu.memory_space<vmem>>
    %dma_start3A_57 = arith.constant 0 : i32
    %dma_start3A_58 = arith.constant 0 : i32
    %dma_start3A_59 = tpu.memref_slice %arg2[%dma_start3A_57, %dma_start3A_58] : memref<6656x96xf32, #tpu.memory_space<hbm>> -> memref<6656x96xf32, #tpu.memory_space<hbm>>
    tpu.enqueue_indirect_dma source(%dma_start3A_59 : memref<6656x96xf32, #tpu.memory_space<hbm>>) target(%dma_start3A_53 : memref<104x96xf32, #tpu.memory_space<vmem>>) offsets(%dma_start3A_56 : memref<104xi32, #tpu.memory_space<vmem>>) semaphore(%arg7 : memref<!tpu.dma_semaphore, #tpu.memory_space<semaphore_mem>>) {add = true}
    %dma_start3A_60 = arith.constant 2 : i32
    %dma_start3A_61 = arith.constant 1 : i32
    %dma_start3A_62 = arith.constant 104 : i32
    %dma_start3A_63 = arith.constant 0 : i32
    %dma_start3A_64 = tpu.memref_slice %arg6[%dma_start3A_62, %dma_start3A_63] : memref<208x96xf32, #tpu.memory_space<vmem>> -> memref<104x96xf32, #tpu.memory_space<vmem>>
    %dma_start3A_65 = arith.constant 0 : i32
    %dma_start3A_66 = tpu.memref_slice %arg5[%dma_start3A_60, %dma_start3A_61, %dma_start3A_65] : memref<8x2x104xi32, #tpu.memory_space<vmem>> -> memref<1x1x104xi32, #tpu.memory_space<vmem>>
    %dma_start3A_67 = tpu.memref_squeeze %dma_start3A_66 : memref<1x1x104xi32, #tpu.memory_space<vmem>> -> memref<104xi32, #tpu.memory_space<vmem>>
    %dma_start3A_68 = arith.constant 0 : i32
    %dma_start3A_69 = arith.constant 0 : i32
    %dma_start3A_70 = tpu.memref_slice %arg2[%dma_start3A_68, %dma_start3A_69] : memref<6656x96xf32, #tpu.memory_space<hbm>> -> memref<6656x96xf32, #tpu.memory_space<hbm>>
    tpu.enqueue_indirect_dma source(%dma_start3A_70 : memref<6656x96xf32, #tpu.memory_space<hbm>>) target(%dma_start3A_64 : memref<104x96xf32, #tpu.memory_space<vmem>>) offsets(%dma_start3A_67 : memref<104xi32, #tpu.memory_space<vmem>>) semaphore(%arg7 : memref<!tpu.dma_semaphore, #tpu.memory_space<semaphore_mem>>) {add = true}
    %dma_start3A_71 = arith.constant 3 : i32
    %dma_start3A_72 = arith.constant 0 : i32
    %dma_start3A_73 = arith.constant 0 : i32
    %dma_start3A_74 = arith.constant 0 : i32
    %dma_start3A_75 = tpu.memref_slice %arg6[%dma_start3A_73, %dma_start3A_74] : memref<208x96xf32, #tpu.memory_space<vmem>> -> memref<104x96xf32, #tpu.memory_space<vmem>>
    %dma_start3A_76 = arith.constant 0 : i32
    %dma_start3A_77 = tpu.memref_slice %arg5[%dma_start3A_71, %dma_start3A_72, %dma_start3A_76] : memref<8x2x104xi32, #tpu.memory_space<vmem>> -> memref<1x1x104xi32, #tpu.memory_space<vmem>>
    %dma_start3A_78 = tpu.memref_squeeze %dma_start3A_77 : memref<1x1x104xi32, #tpu.memory_space<vmem>> -> memref<104xi32, #tpu.memory_space<vmem>>
    %dma_start3A_79 = arith.constant 0 : i32
    %dma_start3A_80 = arith.constant 0 : i32
    %dma_start3A_81 = tpu.memref_slice %arg2[%dma_start3A_79, %dma_start3A_80] : memref<6656x96xf32, #tpu.memory_space<hbm>> -> memref<6656x96xf32, #tpu.memory_space<hbm>>
    tpu.enqueue_indirect_dma source(%dma_start3A_81 : memref<6656x96xf32, #tpu.memory_space<hbm>>) target(%dma_start3A_75 : memref<104x96xf32, #tpu.memory_space<vmem>>) offsets(%dma_start3A_78 : memref<104xi32, #tpu.memory_space<vmem>>) semaphore(%arg7 : memref<!tpu.dma_semaphore, #tpu.memory_space<semaphore_mem>>) {add = true}
    %dma_start3A_82 = arith.constant 3 : i32
    %dma_start3A_83 = arith.constant 1 : i32
    %dma_start3A_84 = arith.constant 104 : i32
    %dma_start3A_85 = arith.constant 0 : i32
    %dma_start3A_86 = tpu.memref_slice %arg6[%dma_start3A_84, %dma_start3A_85] : memref<208x96xf32, #tpu.memory_space<vmem>> -> memref<104x96xf32, #tpu.memory_space<vmem>>
    %dma_start3A_87 = arith.constant 0 : i32
    %dma_start3A_88 = tpu.memref_slice %arg5[%dma_start3A_82, %dma_start3A_83, %dma_start3A_87] : memref<8x2x104xi32, #tpu.memory_space<vmem>> -> memref<1x1x104xi32, #tpu.memory_space<vmem>>
    %dma_start3A_89 = tpu.memref_squeeze %dma_start3A_88 : memref<1x1x104xi32, #tpu.memory_space<vmem>> -> memref<104xi32, #tpu.memory_space<vmem>>
    %dma_start3A_90 = arith.constant 0 : i32
    %dma_start3A_91 = arith.constant 0 : i32
    %dma_start3A_92 = tpu.memref_slice %arg2[%dma_start3A_90, %dma_start3A_91] : memref<6656x96xf32, #tpu.memory_space<hbm>> -> memref<6656x96xf32, #tpu.memory_space<hbm>>
    tpu.enqueue_indirect_dma source(%dma_start3A_92 : memref<6656x96xf32, #tpu.memory_space<hbm>>) target(%dma_start3A_86 : memref<104x96xf32, #tpu.memory_space<vmem>>) offsets(%dma_start3A_89 : memref<104xi32, #tpu.memory_space<vmem>>) semaphore(%arg7 : memref<!tpu.dma_semaphore, #tpu.memory_space<semaphore_mem>>) {add = true}
    %dma_start3A_93 = arith.constant 4 : i32
    %dma_start3A_94 = arith.constant 0 : i32
    %dma_start3A_95 = arith.constant 0 : i32
    %dma_start3A_96 = arith.constant 0 : i32
    %dma_start3A_97 = tpu.memref_slice %arg6[%dma_start3A_95, %dma_start3A_96] : memref<208x96xf32, #tpu.memory_space<vmem>> -> memref<104x96xf32, #tpu.memory_space<vmem>>
    %dma_start3A_98 = arith.constant 0 : i32
    %dma_start3A_99 = tpu.memref_slice %arg5[%dma_start3A_93, %dma_start3A_94, %dma_start3A_98] : memref<8x2x104xi32, #tpu.memory_space<vmem>> -> memref<1x1x104xi32, #tpu.memory_space<vmem>>
    %dma_start3A_100 = tpu.memref_squeeze %dma_start3A_99 : memref<1x1x104xi32, #tpu.memory_space<vmem>> -> memref<104xi32, #tpu.memory_space<vmem>>
    %dma_start3A_101 = arith.constant 0 : i32
    %dma_start3A_102 = arith.constant 0 : i32
    %dma_start3A_103 = tpu.memref_slice %arg2[%dma_start3A_101, %dma_start3A_102] : memref<6656x96xf32, #tpu.memory_space<hbm>> -> memref<6656x96xf32, #tpu.memory_space<hbm>>
    tpu.enqueue_indirect_dma source(%dma_start3A_103 : memref<6656x96xf32, #tpu.memory_space<hbm>>) target(%dma_start3A_97 : memref<104x96xf32, #tpu.memory_space<vmem>>) offsets(%dma_start3A_100 : memref<104xi32, #tpu.memory_space<vmem>>) semaphore(%arg7 : memref<!tpu.dma_semaphore, #tpu.memory_space<semaphore_mem>>) {add = true}
    %dma_start3A_104 = arith.constant 4 : i32
    %dma_start3A_105 = arith.constant 1 : i32
    %dma_start3A_106 = arith.constant 104 : i32
    %dma_start3A_107 = arith.constant 0 : i32
    %dma_start3A_108 = tpu.memref_slice %arg6[%dma_start3A_106, %dma_start3A_107] : memref<208x96xf32, #tpu.memory_space<vmem>> -> memref<104x96xf32, #tpu.memory_space<vmem>>
    %dma_start3A_109 = arith.constant 0 : i32
    %dma_start3A_110 = tpu.memref_slice %arg5[%dma_start3A_104, %dma_start3A_105, %dma_start3A_109] : memref<8x2x104xi32, #tpu.memory_space<vmem>> -> memref<1x1x104xi32, #tpu.memory_space<vmem>>
    %dma_start3A_111 = tpu.memref_squeeze %dma_start3A_110 : memref<1x1x104xi32, #tpu.memory_space<vmem>> -> memref<104xi32, #tpu.memory_space<vmem>>
    %dma_start3A_112 = arith.constant 0 : i32
    %dma_start3A_113 = arith.constant 0 : i32
    %dma_start3A_114 = tpu.memref_slice %arg2[%dma_start3A_112, %dma_start3A_113] : memref<6656x96xf32, #tpu.memory_space<hbm>> -> memref<6656x96xf32, #tpu.memory_space<hbm>>
    tpu.enqueue_indirect_dma source(%dma_start3A_114 : memref<6656x96xf32, #tpu.memory_space<hbm>>) target(%dma_start3A_108 : memref<104x96xf32, #tpu.memory_space<vmem>>) offsets(%dma_start3A_111 : memref<104xi32, #tpu.memory_space<vmem>>) semaphore(%arg7 : memref<!tpu.dma_semaphore, #tpu.memory_space<semaphore_mem>>) {add = true}
    %dma_start3A_115 = arith.constant 5 : i32
    %dma_start3A_116 = arith.constant 0 : i32
    %dma_start3A_117 = arith.constant 0 : i32
    %dma_start3A_118 = arith.constant 0 : i32
    %dma_start3A_119 = tpu.memref_slice %arg6[%dma_start3A_117, %dma_start3A_118] : memref<208x96xf32, #tpu.memory_space<vmem>> -> memref<104x96xf32, #tpu.memory_space<vmem>>
    %dma_start3A_120 = arith.constant 0 : i32
    %dma_start3A_121 = tpu.memref_slice %arg5[%dma_start3A_115, %dma_start3A_116, %dma_start3A_120] : memref<8x2x104xi32, #tpu.memory_space<vmem>> -> memref<1x1x104xi32, #tpu.memory_space<vmem>>
    %dma_start3A_122 = tpu.memref_squeeze %dma_start3A_121 : memref<1x1x104xi32, #tpu.memory_space<vmem>> -> memref<104xi32, #tpu.memory_space<vmem>>
    %dma_start3A_123 = arith.constant 0 : i32
    %dma_start3A_124 = arith.constant 0 : i32
    %dma_start3A_125 = tpu.memref_slice %arg2[%dma_start3A_123, %dma_start3A_124] : memref<6656x96xf32, #tpu.memory_space<hbm>> -> memref<6656x96xf32, #tpu.memory_space<hbm>>
    tpu.enqueue_indirect_dma source(%dma_start3A_125 : memref<6656x96xf32, #tpu.memory_space<hbm>>) target(%dma_start3A_119 : memref<104x96xf32, #tpu.memory_space<vmem>>) offsets(%dma_start3A_122 : memref<104xi32, #tpu.memory_space<vmem>>) semaphore(%arg7 : memref<!tpu.dma_semaphore, #tpu.memory_space<semaphore_mem>>) {add = true}
    %dma_start3A_126 = arith.constant 5 : i32
    %dma_start3A_127 = arith.constant 1 : i32
    %dma_start3A_128 = arith.constant 104 : i32
    %dma_start3A_129 = arith.constant 0 : i32
    %dma_start3A_130 = tpu.memref_slice %arg6[%dma_start3A_128, %dma_start3A_129] : memref<208x96xf32, #tpu.memory_space<vmem>> -> memref<104x96xf32, #tpu.memory_space<vmem>>
    %dma_start3A_131 = arith.constant 0 : i32
    %dma_start3A_132 = tpu.memref_slice %arg5[%dma_start3A_126, %dma_start3A_127, %dma_start3A_131] : memref<8x2x104xi32, #tpu.memory_space<vmem>> -> memref<1x1x104xi32, #tpu.memory_space<vmem>>
    %dma_start3A_133 = tpu.memref_squeeze %dma_start3A_132 : memref<1x1x104xi32, #tpu.memory_space<vmem>> -> memref<104xi32, #tpu.memory_space<vmem>>
    %dma_start3A_134 = arith.constant 0 : i32
    %dma_start3A_135 = arith.constant 0 : i32
    %dma_start3A_136 = tpu.memref_slice %arg2[%dma_start3A_134, %dma_start3A_135] : memref<6656x96xf32, #tpu.memory_space<hbm>> -> memref<6656x96xf32, #tpu.memory_space<hbm>>
    tpu.enqueue_indirect_dma source(%dma_start3A_136 : memref<6656x96xf32, #tpu.memory_space<hbm>>) target(%dma_start3A_130 : memref<104x96xf32, #tpu.memory_space<vmem>>) offsets(%dma_start3A_133 : memref<104xi32, #tpu.memory_space<vmem>>) semaphore(%arg7 : memref<!tpu.dma_semaphore, #tpu.memory_space<semaphore_mem>>) {add = true}
    %dma_start3A_137 = arith.constant 6 : i32
    %dma_start3A_138 = arith.constant 0 : i32
    %dma_start3A_139 = arith.constant 0 : i32
    %dma_start3A_140 = arith.constant 0 : i32
    %dma_start3A_141 = tpu.memref_slice %arg6[%dma_start3A_139, %dma_start3A_140] : memref<208x96xf32, #tpu.memory_space<vmem>> -> memref<104x96xf32, #tpu.memory_space<vmem>>
    %dma_start3A_142 = arith.constant 0 : i32
    %dma_start3A_143 = tpu.memref_slice %arg5[%dma_start3A_137, %dma_start3A_138, %dma_start3A_142] : memref<8x2x104xi32, #tpu.memory_space<vmem>> -> memref<1x1x104xi32, #tpu.memory_space<vmem>>
    %dma_start3A_144 = tpu.memref_squeeze %dma_start3A_143 : memref<1x1x104xi32, #tpu.memory_space<vmem>> -> memref<104xi32, #tpu.memory_space<vmem>>
    %dma_start3A_145 = arith.constant 0 : i32
    %dma_start3A_146 = arith.constant 0 : i32
    %dma_start3A_147 = tpu.memref_slice %arg2[%dma_start3A_145, %dma_start3A_146] : memref<6656x96xf32, #tpu.memory_space<hbm>> -> memref<6656x96xf32, #tpu.memory_space<hbm>>
    tpu.enqueue_indirect_dma source(%dma_start3A_147 : memref<6656x96xf32, #tpu.memory_space<hbm>>) target(%dma_start3A_141 : memref<104x96xf32, #tpu.memory_space<vmem>>) offsets(%dma_start3A_144 : memref<104xi32, #tpu.memory_space<vmem>>) semaphore(%arg7 : memref<!tpu.dma_semaphore, #tpu.memory_space<semaphore_mem>>) {add = true}
    %dma_start3A_148 = arith.constant 6 : i32
    %dma_start3A_149 = arith.constant 1 : i32
    %dma_start3A_150 = arith.constant 104 : i32
    %dma_start3A_151 = arith.constant 0 : i32
    %dma_start3A_152 = tpu.memref_slice %arg6[%dma_start3A_150, %dma_start3A_151] : memref<208x96xf32, #tpu.memory_space<vmem>> -> memref<104x96xf32, #tpu.memory_space<vmem>>
    %dma_start3A_153 = arith.constant 0 : i32
    %dma_start3A_154 = tpu.memref_slice %arg5[%dma_start3A_148, %dma_start3A_149, %dma_start3A_153] : memref<8x2x104xi32, #tpu.memory_space<vmem>> -> memref<1x1x104xi32, #tpu.memory_space<vmem>>
    %dma_start3A_155 = tpu.memref_squeeze %dma_start3A_154 : memref<1x1x104xi32, #tpu.memory_space<vmem>> -> memref<104xi32, #tpu.memory_space<vmem>>
    %dma_start3A_156 = arith.constant 0 : i32
    %dma_start3A_157 = arith.constant 0 : i32
    %dma_start3A_158 = tpu.memref_slice %arg2[%dma_start3A_156, %dma_start3A_157] : memref<6656x96xf32, #tpu.memory_space<hbm>> -> memref<6656x96xf32, #tpu.memory_space<hbm>>
    tpu.enqueue_indirect_dma source(%dma_start3A_158 : memref<6656x96xf32, #tpu.memory_space<hbm>>) target(%dma_start3A_152 : memref<104x96xf32, #tpu.memory_space<vmem>>) offsets(%dma_start3A_155 : memref<104xi32, #tpu.memory_space<vmem>>) semaphore(%arg7 : memref<!tpu.dma_semaphore, #tpu.memory_space<semaphore_mem>>) {add = true}
    %dma_start3A_159 = arith.constant 7 : i32
    %dma_start3A_160 = arith.constant 0 : i32
    %dma_start3A_161 = arith.constant 0 : i32
    %dma_start3A_162 = arith.constant 0 : i32
    %dma_start3A_163 = tpu.memref_slice %arg6[%dma_start3A_161, %dma_start3A_162] : memref<208x96xf32, #tpu.memory_space<vmem>> -> memref<104x96xf32, #tpu.memory_space<vmem>>
    %dma_start3A_164 = arith.constant 0 : i32
    %dma_start3A_165 = tpu.memref_slice %arg5[%dma_start3A_159, %dma_start3A_160, %dma_start3A_164] : memref<8x2x104xi32, #tpu.memory_space<vmem>> -> memref<1x1x104xi32, #tpu.memory_space<vmem>>
    %dma_start3A_166 = tpu.memref_squeeze %dma_start3A_165 : memref<1x1x104xi32, #tpu.memory_space<vmem>> -> memref<104xi32, #tpu.memory_space<vmem>>
    %dma_start3A_167 = arith.constant 0 : i32
    %dma_start3A_168 = arith.constant 0 : i32
    %dma_start3A_169 = tpu.memref_slice %arg2[%dma_start3A_167, %dma_start3A_168] : memref<6656x96xf32, #tpu.memory_space<hbm>> -> memref<6656x96xf32, #tpu.memory_space<hbm>>
    tpu.enqueue_indirect_dma source(%dma_start3A_169 : memref<6656x96xf32, #tpu.memory_space<hbm>>) target(%dma_start3A_163 : memref<104x96xf32, #tpu.memory_space<vmem>>) offsets(%dma_start3A_166 : memref<104xi32, #tpu.memory_space<vmem>>) semaphore(%arg7 : memref<!tpu.dma_semaphore, #tpu.memory_space<semaphore_mem>>) {add = true}
    %dma_start3A_170 = arith.constant 7 : i32
    %dma_start3A_171 = arith.constant 1 : i32
    %dma_start3A_172 = arith.constant 104 : i32
    %dma_start3A_173 = arith.constant 0 : i32
    %dma_start3A_174 = tpu.memref_slice %arg6[%dma_start3A_172, %dma_start3A_173] : memref<208x96xf32, #tpu.memory_space<vmem>> -> memref<104x96xf32, #tpu.memory_space<vmem>>
    %dma_start3A_175 = arith.constant 0 : i32
    %dma_start3A_176 = tpu.memref_slice %arg5[%dma_start3A_170, %dma_start3A_171, %dma_start3A_175] : memref<8x2x104xi32, #tpu.memory_space<vmem>> -> memref<1x1x104xi32, #tpu.memory_space<vmem>>
    %dma_start3A_177 = tpu.memref_squeeze %dma_start3A_176 : memref<1x1x104xi32, #tpu.memory_space<vmem>> -> memref<104xi32, #tpu.memory_space<vmem>>
    %dma_start3A_178 = arith.constant 0 : i32
    %dma_start3A_179 = arith.constant 0 : i32
    %dma_start3A_180 = tpu.memref_slice %arg2[%dma_start3A_178, %dma_start3A_179] : memref<6656x96xf32, #tpu.memory_space<hbm>> -> memref<6656x96xf32, #tpu.memory_space<hbm>>
    tpu.enqueue_indirect_dma source(%dma_start3A_180 : memref<6656x96xf32, #tpu.memory_space<hbm>>) target(%dma_start3A_174 : memref<104x96xf32, #tpu.memory_space<vmem>>) offsets(%dma_start3A_177 : memref<104xi32, #tpu.memory_space<vmem>>) semaphore(%arg7 : memref<!tpu.dma_semaphore, #tpu.memory_space<semaphore_mem>>) {add = true}
    %dma_wait3A = arith.constant 0 : i32
    %dma_wait3A_181 = arith.constant 0 : i32
    %dma_wait3A_182 = arith.constant 0 : i32
    %dma_wait3A_183 = arith.constant 0 : i32
    %dma_wait3A_184 = tpu.memref_slice %arg6[%dma_wait3A_182, %dma_wait3A_183] : memref<208x96xf32, #tpu.memory_space<vmem>> -> memref<104x96xf32, #tpu.memory_space<vmem>>
    %dma_wait3A_185 = arith.constant 0 : i32
    %dma_wait3A_186 = tpu.memref_slice %arg5[%dma_wait3A, %dma_wait3A_181, %dma_wait3A_185] : memref<8x2x104xi32, #tpu.memory_space<vmem>> -> memref<1x1x104xi32, #tpu.memory_space<vmem>>
    %dma_wait3A_187 = tpu.memref_squeeze %dma_wait3A_186 : memref<1x1x104xi32, #tpu.memory_space<vmem>> -> memref<104xi32, #tpu.memory_space<vmem>>
    %dma_wait3A_188 = arith.constant 0 : i32
    %dma_wait3A_189 = arith.constant 0 : i32
    %dma_wait3A_190 = tpu.memref_slice %arg2[%dma_wait3A_188, %dma_wait3A_189] : memref<6656x96xf32, #tpu.memory_space<hbm>> -> memref<6656x96xf32, #tpu.memory_space<hbm>>
    tpu.wait_indirect_dma semaphore(%arg7 : memref<!tpu.dma_semaphore, #tpu.memory_space<semaphore_mem>>) src(%dma_wait3A_190 : memref<6656x96xf32, #tpu.memory_space<hbm>>) dst(%dma_wait3A_184 : memref<104x96xf32, #tpu.memory_space<vmem>>)
    %dma_wait3A_191 = arith.constant 0 : i32
    %dma_wait3A_192 = arith.constant 1 : i32
    %dma_wait3A_193 = arith.constant 104 : i32
    %dma_wait3A_194 = arith.constant 0 : i32
    %dma_wait3A_195 = tpu.memref_slice %arg6[%dma_wait3A_193, %dma_wait3A_194] : memref<208x96xf32, #tpu.memory_space<vmem>> -> memref<104x96xf32, #tpu.memory_space<vmem>>
    %dma_wait3A_196 = arith.constant 0 : i32
    %dma_wait3A_197 = tpu.memref_slice %arg5[%dma_wait3A_191, %dma_wait3A_192, %dma_wait3A_196] : memref<8x2x104xi32, #tpu.memory_space<vmem>> -> memref<1x1x104xi32, #tpu.memory_space<vmem>>
    %dma_wait3A_198 = tpu.memref_squeeze %dma_wait3A_197 : memref<1x1x104xi32, #tpu.memory_space<vmem>> -> memref<104xi32, #tpu.memory_space<vmem>>
    %dma_wait3A_199 = arith.constant 0 : i32
    %dma_wait3A_200 = arith.constant 0 : i32
    %dma_wait3A_201 = tpu.memref_slice %arg2[%dma_wait3A_199, %dma_wait3A_200] : memref<6656x96xf32, #tpu.memory_space<hbm>> -> memref<6656x96xf32, #tpu.memory_space<hbm>>
    tpu.wait_indirect_dma semaphore(%arg7 : memref<!tpu.dma_semaphore, #tpu.memory_space<semaphore_mem>>) src(%dma_wait3A_201 : memref<6656x96xf32, #tpu.memory_space<hbm>>) dst(%dma_wait3A_195 : memref<104x96xf32, #tpu.memory_space<vmem>>)
    %dma_wait3A_202 = arith.constant 1 : i32
    %dma_wait3A_203 = arith.constant 0 : i32
    %dma_wait3A_204 = arith.constant 0 : i32
    %dma_wait3A_205 = arith.constant 0 : i32
    %dma_wait3A_206 = tpu.memref_slice %arg6[%dma_wait3A_204, %dma_wait3A_205] : memref<208x96xf32, #tpu.memory_space<vmem>> -> memref<104x96xf32, #tpu.memory_space<vmem>>
    %dma_wait3A_207 = arith.constant 0 : i32
    %dma_wait3A_208 = tpu.memref_slice %arg5[%dma_wait3A_202, %dma_wait3A_203, %dma_wait3A_207] : memref<8x2x104xi32, #tpu.memory_space<vmem>> -> memref<1x1x104xi32, #tpu.memory_space<vmem>>
    %dma_wait3A_209 = tpu.memref_squeeze %dma_wait3A_208 : memref<1x1x104xi32, #tpu.memory_space<vmem>> -> memref<104xi32, #tpu.memory_space<vmem>>
    %dma_wait3A_210 = arith.constant 0 : i32
    %dma_wait3A_211 = arith.constant 0 : i32
    %dma_wait3A_212 = tpu.memref_slice %arg2[%dma_wait3A_210, %dma_wait3A_211] : memref<6656x96xf32, #tpu.memory_space<hbm>> -> memref<6656x96xf32, #tpu.memory_space<hbm>>
    tpu.wait_indirect_dma semaphore(%arg7 : memref<!tpu.dma_semaphore, #tpu.memory_space<semaphore_mem>>) src(%dma_wait3A_212 : memref<6656x96xf32, #tpu.memory_space<hbm>>) dst(%dma_wait3A_206 : memref<104x96xf32, #tpu.memory_space<vmem>>)
    %dma_wait3A_213 = arith.constant 1 : i32
    %dma_wait3A_214 = arith.constant 1 : i32
    %dma_wait3A_215 = arith.constant 104 : i32
    %dma_wait3A_216 = arith.constant 0 : i32
    %dma_wait3A_217 = tpu.memref_slice %arg6[%dma_wait3A_215, %dma_wait3A_216] : memref<208x96xf32, #tpu.memory_space<vmem>> -> memref<104x96xf32, #tpu.memory_space<vmem>>
    %dma_wait3A_218 = arith.constant 0 : i32
    %dma_wait3A_219 = tpu.memref_slice %arg5[%dma_wait3A_213, %dma_wait3A_214, %dma_wait3A_218] : memref<8x2x104xi32, #tpu.memory_space<vmem>> -> memref<1x1x104xi32, #tpu.memory_space<vmem>>
    %dma_wait3A_220 = tpu.memref_squeeze %dma_wait3A_219 : memref<1x1x104xi32, #tpu.memory_space<vmem>> -> memref<104xi32, #tpu.memory_space<vmem>>
    %dma_wait3A_221 = arith.constant 0 : i32
    %dma_wait3A_222 = arith.constant 0 : i32
    %dma_wait3A_223 = tpu.memref_slice %arg2[%dma_wait3A_221, %dma_wait3A_222] : memref<6656x96xf32, #tpu.memory_space<hbm>> -> memref<6656x96xf32, #tpu.memory_space<hbm>>
    tpu.wait_indirect_dma semaphore(%arg7 : memref<!tpu.dma_semaphore, #tpu.memory_space<semaphore_mem>>) src(%dma_wait3A_223 : memref<6656x96xf32, #tpu.memory_space<hbm>>) dst(%dma_wait3A_217 : memref<104x96xf32, #tpu.memory_space<vmem>>)
    %dma_wait3A_224 = arith.constant 2 : i32
    %dma_wait3A_225 = arith.constant 0 : i32
    %dma_wait3A_226 = arith.constant 0 : i32
    %dma_wait3A_227 = arith.constant 0 : i32
    %dma_wait3A_228 = tpu.memref_slice %arg6[%dma_wait3A_226, %dma_wait3A_227] : memref<208x96xf32, #tpu.memory_space<vmem>> -> memref<104x96xf32, #tpu.memory_space<vmem>>
    %dma_wait3A_229 = arith.constant 0 : i32
    %dma_wait3A_230 = tpu.memref_slice %arg5[%dma_wait3A_224, %dma_wait3A_225, %dma_wait3A_229] : memref<8x2x104xi32, #tpu.memory_space<vmem>> -> memref<1x1x104xi32, #tpu.memory_space<vmem>>
    %dma_wait3A_231 = tpu.memref_squeeze %dma_wait3A_230 : memref<1x1x104xi32, #tpu.memory_space<vmem>> -> memref<104xi32, #tpu.memory_space<vmem>>
    %dma_wait3A_232 = arith.constant 0 : i32
    %dma_wait3A_233 = arith.constant 0 : i32
    %dma_wait3A_234 = tpu.memref_slice %arg2[%dma_wait3A_232, %dma_wait3A_233] : memref<6656x96xf32, #tpu.memory_space<hbm>> -> memref<6656x96xf32, #tpu.memory_space<hbm>>
    tpu.wait_indirect_dma semaphore(%arg7 : memref<!tpu.dma_semaphore, #tpu.memory_space<semaphore_mem>>) src(%dma_wait3A_234 : memref<6656x96xf32, #tpu.memory_space<hbm>>) dst(%dma_wait3A_228 : memref<104x96xf32, #tpu.memory_space<vmem>>)
    %dma_wait3A_235 = arith.constant 2 : i32
    %dma_wait3A_236 = arith.constant 1 : i32
    %dma_wait3A_237 = arith.constant 104 : i32
    %dma_wait3A_238 = arith.constant 0 : i32
    %dma_wait3A_239 = tpu.memref_slice %arg6[%dma_wait3A_237, %dma_wait3A_238] : memref<208x96xf32, #tpu.memory_space<vmem>> -> memref<104x96xf32, #tpu.memory_space<vmem>>
    %dma_wait3A_240 = arith.constant 0 : i32
    %dma_wait3A_241 = tpu.memref_slice %arg5[%dma_wait3A_235, %dma_wait3A_236, %dma_wait3A_240] : memref<8x2x104xi32, #tpu.memory_space<vmem>> -> memref<1x1x104xi32, #tpu.memory_space<vmem>>
    %dma_wait3A_242 = tpu.memref_squeeze %dma_wait3A_241 : memref<1x1x104xi32, #tpu.memory_space<vmem>> -> memref<104xi32, #tpu.memory_space<vmem>>
    %dma_wait3A_243 = arith.constant 0 : i32
    %dma_wait3A_244 = arith.constant 0 : i32
    %dma_wait3A_245 = tpu.memref_slice %arg2[%dma_wait3A_243, %dma_wait3A_244] : memref<6656x96xf32, #tpu.memory_space<hbm>> -> memref<6656x96xf32, #tpu.memory_space<hbm>>
    tpu.wait_indirect_dma semaphore(%arg7 : memref<!tpu.dma_semaphore, #tpu.memory_space<semaphore_mem>>) src(%dma_wait3A_245 : memref<6656x96xf32, #tpu.memory_space<hbm>>) dst(%dma_wait3A_239 : memref<104x96xf32, #tpu.memory_space<vmem>>)
    %dma_wait3A_246 = arith.constant 3 : i32
    %dma_wait3A_247 = arith.constant 0 : i32
    %dma_wait3A_248 = arith.constant 0 : i32
    %dma_wait3A_249 = arith.constant 0 : i32
    %dma_wait3A_250 = tpu.memref_slice %arg6[%dma_wait3A_248, %dma_wait3A_249] : memref<208x96xf32, #tpu.memory_space<vmem>> -> memref<104x96xf32, #tpu.memory_space<vmem>>
    %dma_wait3A_251 = arith.constant 0 : i32
    %dma_wait3A_252 = tpu.memref_slice %arg5[%dma_wait3A_246, %dma_wait3A_247, %dma_wait3A_251] : memref<8x2x104xi32, #tpu.memory_space<vmem>> -> memref<1x1x104xi32, #tpu.memory_space<vmem>>
    %dma_wait3A_253 = tpu.memref_squeeze %dma_wait3A_252 : memref<1x1x104xi32, #tpu.memory_space<vmem>> -> memref<104xi32, #tpu.memory_space<vmem>>
    %dma_wait3A_254 = arith.constant 0 : i32
    %dma_wait3A_255 = arith.constant 0 : i32
    %dma_wait3A_256 = tpu.memref_slice %arg2[%dma_wait3A_254, %dma_wait3A_255] : memref<6656x96xf32, #tpu.memory_space<hbm>> -> memref<6656x96xf32, #tpu.memory_space<hbm>>
    tpu.wait_indirect_dma semaphore(%arg7 : memref<!tpu.dma_semaphore, #tpu.memory_space<semaphore_mem>>) src(%dma_wait3A_256 : memref<6656x96xf32, #tpu.memory_space<hbm>>) dst(%dma_wait3A_250 : memref<104x96xf32, #tpu.memory_space<vmem>>)
    %dma_wait3A_257 = arith.constant 3 : i32
    %dma_wait3A_258 = arith.constant 1 : i32
    %dma_wait3A_259 = arith.constant 104 : i32
    %dma_wait3A_260 = arith.constant 0 : i32
    %dma_wait3A_261 = tpu.memref_slice %arg6[%dma_wait3A_259, %dma_wait3A_260] : memref<208x96xf32, #tpu.memory_space<vmem>> -> memref<104x96xf32, #tpu.memory_space<vmem>>
    %dma_wait3A_262 = arith.constant 0 : i32
    %dma_wait3A_263 = tpu.memref_slice %arg5[%dma_wait3A_257, %dma_wait3A_258, %dma_wait3A_262] : memref<8x2x104xi32, #tpu.memory_space<vmem>> -> memref<1x1x104xi32, #tpu.memory_space<vmem>>
    %dma_wait3A_264 = tpu.memref_squeeze %dma_wait3A_263 : memref<1x1x104xi32, #tpu.memory_space<vmem>> -> memref<104xi32, #tpu.memory_space<vmem>>
    %dma_wait3A_265 = arith.constant 0 : i32
    %dma_wait3A_266 = arith.constant 0 : i32
    %dma_wait3A_267 = tpu.memref_slice %arg2[%dma_wait3A_265, %dma_wait3A_266] : memref<6656x96xf32, #tpu.memory_space<hbm>> -> memref<6656x96xf32, #tpu.memory_space<hbm>>
    tpu.wait_indirect_dma semaphore(%arg7 : memref<!tpu.dma_semaphore, #tpu.memory_space<semaphore_mem>>) src(%dma_wait3A_267 : memref<6656x96xf32, #tpu.memory_space<hbm>>) dst(%dma_wait3A_261 : memref<104x96xf32, #tpu.memory_space<vmem>>)
    %dma_wait3A_268 = arith.constant 4 : i32
    %dma_wait3A_269 = arith.constant 0 : i32
    %dma_wait3A_270 = arith.constant 0 : i32
    %dma_wait3A_271 = arith.constant 0 : i32
    %dma_wait3A_272 = tpu.memref_slice %arg6[%dma_wait3A_270, %dma_wait3A_271] : memref<208x96xf32, #tpu.memory_space<vmem>> -> memref<104x96xf32, #tpu.memory_space<vmem>>
    %dma_wait3A_273 = arith.constant 0 : i32
    %dma_wait3A_274 = tpu.memref_slice %arg5[%dma_wait3A_268, %dma_wait3A_269, %dma_wait3A_273] : memref<8x2x104xi32, #tpu.memory_space<vmem>> -> memref<1x1x104xi32, #tpu.memory_space<vmem>>
    %dma_wait3A_275 = tpu.memref_squeeze %dma_wait3A_274 : memref<1x1x104xi32, #tpu.memory_space<vmem>> -> memref<104xi32, #tpu.memory_space<vmem>>
    %dma_wait3A_276 = arith.constant 0 : i32
    %dma_wait3A_277 = arith.constant 0 : i32
    %dma_wait3A_278 = tpu.memref_slice %arg2[%dma_wait3A_276, %dma_wait3A_277] : memref<6656x96xf32, #tpu.memory_space<hbm>> -> memref<6656x96xf32, #tpu.memory_space<hbm>>
    tpu.wait_indirect_dma semaphore(%arg7 : memref<!tpu.dma_semaphore, #tpu.memory_space<semaphore_mem>>) src(%dma_wait3A_278 : memref<6656x96xf32, #tpu.memory_space<hbm>>) dst(%dma_wait3A_272 : memref<104x96xf32, #tpu.memory_space<vmem>>)
    %dma_wait3A_279 = arith.constant 4 : i32
    %dma_wait3A_280 = arith.constant 1 : i32
    %dma_wait3A_281 = arith.constant 104 : i32
    %dma_wait3A_282 = arith.constant 0 : i32
    %dma_wait3A_283 = tpu.memref_slice %arg6[%dma_wait3A_281, %dma_wait3A_282] : memref<208x96xf32, #tpu.memory_space<vmem>> -> memref<104x96xf32, #tpu.memory_space<vmem>>
    %dma_wait3A_284 = arith.constant 0 : i32
    %dma_wait3A_285 = tpu.memref_slice %arg5[%dma_wait3A_279, %dma_wait3A_280, %dma_wait3A_284] : memref<8x2x104xi32, #tpu.memory_space<vmem>> -> memref<1x1x104xi32, #tpu.memory_space<vmem>>
    %dma_wait3A_286 = tpu.memref_squeeze %dma_wait3A_285 : memref<1x1x104xi32, #tpu.memory_space<vmem>> -> memref<104xi32, #tpu.memory_space<vmem>>
    %dma_wait3A_287 = arith.constant 0 : i32
    %dma_wait3A_288 = arith.constant 0 : i32
    %dma_wait3A_289 = tpu.memref_slice %arg2[%dma_wait3A_287, %dma_wait3A_288] : memref<6656x96xf32, #tpu.memory_space<hbm>> -> memref<6656x96xf32, #tpu.memory_space<hbm>>
    tpu.wait_indirect_dma semaphore(%arg7 : memref<!tpu.dma_semaphore, #tpu.memory_space<semaphore_mem>>) src(%dma_wait3A_289 : memref<6656x96xf32, #tpu.memory_space<hbm>>) dst(%dma_wait3A_283 : memref<104x96xf32, #tpu.memory_space<vmem>>)
    %dma_wait3A_290 = arith.constant 5 : i32
    %dma_wait3A_291 = arith.constant 0 : i32
    %dma_wait3A_292 = arith.constant 0 : i32
    %dma_wait3A_293 = arith.constant 0 : i32
    %dma_wait3A_294 = tpu.memref_slice %arg6[%dma_wait3A_292, %dma_wait3A_293] : memref<208x96xf32, #tpu.memory_space<vmem>> -> memref<104x96xf32, #tpu.memory_space<vmem>>
    %dma_wait3A_295 = arith.constant 0 : i32
    %dma_wait3A_296 = tpu.memref_slice %arg5[%dma_wait3A_290, %dma_wait3A_291, %dma_wait3A_295] : memref<8x2x104xi32, #tpu.memory_space<vmem>> -> memref<1x1x104xi32, #tpu.memory_space<vmem>>
    %dma_wait3A_297 = tpu.memref_squeeze %dma_wait3A_296 : memref<1x1x104xi32, #tpu.memory_space<vmem>> -> memref<104xi32, #tpu.memory_space<vmem>>
    %dma_wait3A_298 = arith.constant 0 : i32
    %dma_wait3A_299 = arith.constant 0 : i32
    %dma_wait3A_300 = tpu.memref_slice %arg2[%dma_wait3A_298, %dma_wait3A_299] : memref<6656x96xf32, #tpu.memory_space<hbm>> -> memref<6656x96xf32, #tpu.memory_space<hbm>>
    tpu.wait_indirect_dma semaphore(%arg7 : memref<!tpu.dma_semaphore, #tpu.memory_space<semaphore_mem>>) src(%dma_wait3A_300 : memref<6656x96xf32, #tpu.memory_space<hbm>>) dst(%dma_wait3A_294 : memref<104x96xf32, #tpu.memory_space<vmem>>)
    %dma_wait3A_301 = arith.constant 5 : i32
    %dma_wait3A_302 = arith.constant 1 : i32
    %dma_wait3A_303 = arith.constant 104 : i32
    %dma_wait3A_304 = arith.constant 0 : i32
    %dma_wait3A_305 = tpu.memref_slice %arg6[%dma_wait3A_303, %dma_wait3A_304] : memref<208x96xf32, #tpu.memory_space<vmem>> -> memref<104x96xf32, #tpu.memory_space<vmem>>
    %dma_wait3A_306 = arith.constant 0 : i32
    %dma_wait3A_307 = tpu.memref_slice %arg5[%dma_wait3A_301, %dma_wait3A_302, %dma_wait3A_306] : memref<8x2x104xi32, #tpu.memory_space<vmem>> -> memref<1x1x104xi32, #tpu.memory_space<vmem>>
    %dma_wait3A_308 = tpu.memref_squeeze %dma_wait3A_307 : memref<1x1x104xi32, #tpu.memory_space<vmem>> -> memref<104xi32, #tpu.memory_space<vmem>>
    %dma_wait3A_309 = arith.constant 0 : i32
    %dma_wait3A_310 = arith.constant 0 : i32
    %dma_wait3A_311 = tpu.memref_slice %arg2[%dma_wait3A_309, %dma_wait3A_310] : memref<6656x96xf32, #tpu.memory_space<hbm>> -> memref<6656x96xf32, #tpu.memory_space<hbm>>
    tpu.wait_indirect_dma semaphore(%arg7 : memref<!tpu.dma_semaphore, #tpu.memory_space<semaphore_mem>>) src(%dma_wait3A_311 : memref<6656x96xf32, #tpu.memory_space<hbm>>) dst(%dma_wait3A_305 : memref<104x96xf32, #tpu.memory_space<vmem>>)
    %dma_wait3A_312 = arith.constant 6 : i32
    %dma_wait3A_313 = arith.constant 0 : i32
    %dma_wait3A_314 = arith.constant 0 : i32
    %dma_wait3A_315 = arith.constant 0 : i32
    %dma_wait3A_316 = tpu.memref_slice %arg6[%dma_wait3A_314, %dma_wait3A_315] : memref<208x96xf32, #tpu.memory_space<vmem>> -> memref<104x96xf32, #tpu.memory_space<vmem>>
    %dma_wait3A_317 = arith.constant 0 : i32
    %dma_wait3A_318 = tpu.memref_slice %arg5[%dma_wait3A_312, %dma_wait3A_313, %dma_wait3A_317] : memref<8x2x104xi32, #tpu.memory_space<vmem>> -> memref<1x1x104xi32, #tpu.memory_space<vmem>>
    %dma_wait3A_319 = tpu.memref_squeeze %dma_wait3A_318 : memref<1x1x104xi32, #tpu.memory_space<vmem>> -> memref<104xi32, #tpu.memory_space<vmem>>
    %dma_wait3A_320 = arith.constant 0 : i32
    %dma_wait3A_321 = arith.constant 0 : i32
    %dma_wait3A_322 = tpu.memref_slice %arg2[%dma_wait3A_320, %dma_wait3A_321] : memref<6656x96xf32, #tpu.memory_space<hbm>> -> memref<6656x96xf32, #tpu.memory_space<hbm>>
    tpu.wait_indirect_dma semaphore(%arg7 : memref<!tpu.dma_semaphore, #tpu.memory_space<semaphore_mem>>) src(%dma_wait3A_322 : memref<6656x96xf32, #tpu.memory_space<hbm>>) dst(%dma_wait3A_316 : memref<104x96xf32, #tpu.memory_space<vmem>>)
    %dma_wait3A_323 = arith.constant 6 : i32
    %dma_wait3A_324 = arith.constant 1 : i32
    %dma_wait3A_325 = arith.constant 104 : i32
    %dma_wait3A_326 = arith.constant 0 : i32
    %dma_wait3A_327 = tpu.memref_slice %arg6[%dma_wait3A_325, %dma_wait3A_326] : memref<208x96xf32, #tpu.memory_space<vmem>> -> memref<104x96xf32, #tpu.memory_space<vmem>>
    %dma_wait3A_328 = arith.constant 0 : i32
    %dma_wait3A_329 = tpu.memref_slice %arg5[%dma_wait3A_323, %dma_wait3A_324, %dma_wait3A_328] : memref<8x2x104xi32, #tpu.memory_space<vmem>> -> memref<1x1x104xi32, #tpu.memory_space<vmem>>
    %dma_wait3A_330 = tpu.memref_squeeze %dma_wait3A_329 : memref<1x1x104xi32, #tpu.memory_space<vmem>> -> memref<104xi32, #tpu.memory_space<vmem>>
    %dma_wait3A_331 = arith.constant 0 : i32
    %dma_wait3A_332 = arith.constant 0 : i32
    %dma_wait3A_333 = tpu.memref_slice %arg2[%dma_wait3A_331, %dma_wait3A_332] : memref<6656x96xf32, #tpu.memory_space<hbm>> -> memref<6656x96xf32, #tpu.memory_space<hbm>>
    tpu.wait_indirect_dma semaphore(%arg7 : memref<!tpu.dma_semaphore, #tpu.memory_space<semaphore_mem>>) src(%dma_wait3A_333 : memref<6656x96xf32, #tpu.memory_space<hbm>>) dst(%dma_wait3A_327 : memref<104x96xf32, #tpu.memory_space<vmem>>)
    %dma_wait3A_334 = arith.constant 7 : i32
    %dma_wait3A_335 = arith.constant 0 : i32
    %dma_wait3A_336 = arith.constant 0 : i32
    %dma_wait3A_337 = arith.constant 0 : i32
    %dma_wait3A_338 = tpu.memref_slice %arg6[%dma_wait3A_336, %dma_wait3A_337] : memref<208x96xf32, #tpu.memory_space<vmem>> -> memref<104x96xf32, #tpu.memory_space<vmem>>
    %dma_wait3A_339 = arith.constant 0 : i32
    %dma_wait3A_340 = tpu.memref_slice %arg5[%dma_wait3A_334, %dma_wait3A_335, %dma_wait3A_339] : memref<8x2x104xi32, #tpu.memory_space<vmem>> -> memref<1x1x104xi32, #tpu.memory_space<vmem>>
    %dma_wait3A_341 = tpu.memref_squeeze %dma_wait3A_340 : memref<1x1x104xi32, #tpu.memory_space<vmem>> -> memref<104xi32, #tpu.memory_space<vmem>>
    %dma_wait3A_342 = arith.constant 0 : i32
    %dma_wait3A_343 = arith.constant 0 : i32
    %dma_wait3A_344 = tpu.memref_slice %arg2[%dma_wait3A_342, %dma_wait3A_343] : memref<6656x96xf32, #tpu.memory_space<hbm>> -> memref<6656x96xf32, #tpu.memory_space<hbm>>
    tpu.wait_indirect_dma semaphore(%arg7 : memref<!tpu.dma_semaphore, #tpu.memory_space<semaphore_mem>>) src(%dma_wait3A_344 : memref<6656x96xf32, #tpu.memory_space<hbm>>) dst(%dma_wait3A_338 : memref<104x96xf32, #tpu.memory_space<vmem>>)
    %dma_wait3A_345 = arith.constant 7 : i32
    %dma_wait3A_346 = arith.constant 1 : i32
    %dma_wait3A_347 = arith.constant 104 : i32
    %dma_wait3A_348 = arith.constant 0 : i32
    %dma_wait3A_349 = tpu.memref_slice %arg6[%dma_wait3A_347, %dma_wait3A_348] : memref<208x96xf32, #tpu.memory_space<vmem>> -> memref<104x96xf32, #tpu.memory_space<vmem>>
    %dma_wait3A_350 = arith.constant 0 : i32
    %dma_wait3A_351 = tpu.memref_slice %arg5[%dma_wait3A_345, %dma_wait3A_346, %dma_wait3A_350] : memref<8x2x104xi32, #tpu.memory_space<vmem>> -> memref<1x1x104xi32, #tpu.memory_space<vmem>>
    %dma_wait3A_352 = tpu.memref_squeeze %dma_wait3A_351 : memref<1x1x104xi32, #tpu.memory_space<vmem>> -> memref<104xi32, #tpu.memory_space<vmem>>
    %dma_wait3A_353 = arith.constant 0 : i32
    %dma_wait3A_354 = arith.constant 0 : i32
    %dma_wait3A_355 = tpu.memref_slice %arg2[%dma_wait3A_353, %dma_wait3A_354] : memref<6656x96xf32, #tpu.memory_space<hbm>> -> memref<6656x96xf32, #tpu.memory_space<hbm>>
    tpu.wait_indirect_dma semaphore(%arg7 : memref<!tpu.dma_semaphore, #tpu.memory_space<semaphore_mem>>) src(%dma_wait3A_355 : memref<6656x96xf32, #tpu.memory_space<hbm>>) dst(%dma_wait3A_349 : memref<104x96xf32, #tpu.memory_space<vmem>>)
    "tpu.trace_stop"() : () -> ()
    "tpu.trace_start"() <{level = 10 : i32, message = "gm_out"}> : () -> ()
    %mul3A_356 = arith.constant 208 : i32
    %mul3A_357 = arith.muli %add3A, %mul3A_356 : i32
    "tpu.region"() ({
      %run_scoped3A = tpu.sem_alloc : memref<!tpu.dma_semaphore, #tpu.memory_space<semaphore_mem>>
      %dma_start3A_358 = arith.constant 0 : i32
      %dma_start3A_359 = tpu.memref_slice %arg4[%mul3A_357, %dma_start3A_358] : memref<6656x96xf32, #tpu.memory_space<hbm>> -> memref<208x96xf32, #tpu.memory_space<hbm>>
      %dma_start3A_360 = arith.constant 0 : i32
      %dma_start3A_361 = tpu.memref_slice %arg4[%mul3A_357, %dma_start3A_360] : memref<6656x96xf32, #tpu.memory_space<hbm>> -> memref<208x96xf32, #tpu.memory_space<hbm>>
      tpu.enqueue_dma source(%arg6 : memref<208x96xf32, #tpu.memory_space<vmem>>) target(%dma_start3A_361 : memref<208x96xf32, #tpu.memory_space<hbm>>) target_semaphore(%run_scoped3A : memref<!tpu.dma_semaphore, #tpu.memory_space<semaphore_mem>>)
      %dma_wait3A_362 = arith.constant 0 : i32
      %dma_wait3A_363 = tpu.memref_slice %arg4[%mul3A_357, %dma_wait3A_362] : memref<6656x96xf32, #tpu.memory_space<hbm>> -> memref<208x96xf32, #tpu.memory_space<hbm>>
      %dma_wait3A_364 = arith.constant 0 : i32
      %dma_wait3A_365 = tpu.memref_slice %arg4[%mul3A_357, %dma_wait3A_364] : memref<6656x96xf32, #tpu.memory_space<hbm>> -> memref<208x96xf32, #tpu.memory_space<hbm>>
      tpu.wait_dma2 semaphore(%run_scoped3A : memref<!tpu.dma_semaphore, #tpu.memory_space<semaphore_mem>>) src(%arg6 : memref<208x96xf32, #tpu.memory_space<vmem>>) dst(%dma_wait3A_365 : memref<208x96xf32, #tpu.memory_space<hbm>>)
      tpu.yield
    }) : () -> ()
    "tpu.trace_stop"() : () -> ()
    return
  }
}

#map = affine_map<(d0, d1) -> (0, 0)>
#map1 = affine_map<(d0, d1) -> (0, 0, 0, 0)>
module attributes {stable_mosaic.version = 14 : i64} {
  func.func @gmean(%arg0: i32, %arg1: i32, %arg2: memref<6656x96xf32, #tpu.memory_space<hbm>>, %arg3: memref<32x8x2x104xi32, #tpu.memory_space<hbm>>, %arg4: memref<6656x96xf32, #tpu.memory_space<hbm>>, %arg5: memref<8x2x104xi32, #tpu.memory_space<vmem>>, %arg6: memref<208x96xf32, #tpu.memory_space<vmem>>, %arg7: memref<!tpu.dma_semaphore, #tpu.memory_space<semaphore_mem>>) attributes {dimension_semantics = [#tpu.dimension_semantics<core_parallel>, #tpu.dimension_semantics<subcore_parallel>], iteration_bounds = array<i64: 2, 16>, scalar_prefetch = 0 : i64, scratch_operands = 3 : i64, tpu.core_type = #tpu.core_type<sc_vector_subcore>, window_params = [{transform_indices = #map}, {transform_indices = #map1}, {transform_indices = #map}]} {
    %mul3A = arith.constant 2 : i32
    %mul3A_0 = arith.muli %arg1, %mul3A : i32
    %add3A = arith.addi %mul3A_0, %arg0 : i32
    "tpu.trace_start"() <{level = 10 : i32, message = "gm_idx"}> : () -> ()
    "tpu.region"() ({
      %run_scoped3A = tpu.sem_alloc : memref<!tpu.dma_semaphore, #tpu.memory_space<semaphore_mem>>
      %dma_start3A_358 = arith.constant 0 : i32
      %dma_start3A_359 = arith.constant 0 : i32
      %dma_start3A_360 = arith.constant 0 : i32
      %dma_start3A_361 = tpu.memref_slice %arg3[%add3A, %dma_start3A_358, %dma_start3A_359, %dma_start3A_360] : memref<32x8x2x104xi32, #tpu.memory_space<hbm>> -> memref<1x8x2x104xi32, #tpu.memory_space<hbm>>
      %dma_start3A_362 = tpu.memref_squeeze %dma_start3A_361 : memref<1x8x2x104xi32, #tpu.memory_space<hbm>> -> memref<8x2x104xi32, #tpu.memory_space<hbm>>
      %dma_start3A_363 = arith.constant 0 : i32
      %dma_start3A_364 = arith.constant 0 : i32
      %dma_start3A_365 = arith.constant 0 : i32
      %dma_start3A_366 = tpu.memref_slice %arg3[%add3A, %dma_start3A_363, %dma_start3A_364, %dma_start3A_365] : memref<32x8x2x104xi32, #tpu.memory_space<hbm>> -> memref<1x8x2x104xi32, #tpu.memory_space<hbm>>
      %dma_start3A_367 = tpu.memref_squeeze %dma_start3A_366 : memref<1x8x2x104xi32, #tpu.memory_space<hbm>> -> memref<8x2x104xi32, #tpu.memory_space<hbm>>
      tpu.enqueue_dma source(%dma_start3A_367 : memref<8x2x104xi32, #tpu.memory_space<hbm>>) target(%arg5 : memref<8x2x104xi32, #tpu.memory_space<vmem>>) target_semaphore(%run_scoped3A : memref<!tpu.dma_semaphore, #tpu.memory_space<semaphore_mem>>)
      %dma_wait3A_368 = arith.constant 0 : i32
      %dma_wait3A_369 = arith.constant 0 : i32
      %dma_wait3A_370 = arith.constant 0 : i32
      %dma_wait3A_371 = tpu.memref_slice %arg3[%add3A, %dma_wait3A_368, %dma_wait3A_369, %dma_wait3A_370] : memref<32x8x2x104xi32, #tpu.memory_space<hbm>> -> memref<1x8x2x104xi32, #tpu.memory_space<hbm>>
      %dma_wait3A_372 = tpu.memref_squeeze %dma_wait3A_371 : memref<1x8x2x104xi32, #tpu.memory_space<hbm>> -> memref<8x2x104xi32, #tpu.memory_space<hbm>>
      %dma_wait3A_373 = arith.constant 0 : i32
      %dma_wait3A_374 = arith.constant 0 : i32
      %dma_wait3A_375 = arith.constant 0 : i32
      %dma_wait3A_376 = tpu.memref_slice %arg3[%add3A, %dma_wait3A_373, %dma_wait3A_374, %dma_wait3A_375] : memref<32x8x2x104xi32, #tpu.memory_space<hbm>> -> memref<1x8x2x104xi32, #tpu.memory_space<hbm>>
      %dma_wait3A_377 = tpu.memref_squeeze %dma_wait3A_376 : memref<1x8x2x104xi32, #tpu.memory_space<hbm>> -> memref<8x2x104xi32, #tpu.memory_space<hbm>>
      tpu.wait_dma2 semaphore(%run_scoped3A : memref<!tpu.dma_semaphore, #tpu.memory_space<semaphore_mem>>) src(%dma_wait3A_377 : memref<8x2x104xi32, #tpu.memory_space<hbm>>) dst(%arg5 : memref<8x2x104xi32, #tpu.memory_space<vmem>>)
      tpu.yield
    }) : () -> ()
    "tpu.trace_stop"() : () -> ()
    "tpu.trace_start"() <{level = 10 : i32, message = "gm_zero"}> : () -> ()
    %scan3A = arith.constant 0 : i32
    %scan3A_1 = arith.constant 0 : i32
    %scan3A_2 = arith.constant 208 : i32
    %scan3A_3 = arith.addi %scan3A_1, %scan3A_2 : i32
    %scan3A_4 = arith.constant 1 : i32
    scf.for %scan3A_358 = %scan3A_1 to %scan3A_3 step %scan3A_4  : i32 {
      %broadcast_in_dim3A = arith.constant 0.000000e+00 : f32
      %broadcast_in_dim3A_359 = vector.broadcast %broadcast_in_dim3A : f32 to vector<16xf32>
      %swap3A = arith.index_cast %scan3A_358 : i32 to index
      %swap3A_360 = arith.constant 0 : index
      %swap3A_361 = tpu.vector_load %arg6[%swap3A, %swap3A_360] {strides = array<i32>} : memref<208x96xf32, #tpu.memory_space<vmem>>, vector<1x16xf32>,
      %swap3A_362 = vector.shape_cast %swap3A_361 : vector<1x16xf32> to vector<16xf32>
      %swap3A_363 = vector.shape_cast %broadcast_in_dim3A_359 : vector<16xf32> to vector<1x16xf32>
      tpu.vector_store %arg6[%swap3A, %swap3A_360], %swap3A_363 {strides = array<i32>} : memref<208x96xf32, #tpu.memory_space<vmem>>, vector<1x16xf32>,
      %broadcast_in_dim3A_364 = arith.constant 0.000000e+00 : f32
      %broadcast_in_dim3A_365 = vector.broadcast %broadcast_in_dim3A_364 : f32 to vector<16xf32>
      %swap3A_366 = arith.index_cast %scan3A_358 : i32 to index
      %swap3A_367 = arith.constant 16 : index
      %swap3A_368 = tpu.vector_load %arg6[%swap3A_366, %swap3A_367] {strides = array<i32>} : memref<208x96xf32, #tpu.memory_space<vmem>>, vector<1x16xf32>,
      %swap3A_369 = vector.shape_cast %swap3A_368 : vector<1x16xf32> to vector<16xf32>
      %swap3A_370 = vector.shape_cast %broadcast_in_dim3A_365 : vector<16xf32> to vector<1x16xf32>
      tpu.vector_store %arg6[%swap3A_366, %swap3A_367], %swap3A_370 {strides = array<i32>} : memref<208x96xf32, #tpu.memory_space<vmem>>, vector<1x16xf32>,
      %broadcast_in_dim3A_371 = arith.constant 0.000000e+00 : f32
      %broadcast_in_dim3A_372 = vector.broadcast %broadcast_in_dim3A_371 : f32 to vector<16xf32>
      %swap3A_373 = arith.index_cast %scan3A_358 : i32 to index
      %swap3A_374 = arith.constant 32 : index
      %swap3A_375 = tpu.vector_load %arg6[%swap3A_373, %swap3A_374] {strides = array<i32>} : memref<208x96xf32, #tpu.memory_space<vmem>>, vector<1x16xf32>,
      %swap3A_376 = vector.shape_cast %swap3A_375 : vector<1x16xf32> to vector<16xf32>
      %swap3A_377 = vector.shape_cast %broadcast_in_dim3A_372 : vector<16xf32> to vector<1x16xf32>
      tpu.vector_store %arg6[%swap3A_373, %swap3A_374], %swap3A_377 {strides = array<i32>} : memref<208x96xf32, #tpu.memory_space<vmem>>, vector<1x16xf32>,
      %broadcast_in_dim3A_378 = arith.constant 0.000000e+00 : f32
      %broadcast_in_dim3A_379 = vector.broadcast %broadcast_in_dim3A_378 : f32 to vector<16xf32>
      %swap3A_380 = arith.index_cast %scan3A_358 : i32 to index
      %swap3A_381 = arith.constant 48 : index
      %swap3A_382 = tpu.vector_load %arg6[%swap3A_380, %swap3A_381] {strides = array<i32>} : memref<208x96xf32, #tpu.memory_space<vmem>>, vector<1x16xf32>,
      %swap3A_383 = vector.shape_cast %swap3A_382 : vector<1x16xf32> to vector<16xf32>
      %swap3A_384 = vector.shape_cast %broadcast_in_dim3A_379 : vector<16xf32> to vector<1x16xf32>
      tpu.vector_store %arg6[%swap3A_380, %swap3A_381], %swap3A_384 {strides = array<i32>} : memref<208x96xf32, #tpu.memory_space<vmem>>, vector<1x16xf32>,
      %broadcast_in_dim3A_385 = arith.constant 0.000000e+00 : f32
      %broadcast_in_dim3A_386 = vector.broadcast %broadcast_in_dim3A_385 : f32 to vector<16xf32>
      %swap3A_387 = arith.index_cast %scan3A_358 : i32 to index
      %swap3A_388 = arith.constant 64 : index
      %swap3A_389 = tpu.vector_load %arg6[%swap3A_387, %swap3A_388] {strides = array<i32>} : memref<208x96xf32, #tpu.memory_space<vmem>>, vector<1x16xf32>,
      %swap3A_390 = vector.shape_cast %swap3A_389 : vector<1x16xf32> to vector<16xf32>
      %swap3A_391 = vector.shape_cast %broadcast_in_dim3A_386 : vector<16xf32> to vector<1x16xf32>
      tpu.vector_store %arg6[%swap3A_387, %swap3A_388], %swap3A_391 {strides = array<i32>} : memref<208x96xf32, #tpu.memory_space<vmem>>, vector<1x16xf32>,
      %broadcast_in_dim3A_392 = arith.constant 0.000000e+00 : f32
      %broadcast_in_dim3A_393 = vector.broadcast %broadcast_in_dim3A_392 : f32 to vector<16xf32>
      %swap3A_394 = arith.index_cast %scan3A_358 : i32 to index
      %swap3A_395 = arith.constant 80 : index
      %swap3A_396 = tpu.vector_load %arg6[%swap3A_394, %swap3A_395] {strides = array<i32>} : memref<208x96xf32, #tpu.memory_space<vmem>>, vector<1x16xf32>,
      %swap3A_397 = vector.shape_cast %swap3A_396 : vector<1x16xf32> to vector<16xf32>
      %swap3A_398 = vector.shape_cast %broadcast_in_dim3A_393 : vector<16xf32> to vector<1x16xf32>
      tpu.vector_store %arg6[%swap3A_394, %swap3A_395], %swap3A_398 {strides = array<i32>} : memref<208x96xf32, #tpu.memory_space<vmem>>, vector<1x16xf32>,
    }
    %scan3A_5 = arith.constant 208 : i32
    %dma_start3A = arith.constant 0 : i32
    %dma_start3A_6 = arith.constant 0 : i32
    "tpu.trace_stop"() : () -> ()
    "tpu.trace_start"() <{level = 10 : i32, message = "gm_gather"}> : () -> ()
    %dma_start3A_7 = arith.constant 0 : i32
    %dma_start3A_8 = arith.constant 0 : i32
    %dma_start3A_9 = tpu.memref_slice %arg6[%dma_start3A_7, %dma_start3A_8] : memref<208x96xf32, #tpu.memory_space<vmem>> -> memref<104x96xf32, #tpu.memory_space<vmem>>
    %dma_start3A_10 = arith.constant 0 : i32
    %dma_start3A_11 = tpu.memref_slice %arg5[%dma_start3A, %dma_start3A_6, %dma_start3A_10] : memref<8x2x104xi32, #tpu.memory_space<vmem>> -> memref<1x1x104xi32, #tpu.memory_space<vmem>>
    %dma_start3A_12 = tpu.memref_squeeze %dma_start3A_11 : memref<1x1x104xi32, #tpu.memory_space<vmem>> -> memref<104xi32, #tpu.memory_space<vmem>>
    %dma_start3A_13 = arith.constant 0 : i32
    %dma_start3A_14 = arith.constant 0 : i32
    %dma_start3A_15 = tpu.memref_slice %arg2[%dma_start3A_13, %dma_start3A_14] : memref<6656x96xf32, #tpu.memory_space<hbm>> -> memref<6656x96xf32, #tpu.memory_space<hbm>>
    tpu.enqueue_indirect_dma source(%dma_start3A_15 : memref<6656x96xf32, #tpu.memory_space<hbm>>) target(%dma_start3A_9 : memref<104x96xf32, #tpu.memory_space<vmem>>) offsets(%dma_start3A_12 : memref<104xi32, #tpu.memory_space<vmem>>) semaphore(%arg7 : memref<!tpu.dma_semaphore, #tpu.memory_space<semaphore_mem>>) {add = true}
    %dma_start3A_16 = arith.constant 0 : i32
    %dma_start3A_17 = arith.constant 1 : i32
    %dma_start3A_18 = arith.constant 104 : i32
    %dma_start3A_19 = arith.constant 0 : i32
    %dma_start3A_20 = tpu.memref_slice %arg6[%dma_start3A_18, %dma_start3A_19] : memref<208x96xf32, #tpu.memory_space<vmem>> -> memref<104x96xf32, #tpu.memory_space<vmem>>
    %dma_start3A_21 = arith.constant 0 : i32
    %dma_start3A_22 = tpu.memref_slice %arg5[%dma_start3A_16, %dma_start3A_17, %dma_start3A_21] : memref<8x2x104xi32, #tpu.memory_space<vmem>> -> memref<1x1x104xi32, #tpu.memory_space<vmem>>
    %dma_start3A_23 = tpu.memref_squeeze %dma_start3A_22 : memref<1x1x104xi32, #tpu.memory_space<vmem>> -> memref<104xi32, #tpu.memory_space<vmem>>
    %dma_start3A_24 = arith.constant 0 : i32
    %dma_start3A_25 = arith.constant 0 : i32
    %dma_start3A_26 = tpu.memref_slice %arg2[%dma_start3A_24, %dma_start3A_25] : memref<6656x96xf32, #tpu.memory_space<hbm>> -> memref<6656x96xf32, #tpu.memory_space<hbm>>
    tpu.enqueue_indirect_dma source(%dma_start3A_26 : memref<6656x96xf32, #tpu.memory_space<hbm>>) target(%dma_start3A_20 : memref<104x96xf32, #tpu.memory_space<vmem>>) offsets(%dma_start3A_23 : memref<104xi32, #tpu.memory_space<vmem>>) semaphore(%arg7 : memref<!tpu.dma_semaphore, #tpu.memory_space<semaphore_mem>>) {add = true}
    %dma_start3A_27 = arith.constant 1 : i32
    %dma_start3A_28 = arith.constant 0 : i32
    %dma_start3A_29 = arith.constant 0 : i32
    %dma_start3A_30 = arith.constant 0 : i32
    %dma_start3A_31 = tpu.memref_slice %arg6[%dma_start3A_29, %dma_start3A_30] : memref<208x96xf32, #tpu.memory_space<vmem>> -> memref<104x96xf32, #tpu.memory_space<vmem>>
    %dma_start3A_32 = arith.constant 0 : i32
    %dma_start3A_33 = tpu.memref_slice %arg5[%dma_start3A_27, %dma_start3A_28, %dma_start3A_32] : memref<8x2x104xi32, #tpu.memory_space<vmem>> -> memref<1x1x104xi32, #tpu.memory_space<vmem>>
    %dma_start3A_34 = tpu.memref_squeeze %dma_start3A_33 : memref<1x1x104xi32, #tpu.memory_space<vmem>> -> memref<104xi32, #tpu.memory_space<vmem>>
    %dma_start3A_35 = arith.constant 0 : i32
    %dma_start3A_36 = arith.constant 0 : i32
    %dma_start3A_37 = tpu.memref_slice %arg2[%dma_start3A_35, %dma_start3A_36] : memref<6656x96xf32, #tpu.memory_space<hbm>> -> memref<6656x96xf32, #tpu.memory_space<hbm>>
    tpu.enqueue_indirect_dma source(%dma_start3A_37 : memref<6656x96xf32, #tpu.memory_space<hbm>>) target(%dma_start3A_31 : memref<104x96xf32, #tpu.memory_space<vmem>>) offsets(%dma_start3A_34 : memref<104xi32, #tpu.memory_space<vmem>>) semaphore(%arg7 : memref<!tpu.dma_semaphore, #tpu.memory_space<semaphore_mem>>) {add = true}
    %dma_start3A_38 = arith.constant 1 : i32
    %dma_start3A_39 = arith.constant 1 : i32
    %dma_start3A_40 = arith.constant 104 : i32
    %dma_start3A_41 = arith.constant 0 : i32
    %dma_start3A_42 = tpu.memref_slice %arg6[%dma_start3A_40, %dma_start3A_41] : memref<208x96xf32, #tpu.memory_space<vmem>> -> memref<104x96xf32, #tpu.memory_space<vmem>>
    %dma_start3A_43 = arith.constant 0 : i32
    %dma_start3A_44 = tpu.memref_slice %arg5[%dma_start3A_38, %dma_start3A_39, %dma_start3A_43] : memref<8x2x104xi32, #tpu.memory_space<vmem>> -> memref<1x1x104xi32, #tpu.memory_space<vmem>>
    %dma_start3A_45 = tpu.memref_squeeze %dma_start3A_44 : memref<1x1x104xi32, #tpu.memory_space<vmem>> -> memref<104xi32, #tpu.memory_space<vmem>>
    %dma_start3A_46 = arith.constant 0 : i32
    %dma_start3A_47 = arith.constant 0 : i32
    %dma_start3A_48 = tpu.memref_slice %arg2[%dma_start3A_46, %dma_start3A_47] : memref<6656x96xf32, #tpu.memory_space<hbm>> -> memref<6656x96xf32, #tpu.memory_space<hbm>>
    tpu.enqueue_indirect_dma source(%dma_start3A_48 : memref<6656x96xf32, #tpu.memory_space<hbm>>) target(%dma_start3A_42 : memref<104x96xf32, #tpu.memory_space<vmem>>) offsets(%dma_start3A_45 : memref<104xi32, #tpu.memory_space<vmem>>) semaphore(%arg7 : memref<!tpu.dma_semaphore, #tpu.memory_space<semaphore_mem>>) {add = true}
    %dma_start3A_49 = arith.constant 2 : i32
    %dma_start3A_50 = arith.constant 0 : i32
    %dma_start3A_51 = arith.constant 0 : i32
    %dma_start3A_52 = arith.constant 0 : i32
    %dma_start3A_53 = tpu.memref_slice %arg6[%dma_start3A_51, %dma_start3A_52] : memref<208x96xf32, #tpu.memory_space<vmem>> -> memref<104x96xf32, #tpu.memory_space<vmem>>
    %dma_start3A_54 = arith.constant 0 : i32
    %dma_start3A_55 = tpu.memref_slice %arg5[%dma_start3A_49, %dma_start3A_50, %dma_start3A_54] : memref<8x2x104xi32, #tpu.memory_space<vmem>> -> memref<1x1x104xi32, #tpu.memory_space<vmem>>
    %dma_start3A_56 = tpu.memref_squeeze %dma_start3A_55 : memref<1x1x104xi32, #tpu.memory_space<vmem>> -> memref<104xi32, #tpu.memory_space<vmem>>
    %dma_start3A_57 = arith.constant 0 : i32
    %dma_start3A_58 = arith.constant 0 : i32
    %dma_start3A_59 = tpu.memref_slice %arg2[%dma_start3A_57, %dma_start3A_58] : memref<6656x96xf32, #tpu.memory_space<hbm>> -> memref<6656x96xf32, #tpu.memory_space<hbm>>
    tpu.enqueue_indirect_dma source(%dma_start3A_59 : memref<6656x96xf32, #tpu.memory_space<hbm>>) target(%dma_start3A_53 : memref<104x96xf32, #tpu.memory_space<vmem>>) offsets(%dma_start3A_56 : memref<104xi32, #tpu.memory_space<vmem>>) semaphore(%arg7 : memref<!tpu.dma_semaphore, #tpu.memory_space<semaphore_mem>>) {add = true}
    %dma_start3A_60 = arith.constant 2 : i32
    %dma_start3A_61 = arith.constant 1 : i32
    %dma_start3A_62 = arith.constant 104 : i32
    %dma_start3A_63 = arith.constant 0 : i32
    %dma_start3A_64 = tpu.memref_slice %arg6[%dma_start3A_62, %dma_start3A_63] : memref<208x96xf32, #tpu.memory_space<vmem>> -> memref<104x96xf32, #tpu.memory_space<vmem>>
    %dma_start3A_65 = arith.constant 0 : i32
    %dma_start3A_66 = tpu.memref_slice %arg5[%dma_start3A_60, %dma_start3A_61, %dma_start3A_65] : memref<8x2x104xi32, #tpu.memory_space<vmem>> -> memref<1x1x104xi32, #tpu.memory_space<vmem>>
    %dma_start3A_67 = tpu.memref_squeeze %dma_start3A_66 : memref<1x1x104xi32, #tpu.memory_space<vmem>> -> memref<104xi32, #tpu.memory_space<vmem>>
    %dma_start3A_68 = arith.constant 0 : i32
    %dma_start3A_69 = arith.constant 0 : i32
    %dma_start3A_70 = tpu.memref_slice %arg2[%dma_start3A_68, %dma_start3A_69] : memref<6656x96xf32, #tpu.memory_space<hbm>> -> memref<6656x96xf32, #tpu.memory_space<hbm>>
    tpu.enqueue_indirect_dma source(%dma_start3A_70 : memref<6656x96xf32, #tpu.memory_space<hbm>>) target(%dma_start3A_64 : memref<104x96xf32, #tpu.memory_space<vmem>>) offsets(%dma_start3A_67 : memref<104xi32, #tpu.memory_space<vmem>>) semaphore(%arg7 : memref<!tpu.dma_semaphore, #tpu.memory_space<semaphore_mem>>) {add = true}
    %dma_start3A_71 = arith.constant 3 : i32
    %dma_start3A_72 = arith.constant 0 : i32
    %dma_start3A_73 = arith.constant 0 : i32
    %dma_start3A_74 = arith.constant 0 : i32
    %dma_start3A_75 = tpu.memref_slice %arg6[%dma_start3A_73, %dma_start3A_74] : memref<208x96xf32, #tpu.memory_space<vmem>> -> memref<104x96xf32, #tpu.memory_space<vmem>>
    %dma_start3A_76 = arith.constant 0 : i32
    %dma_start3A_77 = tpu.memref_slice %arg5[%dma_start3A_71, %dma_start3A_72, %dma_start3A_76] : memref<8x2x104xi32, #tpu.memory_space<vmem>> -> memref<1x1x104xi32, #tpu.memory_space<vmem>>
    %dma_start3A_78 = tpu.memref_squeeze %dma_start3A_77 : memref<1x1x104xi32, #tpu.memory_space<vmem>> -> memref<104xi32, #tpu.memory_space<vmem>>
    %dma_start3A_79 = arith.constant 0 : i32
    %dma_start3A_80 = arith.constant 0 : i32
    %dma_start3A_81 = tpu.memref_slice %arg2[%dma_start3A_79, %dma_start3A_80] : memref<6656x96xf32, #tpu.memory_space<hbm>> -> memref<6656x96xf32, #tpu.memory_space<hbm>>
    tpu.enqueue_indirect_dma source(%dma_start3A_81 : memref<6656x96xf32, #tpu.memory_space<hbm>>) target(%dma_start3A_75 : memref<104x96xf32, #tpu.memory_space<vmem>>) offsets(%dma_start3A_78 : memref<104xi32, #tpu.memory_space<vmem>>) semaphore(%arg7 : memref<!tpu.dma_semaphore, #tpu.memory_space<semaphore_mem>>) {add = true}
    %dma_start3A_82 = arith.constant 3 : i32
    %dma_start3A_83 = arith.constant 1 : i32
    %dma_start3A_84 = arith.constant 104 : i32
    %dma_start3A_85 = arith.constant 0 : i32
    %dma_start3A_86 = tpu.memref_slice %arg6[%dma_start3A_84, %dma_start3A_85] : memref<208x96xf32, #tpu.memory_space<vmem>> -> memref<104x96xf32, #tpu.memory_space<vmem>>
    %dma_start3A_87 = arith.constant 0 : i32
    %dma_start3A_88 = tpu.memref_slice %arg5[%dma_start3A_82, %dma_start3A_83, %dma_start3A_87] : memref<8x2x104xi32, #tpu.memory_space<vmem>> -> memref<1x1x104xi32, #tpu.memory_space<vmem>>
    %dma_start3A_89 = tpu.memref_squeeze %dma_start3A_88 : memref<1x1x104xi32, #tpu.memory_space<vmem>> -> memref<104xi32, #tpu.memory_space<vmem>>
    %dma_start3A_90 = arith.constant 0 : i32
    %dma_start3A_91 = arith.constant 0 : i32
    %dma_start3A_92 = tpu.memref_slice %arg2[%dma_start3A_90, %dma_start3A_91] : memref<6656x96xf32, #tpu.memory_space<hbm>> -> memref<6656x96xf32, #tpu.memory_space<hbm>>
    tpu.enqueue_indirect_dma source(%dma_start3A_92 : memref<6656x96xf32, #tpu.memory_space<hbm>>) target(%dma_start3A_86 : memref<104x96xf32, #tpu.memory_space<vmem>>) offsets(%dma_start3A_89 : memref<104xi32, #tpu.memory_space<vmem>>) semaphore(%arg7 : memref<!tpu.dma_semaphore, #tpu.memory_space<semaphore_mem>>) {add = true}
    %dma_start3A_93 = arith.constant 4 : i32
    %dma_start3A_94 = arith.constant 0 : i32
    %dma_start3A_95 = arith.constant 0 : i32
    %dma_start3A_96 = arith.constant 0 : i32
    %dma_start3A_97 = tpu.memref_slice %arg6[%dma_start3A_95, %dma_start3A_96] : memref<208x96xf32, #tpu.memory_space<vmem>> -> memref<104x96xf32, #tpu.memory_space<vmem>>
    %dma_start3A_98 = arith.constant 0 : i32
    %dma_start3A_99 = tpu.memref_slice %arg5[%dma_start3A_93, %dma_start3A_94, %dma_start3A_98] : memref<8x2x104xi32, #tpu.memory_space<vmem>> -> memref<1x1x104xi32, #tpu.memory_space<vmem>>
    %dma_start3A_100 = tpu.memref_squeeze %dma_start3A_99 : memref<1x1x104xi32, #tpu.memory_space<vmem>> -> memref<104xi32, #tpu.memory_space<vmem>>
    %dma_start3A_101 = arith.constant 0 : i32
    %dma_start3A_102 = arith.constant 0 : i32
    %dma_start3A_103 = tpu.memref_slice %arg2[%dma_start3A_101, %dma_start3A_102] : memref<6656x96xf32, #tpu.memory_space<hbm>> -> memref<6656x96xf32, #tpu.memory_space<hbm>>
    tpu.enqueue_indirect_dma source(%dma_start3A_103 : memref<6656x96xf32, #tpu.memory_space<hbm>>) target(%dma_start3A_97 : memref<104x96xf32, #tpu.memory_space<vmem>>) offsets(%dma_start3A_100 : memref<104xi32, #tpu.memory_space<vmem>>) semaphore(%arg7 : memref<!tpu.dma_semaphore, #tpu.memory_space<semaphore_mem>>) {add = true}
    %dma_start3A_104 = arith.constant 4 : i32
    %dma_start3A_105 = arith.constant 1 : i32
    %dma_start3A_106 = arith.constant 104 : i32
    %dma_start3A_107 = arith.constant 0 : i32
    %dma_start3A_108 = tpu.memref_slice %arg6[%dma_start3A_106, %dma_start3A_107] : memref<208x96xf32, #tpu.memory_space<vmem>> -> memref<104x96xf32, #tpu.memory_space<vmem>>
    %dma_start3A_109 = arith.constant 0 : i32
    %dma_start3A_110 = tpu.memref_slice %arg5[%dma_start3A_104, %dma_start3A_105, %dma_start3A_109] : memref<8x2x104xi32, #tpu.memory_space<vmem>> -> memref<1x1x104xi32, #tpu.memory_space<vmem>>
    %dma_start3A_111 = tpu.memref_squeeze %dma_start3A_110 : memref<1x1x104xi32, #tpu.memory_space<vmem>> -> memref<104xi32, #tpu.memory_space<vmem>>
    %dma_start3A_112 = arith.constant 0 : i32
    %dma_start3A_113 = arith.constant 0 : i32
    %dma_start3A_114 = tpu.memref_slice %arg2[%dma_start3A_112, %dma_start3A_113] : memref<6656x96xf32, #tpu.memory_space<hbm>> -> memref<6656x96xf32, #tpu.memory_space<hbm>>
    tpu.enqueue_indirect_dma source(%dma_start3A_114 : memref<6656x96xf32, #tpu.memory_space<hbm>>) target(%dma_start3A_108 : memref<104x96xf32, #tpu.memory_space<vmem>>) offsets(%dma_start3A_111 : memref<104xi32, #tpu.memory_space<vmem>>) semaphore(%arg7 : memref<!tpu.dma_semaphore, #tpu.memory_space<semaphore_mem>>) {add = true}
    %dma_start3A_115 = arith.constant 5 : i32
    %dma_start3A_116 = arith.constant 0 : i32
    %dma_start3A_117 = arith.constant 0 : i32
    %dma_start3A_118 = arith.constant 0 : i32
    %dma_start3A_119 = tpu.memref_slice %arg6[%dma_start3A_117, %dma_start3A_118] : memref<208x96xf32, #tpu.memory_space<vmem>> -> memref<104x96xf32, #tpu.memory_space<vmem>>
    %dma_start3A_120 = arith.constant 0 : i32
    %dma_start3A_121 = tpu.memref_slice %arg5[%dma_start3A_115, %dma_start3A_116, %dma_start3A_120] : memref<8x2x104xi32, #tpu.memory_space<vmem>> -> memref<1x1x104xi32, #tpu.memory_space<vmem>>
    %dma_start3A_122 = tpu.memref_squeeze %dma_start3A_121 : memref<1x1x104xi32, #tpu.memory_space<vmem>> -> memref<104xi32, #tpu.memory_space<vmem>>
    %dma_start3A_123 = arith.constant 0 : i32
    %dma_start3A_124 = arith.constant 0 : i32
    %dma_start3A_125 = tpu.memref_slice %arg2[%dma_start3A_123, %dma_start3A_124] : memref<6656x96xf32, #tpu.memory_space<hbm>> -> memref<6656x96xf32, #tpu.memory_space<hbm>>
    tpu.enqueue_indirect_dma source(%dma_start3A_125 : memref<6656x96xf32, #tpu.memory_space<hbm>>) target(%dma_start3A_119 : memref<104x96xf32, #tpu.memory_space<vmem>>) offsets(%dma_start3A_122 : memref<104xi32, #tpu.memory_space<vmem>>) semaphore(%arg7 : memref<!tpu.dma_semaphore, #tpu.memory_space<semaphore_mem>>) {add = true}
    %dma_start3A_126 = arith.constant 5 : i32
    %dma_start3A_127 = arith.constant 1 : i32
    %dma_start3A_128 = arith.constant 104 : i32
    %dma_start3A_129 = arith.constant 0 : i32
    %dma_start3A_130 = tpu.memref_slice %arg6[%dma_start3A_128, %dma_start3A_129] : memref<208x96xf32, #tpu.memory_space<vmem>> -> memref<104x96xf32, #tpu.memory_space<vmem>>
    %dma_start3A_131 = arith.constant 0 : i32
    %dma_start3A_132 = tpu.memref_slice %arg5[%dma_start3A_126, %dma_start3A_127, %dma_start3A_131] : memref<8x2x104xi32, #tpu.memory_space<vmem>> -> memref<1x1x104xi32, #tpu.memory_space<vmem>>
    %dma_start3A_133 = tpu.memref_squeeze %dma_start3A_132 : memref<1x1x104xi32, #tpu.memory_space<vmem>> -> memref<104xi32, #tpu.memory_space<vmem>>
    %dma_start3A_134 = arith.constant 0 : i32
    %dma_start3A_135 = arith.constant 0 : i32
    %dma_start3A_136 = tpu.memref_slice %arg2[%dma_start3A_134, %dma_start3A_135] : memref<6656x96xf32, #tpu.memory_space<hbm>> -> memref<6656x96xf32, #tpu.memory_space<hbm>>
    tpu.enqueue_indirect_dma source(%dma_start3A_136 : memref<6656x96xf32, #tpu.memory_space<hbm>>) target(%dma_start3A_130 : memref<104x96xf32, #tpu.memory_space<vmem>>) offsets(%dma_start3A_133 : memref<104xi32, #tpu.memory_space<vmem>>) semaphore(%arg7 : memref<!tpu.dma_semaphore, #tpu.memory_space<semaphore_mem>>) {add = true}
    %dma_start3A_137 = arith.constant 6 : i32
    %dma_start3A_138 = arith.constant 0 : i32
    %dma_start3A_139 = arith.constant 0 : i32
    %dma_start3A_140 = arith.constant 0 : i32
    %dma_start3A_141 = tpu.memref_slice %arg6[%dma_start3A_139, %dma_start3A_140] : memref<208x96xf32, #tpu.memory_space<vmem>> -> memref<104x96xf32, #tpu.memory_space<vmem>>
    %dma_start3A_142 = arith.constant 0 : i32
    %dma_start3A_143 = tpu.memref_slice %arg5[%dma_start3A_137, %dma_start3A_138, %dma_start3A_142] : memref<8x2x104xi32, #tpu.memory_space<vmem>> -> memref<1x1x104xi32, #tpu.memory_space<vmem>>
    %dma_start3A_144 = tpu.memref_squeeze %dma_start3A_143 : memref<1x1x104xi32, #tpu.memory_space<vmem>> -> memref<104xi32, #tpu.memory_space<vmem>>
    %dma_start3A_145 = arith.constant 0 : i32
    %dma_start3A_146 = arith.constant 0 : i32
    %dma_start3A_147 = tpu.memref_slice %arg2[%dma_start3A_145, %dma_start3A_146] : memref<6656x96xf32, #tpu.memory_space<hbm>> -> memref<6656x96xf32, #tpu.memory_space<hbm>>
    tpu.enqueue_indirect_dma source(%dma_start3A_147 : memref<6656x96xf32, #tpu.memory_space<hbm>>) target(%dma_start3A_141 : memref<104x96xf32, #tpu.memory_space<vmem>>) offsets(%dma_start3A_144 : memref<104xi32, #tpu.memory_space<vmem>>) semaphore(%arg7 : memref<!tpu.dma_semaphore, #tpu.memory_space<semaphore_mem>>) {add = true}
    %dma_start3A_148 = arith.constant 6 : i32
    %dma_start3A_149 = arith.constant 1 : i32
    %dma_start3A_150 = arith.constant 104 : i32
    %dma_start3A_151 = arith.constant 0 : i32
    %dma_start3A_152 = tpu.memref_slice %arg6[%dma_start3A_150, %dma_start3A_151] : memref<208x96xf32, #tpu.memory_space<vmem>> -> memref<104x96xf32, #tpu.memory_space<vmem>>
    %dma_start3A_153 = arith.constant 0 : i32
    %dma_start3A_154 = tpu.memref_slice %arg5[%dma_start3A_148, %dma_start3A_149, %dma_start3A_153] : memref<8x2x104xi32, #tpu.memory_space<vmem>> -> memref<1x1x104xi32, #tpu.memory_space<vmem>>
    %dma_start3A_155 = tpu.memref_squeeze %dma_start3A_154 : memref<1x1x104xi32, #tpu.memory_space<vmem>> -> memref<104xi32, #tpu.memory_space<vmem>>
    %dma_start3A_156 = arith.constant 0 : i32
    %dma_start3A_157 = arith.constant 0 : i32
    %dma_start3A_158 = tpu.memref_slice %arg2[%dma_start3A_156, %dma_start3A_157] : memref<6656x96xf32, #tpu.memory_space<hbm>> -> memref<6656x96xf32, #tpu.memory_space<hbm>>
    tpu.enqueue_indirect_dma source(%dma_start3A_158 : memref<6656x96xf32, #tpu.memory_space<hbm>>) target(%dma_start3A_152 : memref<104x96xf32, #tpu.memory_space<vmem>>) offsets(%dma_start3A_155 : memref<104xi32, #tpu.memory_space<vmem>>) semaphore(%arg7 : memref<!tpu.dma_semaphore, #tpu.memory_space<semaphore_mem>>) {add = true}
    %dma_start3A_159 = arith.constant 7 : i32
    %dma_start3A_160 = arith.constant 0 : i32
    %dma_start3A_161 = arith.constant 0 : i32
    %dma_start3A_162 = arith.constant 0 : i32
    %dma_start3A_163 = tpu.memref_slice %arg6[%dma_start3A_161, %dma_start3A_162] : memref<208x96xf32, #tpu.memory_space<vmem>> -> memref<104x96xf32, #tpu.memory_space<vmem>>
    %dma_start3A_164 = arith.constant 0 : i32
    %dma_start3A_165 = tpu.memref_slice %arg5[%dma_start3A_159, %dma_start3A_160, %dma_start3A_164] : memref<8x2x104xi32, #tpu.memory_space<vmem>> -> memref<1x1x104xi32, #tpu.memory_space<vmem>>
    %dma_start3A_166 = tpu.memref_squeeze %dma_start3A_165 : memref<1x1x104xi32, #tpu.memory_space<vmem>> -> memref<104xi32, #tpu.memory_space<vmem>>
    %dma_start3A_167 = arith.constant 0 : i32
    %dma_start3A_168 = arith.constant 0 : i32
    %dma_start3A_169 = tpu.memref_slice %arg2[%dma_start3A_167, %dma_start3A_168] : memref<6656x96xf32, #tpu.memory_space<hbm>> -> memref<6656x96xf32, #tpu.memory_space<hbm>>
    tpu.enqueue_indirect_dma source(%dma_start3A_169 : memref<6656x96xf32, #tpu.memory_space<hbm>>) target(%dma_start3A_163 : memref<104x96xf32, #tpu.memory_space<vmem>>) offsets(%dma_start3A_166 : memref<104xi32, #tpu.memory_space<vmem>>) semaphore(%arg7 : memref<!tpu.dma_semaphore, #tpu.memory_space<semaphore_mem>>) {add = true}
    %dma_start3A_170 = arith.constant 7 : i32
    %dma_start3A_171 = arith.constant 1 : i32
    %dma_start3A_172 = arith.constant 104 : i32
    %dma_start3A_173 = arith.constant 0 : i32
    %dma_start3A_174 = tpu.memref_slice %arg6[%dma_start3A_172, %dma_start3A_173] : memref<208x96xf32, #tpu.memory_space<vmem>> -> memref<104x96xf32, #tpu.memory_space<vmem>>
    %dma_start3A_175 = arith.constant 0 : i32
    %dma_start3A_176 = tpu.memref_slice %arg5[%dma_start3A_170, %dma_start3A_171, %dma_start3A_175] : memref<8x2x104xi32, #tpu.memory_space<vmem>> -> memref<1x1x104xi32, #tpu.memory_space<vmem>>
    %dma_start3A_177 = tpu.memref_squeeze %dma_start3A_176 : memref<1x1x104xi32, #tpu.memory_space<vmem>> -> memref<104xi32, #tpu.memory_space<vmem>>
    %dma_start3A_178 = arith.constant 0 : i32
    %dma_start3A_179 = arith.constant 0 : i32
    %dma_start3A_180 = tpu.memref_slice %arg2[%dma_start3A_178, %dma_start3A_179] : memref<6656x96xf32, #tpu.memory_space<hbm>> -> memref<6656x96xf32, #tpu.memory_space<hbm>>
    tpu.enqueue_indirect_dma source(%dma_start3A_180 : memref<6656x96xf32, #tpu.memory_space<hbm>>) target(%dma_start3A_174 : memref<104x96xf32, #tpu.memory_space<vmem>>) offsets(%dma_start3A_177 : memref<104xi32, #tpu.memory_space<vmem>>) semaphore(%arg7 : memref<!tpu.dma_semaphore, #tpu.memory_space<semaphore_mem>>) {add = true}
    %dma_wait3A = arith.constant 0 : i32
    %dma_wait3A_181 = arith.constant 0 : i32
    %dma_wait3A_182 = arith.constant 0 : i32
    %dma_wait3A_183 = arith.constant 0 : i32
    %dma_wait3A_184 = tpu.memref_slice %arg6[%dma_wait3A_182, %dma_wait3A_183] : memref<208x96xf32, #tpu.memory_space<vmem>> -> memref<104x96xf32, #tpu.memory_space<vmem>>
    %dma_wait3A_185 = arith.constant 0 : i32
    %dma_wait3A_186 = tpu.memref_slice %arg5[%dma_wait3A, %dma_wait3A_181, %dma_wait3A_185] : memref<8x2x104xi32, #tpu.memory_space<vmem>> -> memref<1x1x104xi32, #tpu.memory_space<vmem>>
    %dma_wait3A_187 = tpu.memref_squeeze %dma_wait3A_186 : memref<1x1x104xi32, #tpu.memory_space<vmem>> -> memref<104xi32, #tpu.memory_space<vmem>>
    %dma_wait3A_188 = arith.constant 0 : i32
    %dma_wait3A_189 = arith.constant 0 : i32
    %dma_wait3A_190 = tpu.memref_slice %arg2[%dma_wait3A_188, %dma_wait3A_189] : memref<6656x96xf32, #tpu.memory_space<hbm>> -> memref<6656x96xf32, #tpu.memory_space<hbm>>
    tpu.wait_indirect_dma semaphore(%arg7 : memref<!tpu.dma_semaphore, #tpu.memory_space<semaphore_mem>>) src(%dma_wait3A_190 : memref<6656x96xf32, #tpu.memory_space<hbm>>) dst(%dma_wait3A_184 : memref<104x96xf32, #tpu.memory_space<vmem>>)
    %dma_wait3A_191 = arith.constant 0 : i32
    %dma_wait3A_192 = arith.constant 1 : i32
    %dma_wait3A_193 = arith.constant 104 : i32
    %dma_wait3A_194 = arith.constant 0 : i32
    %dma_wait3A_195 = tpu.memref_slice %arg6[%dma_wait3A_193, %dma_wait3A_194] : memref<208x96xf32, #tpu.memory_space<vmem>> -> memref<104x96xf32, #tpu.memory_space<vmem>>
    %dma_wait3A_196 = arith.constant 0 : i32
    %dma_wait3A_197 = tpu.memref_slice %arg5[%dma_wait3A_191, %dma_wait3A_192, %dma_wait3A_196] : memref<8x2x104xi32, #tpu.memory_space<vmem>> -> memref<1x1x104xi32, #tpu.memory_space<vmem>>
    %dma_wait3A_198 = tpu.memref_squeeze %dma_wait3A_197 : memref<1x1x104xi32, #tpu.memory_space<vmem>> -> memref<104xi32, #tpu.memory_space<vmem>>
    %dma_wait3A_199 = arith.constant 0 : i32
    %dma_wait3A_200 = arith.constant 0 : i32
    %dma_wait3A_201 = tpu.memref_slice %arg2[%dma_wait3A_199, %dma_wait3A_200] : memref<6656x96xf32, #tpu.memory_space<hbm>> -> memref<6656x96xf32, #tpu.memory_space<hbm>>
    tpu.wait_indirect_dma semaphore(%arg7 : memref<!tpu.dma_semaphore, #tpu.memory_space<semaphore_mem>>) src(%dma_wait3A_201 : memref<6656x96xf32, #tpu.memory_space<hbm>>) dst(%dma_wait3A_195 : memref<104x96xf32, #tpu.memory_space<vmem>>)
    %dma_wait3A_202 = arith.constant 1 : i32
    %dma_wait3A_203 = arith.constant 0 : i32
    %dma_wait3A_204 = arith.constant 0 : i32
    %dma_wait3A_205 = arith.constant 0 : i32
    %dma_wait3A_206 = tpu.memref_slice %arg6[%dma_wait3A_204, %dma_wait3A_205] : memref<208x96xf32, #tpu.memory_space<vmem>> -> memref<104x96xf32, #tpu.memory_space<vmem>>
    %dma_wait3A_207 = arith.constant 0 : i32
    %dma_wait3A_208 = tpu.memref_slice %arg5[%dma_wait3A_202, %dma_wait3A_203, %dma_wait3A_207] : memref<8x2x104xi32, #tpu.memory_space<vmem>> -> memref<1x1x104xi32, #tpu.memory_space<vmem>>
    %dma_wait3A_209 = tpu.memref_squeeze %dma_wait3A_208 : memref<1x1x104xi32, #tpu.memory_space<vmem>> -> memref<104xi32, #tpu.memory_space<vmem>>
    %dma_wait3A_210 = arith.constant 0 : i32
    %dma_wait3A_211 = arith.constant 0 : i32
    %dma_wait3A_212 = tpu.memref_slice %arg2[%dma_wait3A_210, %dma_wait3A_211] : memref<6656x96xf32, #tpu.memory_space<hbm>> -> memref<6656x96xf32, #tpu.memory_space<hbm>>
    tpu.wait_indirect_dma semaphore(%arg7 : memref<!tpu.dma_semaphore, #tpu.memory_space<semaphore_mem>>) src(%dma_wait3A_212 : memref<6656x96xf32, #tpu.memory_space<hbm>>) dst(%dma_wait3A_206 : memref<104x96xf32, #tpu.memory_space<vmem>>)
    %dma_wait3A_213 = arith.constant 1 : i32
    %dma_wait3A_214 = arith.constant 1 : i32
    %dma_wait3A_215 = arith.constant 104 : i32
    %dma_wait3A_216 = arith.constant 0 : i32
    %dma_wait3A_217 = tpu.memref_slice %arg6[%dma_wait3A_215, %dma_wait3A_216] : memref<208x96xf32, #tpu.memory_space<vmem>> -> memref<104x96xf32, #tpu.memory_space<vmem>>
    %dma_wait3A_218 = arith.constant 0 : i32
    %dma_wait3A_219 = tpu.memref_slice %arg5[%dma_wait3A_213, %dma_wait3A_214, %dma_wait3A_218] : memref<8x2x104xi32, #tpu.memory_space<vmem>> -> memref<1x1x104xi32, #tpu.memory_space<vmem>>
    %dma_wait3A_220 = tpu.memref_squeeze %dma_wait3A_219 : memref<1x1x104xi32, #tpu.memory_space<vmem>> -> memref<104xi32, #tpu.memory_space<vmem>>
    %dma_wait3A_221 = arith.constant 0 : i32
    %dma_wait3A_222 = arith.constant 0 : i32
    %dma_wait3A_223 = tpu.memref_slice %arg2[%dma_wait3A_221, %dma_wait3A_222] : memref<6656x96xf32, #tpu.memory_space<hbm>> -> memref<6656x96xf32, #tpu.memory_space<hbm>>
    tpu.wait_indirect_dma semaphore(%arg7 : memref<!tpu.dma_semaphore, #tpu.memory_space<semaphore_mem>>) src(%dma_wait3A_223 : memref<6656x96xf32, #tpu.memory_space<hbm>>) dst(%dma_wait3A_217 : memref<104x96xf32, #tpu.memory_space<vmem>>)
    %dma_wait3A_224 = arith.constant 2 : i32
    %dma_wait3A_225 = arith.constant 0 : i32
    %dma_wait3A_226 = arith.constant 0 : i32
    %dma_wait3A_227 = arith.constant 0 : i32
    %dma_wait3A_228 = tpu.memref_slice %arg6[%dma_wait3A_226, %dma_wait3A_227] : memref<208x96xf32, #tpu.memory_space<vmem>> -> memref<104x96xf32, #tpu.memory_space<vmem>>
    %dma_wait3A_229 = arith.constant 0 : i32
    %dma_wait3A_230 = tpu.memref_slice %arg5[%dma_wait3A_224, %dma_wait3A_225, %dma_wait3A_229] : memref<8x2x104xi32, #tpu.memory_space<vmem>> -> memref<1x1x104xi32, #tpu.memory_space<vmem>>
    %dma_wait3A_231 = tpu.memref_squeeze %dma_wait3A_230 : memref<1x1x104xi32, #tpu.memory_space<vmem>> -> memref<104xi32, #tpu.memory_space<vmem>>
    %dma_wait3A_232 = arith.constant 0 : i32
    %dma_wait3A_233 = arith.constant 0 : i32
    %dma_wait3A_234 = tpu.memref_slice %arg2[%dma_wait3A_232, %dma_wait3A_233] : memref<6656x96xf32, #tpu.memory_space<hbm>> -> memref<6656x96xf32, #tpu.memory_space<hbm>>
    tpu.wait_indirect_dma semaphore(%arg7 : memref<!tpu.dma_semaphore, #tpu.memory_space<semaphore_mem>>) src(%dma_wait3A_234 : memref<6656x96xf32, #tpu.memory_space<hbm>>) dst(%dma_wait3A_228 : memref<104x96xf32, #tpu.memory_space<vmem>>)
    %dma_wait3A_235 = arith.constant 2 : i32
    %dma_wait3A_236 = arith.constant 1 : i32
    %dma_wait3A_237 = arith.constant 104 : i32
    %dma_wait3A_238 = arith.constant 0 : i32
    %dma_wait3A_239 = tpu.memref_slice %arg6[%dma_wait3A_237, %dma_wait3A_238] : memref<208x96xf32, #tpu.memory_space<vmem>> -> memref<104x96xf32, #tpu.memory_space<vmem>>
    %dma_wait3A_240 = arith.constant 0 : i32
    %dma_wait3A_241 = tpu.memref_slice %arg5[%dma_wait3A_235, %dma_wait3A_236, %dma_wait3A_240] : memref<8x2x104xi32, #tpu.memory_space<vmem>> -> memref<1x1x104xi32, #tpu.memory_space<vmem>>
    %dma_wait3A_242 = tpu.memref_squeeze %dma_wait3A_241 : memref<1x1x104xi32, #tpu.memory_space<vmem>> -> memref<104xi32, #tpu.memory_space<vmem>>
    %dma_wait3A_243 = arith.constant 0 : i32
    %dma_wait3A_244 = arith.constant 0 : i32
    %dma_wait3A_245 = tpu.memref_slice %arg2[%dma_wait3A_243, %dma_wait3A_244] : memref<6656x96xf32, #tpu.memory_space<hbm>> -> memref<6656x96xf32, #tpu.memory_space<hbm>>
    tpu.wait_indirect_dma semaphore(%arg7 : memref<!tpu.dma_semaphore, #tpu.memory_space<semaphore_mem>>) src(%dma_wait3A_245 : memref<6656x96xf32, #tpu.memory_space<hbm>>) dst(%dma_wait3A_239 : memref<104x96xf32, #tpu.memory_space<vmem>>)
    %dma_wait3A_246 = arith.constant 3 : i32
    %dma_wait3A_247 = arith.constant 0 : i32
    %dma_wait3A_248 = arith.constant 0 : i32
    %dma_wait3A_249 = arith.constant 0 : i32
    %dma_wait3A_250 = tpu.memref_slice %arg6[%dma_wait3A_248, %dma_wait3A_249] : memref<208x96xf32, #tpu.memory_space<vmem>> -> memref<104x96xf32, #tpu.memory_space<vmem>>
    %dma_wait3A_251 = arith.constant 0 : i32
    %dma_wait3A_252 = tpu.memref_slice %arg5[%dma_wait3A_246, %dma_wait3A_247, %dma_wait3A_251] : memref<8x2x104xi32, #tpu.memory_space<vmem>> -> memref<1x1x104xi32, #tpu.memory_space<vmem>>
    %dma_wait3A_253 = tpu.memref_squeeze %dma_wait3A_252 : memref<1x1x104xi32, #tpu.memory_space<vmem>> -> memref<104xi32, #tpu.memory_space<vmem>>
    %dma_wait3A_254 = arith.constant 0 : i32
    %dma_wait3A_255 = arith.constant 0 : i32
    %dma_wait3A_256 = tpu.memref_slice %arg2[%dma_wait3A_254, %dma_wait3A_255] : memref<6656x96xf32, #tpu.memory_space<hbm>> -> memref<6656x96xf32, #tpu.memory_space<hbm>>
    tpu.wait_indirect_dma semaphore(%arg7 : memref<!tpu.dma_semaphore, #tpu.memory_space<semaphore_mem>>) src(%dma_wait3A_256 : memref<6656x96xf32, #tpu.memory_space<hbm>>) dst(%dma_wait3A_250 : memref<104x96xf32, #tpu.memory_space<vmem>>)
    %dma_wait3A_257 = arith.constant 3 : i32
    %dma_wait3A_258 = arith.constant 1 : i32
    %dma_wait3A_259 = arith.constant 104 : i32
    %dma_wait3A_260 = arith.constant 0 : i32
    %dma_wait3A_261 = tpu.memref_slice %arg6[%dma_wait3A_259, %dma_wait3A_260] : memref<208x96xf32, #tpu.memory_space<vmem>> -> memref<104x96xf32, #tpu.memory_space<vmem>>
    %dma_wait3A_262 = arith.constant 0 : i32
    %dma_wait3A_263 = tpu.memref_slice %arg5[%dma_wait3A_257, %dma_wait3A_258, %dma_wait3A_262] : memref<8x2x104xi32, #tpu.memory_space<vmem>> -> memref<1x1x104xi32, #tpu.memory_space<vmem>>
    %dma_wait3A_264 = tpu.memref_squeeze %dma_wait3A_263 : memref<1x1x104xi32, #tpu.memory_space<vmem>> -> memref<104xi32, #tpu.memory_space<vmem>>
    %dma_wait3A_265 = arith.constant 0 : i32
    %dma_wait3A_266 = arith.constant 0 : i32
    %dma_wait3A_267 = tpu.memref_slice %arg2[%dma_wait3A_265, %dma_wait3A_266] : memref<6656x96xf32, #tpu.memory_space<hbm>> -> memref<6656x96xf32, #tpu.memory_space<hbm>>
    tpu.wait_indirect_dma semaphore(%arg7 : memref<!tpu.dma_semaphore, #tpu.memory_space<semaphore_mem>>) src(%dma_wait3A_267 : memref<6656x96xf32, #tpu.memory_space<hbm>>) dst(%dma_wait3A_261 : memref<104x96xf32, #tpu.memory_space<vmem>>)
    %dma_wait3A_268 = arith.constant 4 : i32
    %dma_wait3A_269 = arith.constant 0 : i32
    %dma_wait3A_270 = arith.constant 0 : i32
    %dma_wait3A_271 = arith.constant 0 : i32
    %dma_wait3A_272 = tpu.memref_slice %arg6[%dma_wait3A_270, %dma_wait3A_271] : memref<208x96xf32, #tpu.memory_space<vmem>> -> memref<104x96xf32, #tpu.memory_space<vmem>>
    %dma_wait3A_273 = arith.constant 0 : i32
    %dma_wait3A_274 = tpu.memref_slice %arg5[%dma_wait3A_268, %dma_wait3A_269, %dma_wait3A_273] : memref<8x2x104xi32, #tpu.memory_space<vmem>> -> memref<1x1x104xi32, #tpu.memory_space<vmem>>
    %dma_wait3A_275 = tpu.memref_squeeze %dma_wait3A_274 : memref<1x1x104xi32, #tpu.memory_space<vmem>> -> memref<104xi32, #tpu.memory_space<vmem>>
    %dma_wait3A_276 = arith.constant 0 : i32
    %dma_wait3A_277 = arith.constant 0 : i32
    %dma_wait3A_278 = tpu.memref_slice %arg2[%dma_wait3A_276, %dma_wait3A_277] : memref<6656x96xf32, #tpu.memory_space<hbm>> -> memref<6656x96xf32, #tpu.memory_space<hbm>>
    tpu.wait_indirect_dma semaphore(%arg7 : memref<!tpu.dma_semaphore, #tpu.memory_space<semaphore_mem>>) src(%dma_wait3A_278 : memref<6656x96xf32, #tpu.memory_space<hbm>>) dst(%dma_wait3A_272 : memref<104x96xf32, #tpu.memory_space<vmem>>)
    %dma_wait3A_279 = arith.constant 4 : i32
    %dma_wait3A_280 = arith.constant 1 : i32
    %dma_wait3A_281 = arith.constant 104 : i32
    %dma_wait3A_282 = arith.constant 0 : i32
    %dma_wait3A_283 = tpu.memref_slice %arg6[%dma_wait3A_281, %dma_wait3A_282] : memref<208x96xf32, #tpu.memory_space<vmem>> -> memref<104x96xf32, #tpu.memory_space<vmem>>
    %dma_wait3A_284 = arith.constant 0 : i32
    %dma_wait3A_285 = tpu.memref_slice %arg5[%dma_wait3A_279, %dma_wait3A_280, %dma_wait3A_284] : memref<8x2x104xi32, #tpu.memory_space<vmem>> -> memref<1x1x104xi32, #tpu.memory_space<vmem>>
    %dma_wait3A_286 = tpu.memref_squeeze %dma_wait3A_285 : memref<1x1x104xi32, #tpu.memory_space<vmem>> -> memref<104xi32, #tpu.memory_space<vmem>>
    %dma_wait3A_287 = arith.constant 0 : i32
    %dma_wait3A_288 = arith.constant 0 : i32
    %dma_wait3A_289 = tpu.memref_slice %arg2[%dma_wait3A_287, %dma_wait3A_288] : memref<6656x96xf32, #tpu.memory_space<hbm>> -> memref<6656x96xf32, #tpu.memory_space<hbm>>
    tpu.wait_indirect_dma semaphore(%arg7 : memref<!tpu.dma_semaphore, #tpu.memory_space<semaphore_mem>>) src(%dma_wait3A_289 : memref<6656x96xf32, #tpu.memory_space<hbm>>) dst(%dma_wait3A_283 : memref<104x96xf32, #tpu.memory_space<vmem>>)
    %dma_wait3A_290 = arith.constant 5 : i32
    %dma_wait3A_291 = arith.constant 0 : i32
    %dma_wait3A_292 = arith.constant 0 : i32
    %dma_wait3A_293 = arith.constant 0 : i32
    %dma_wait3A_294 = tpu.memref_slice %arg6[%dma_wait3A_292, %dma_wait3A_293] : memref<208x96xf32, #tpu.memory_space<vmem>> -> memref<104x96xf32, #tpu.memory_space<vmem>>
    %dma_wait3A_295 = arith.constant 0 : i32
    %dma_wait3A_296 = tpu.memref_slice %arg5[%dma_wait3A_290, %dma_wait3A_291, %dma_wait3A_295] : memref<8x2x104xi32, #tpu.memory_space<vmem>> -> memref<1x1x104xi32, #tpu.memory_space<vmem>>
    %dma_wait3A_297 = tpu.memref_squeeze %dma_wait3A_296 : memref<1x1x104xi32, #tpu.memory_space<vmem>> -> memref<104xi32, #tpu.memory_space<vmem>>
    %dma_wait3A_298 = arith.constant 0 : i32
    %dma_wait3A_299 = arith.constant 0 : i32
    %dma_wait3A_300 = tpu.memref_slice %arg2[%dma_wait3A_298, %dma_wait3A_299] : memref<6656x96xf32, #tpu.memory_space<hbm>> -> memref<6656x96xf32, #tpu.memory_space<hbm>>
    tpu.wait_indirect_dma semaphore(%arg7 : memref<!tpu.dma_semaphore, #tpu.memory_space<semaphore_mem>>) src(%dma_wait3A_300 : memref<6656x96xf32, #tpu.memory_space<hbm>>) dst(%dma_wait3A_294 : memref<104x96xf32, #tpu.memory_space<vmem>>)
    %dma_wait3A_301 = arith.constant 5 : i32
    %dma_wait3A_302 = arith.constant 1 : i32
    %dma_wait3A_303 = arith.constant 104 : i32
    %dma_wait3A_304 = arith.constant 0 : i32
    %dma_wait3A_305 = tpu.memref_slice %arg6[%dma_wait3A_303, %dma_wait3A_304] : memref<208x96xf32, #tpu.memory_space<vmem>> -> memref<104x96xf32, #tpu.memory_space<vmem>>
    %dma_wait3A_306 = arith.constant 0 : i32
    %dma_wait3A_307 = tpu.memref_slice %arg5[%dma_wait3A_301, %dma_wait3A_302, %dma_wait3A_306] : memref<8x2x104xi32, #tpu.memory_space<vmem>> -> memref<1x1x104xi32, #tpu.memory_space<vmem>>
    %dma_wait3A_308 = tpu.memref_squeeze %dma_wait3A_307 : memref<1x1x104xi32, #tpu.memory_space<vmem>> -> memref<104xi32, #tpu.memory_space<vmem>>
    %dma_wait3A_309 = arith.constant 0 : i32
    %dma_wait3A_310 = arith.constant 0 : i32
    %dma_wait3A_311 = tpu.memref_slice %arg2[%dma_wait3A_309, %dma_wait3A_310] : memref<6656x96xf32, #tpu.memory_space<hbm>> -> memref<6656x96xf32, #tpu.memory_space<hbm>>
    tpu.wait_indirect_dma semaphore(%arg7 : memref<!tpu.dma_semaphore, #tpu.memory_space<semaphore_mem>>) src(%dma_wait3A_311 : memref<6656x96xf32, #tpu.memory_space<hbm>>) dst(%dma_wait3A_305 : memref<104x96xf32, #tpu.memory_space<vmem>>)
    %dma_wait3A_312 = arith.constant 6 : i32
    %dma_wait3A_313 = arith.constant 0 : i32
    %dma_wait3A_314 = arith.constant 0 : i32
    %dma_wait3A_315 = arith.constant 0 : i32
    %dma_wait3A_316 = tpu.memref_slice %arg6[%dma_wait3A_314, %dma_wait3A_315] : memref<208x96xf32, #tpu.memory_space<vmem>> -> memref<104x96xf32, #tpu.memory_space<vmem>>
    %dma_wait3A_317 = arith.constant 0 : i32
    %dma_wait3A_318 = tpu.memref_slice %arg5[%dma_wait3A_312, %dma_wait3A_313, %dma_wait3A_317] : memref<8x2x104xi32, #tpu.memory_space<vmem>> -> memref<1x1x104xi32, #tpu.memory_space<vmem>>
    %dma_wait3A_319 = tpu.memref_squeeze %dma_wait3A_318 : memref<1x1x104xi32, #tpu.memory_space<vmem>> -> memref<104xi32, #tpu.memory_space<vmem>>
    %dma_wait3A_320 = arith.constant 0 : i32
    %dma_wait3A_321 = arith.constant 0 : i32
    %dma_wait3A_322 = tpu.memref_slice %arg2[%dma_wait3A_320, %dma_wait3A_321] : memref<6656x96xf32, #tpu.memory_space<hbm>> -> memref<6656x96xf32, #tpu.memory_space<hbm>>
    tpu.wait_indirect_dma semaphore(%arg7 : memref<!tpu.dma_semaphore, #tpu.memory_space<semaphore_mem>>) src(%dma_wait3A_322 : memref<6656x96xf32, #tpu.memory_space<hbm>>) dst(%dma_wait3A_316 : memref<104x96xf32, #tpu.memory_space<vmem>>)
    %dma_wait3A_323 = arith.constant 6 : i32
    %dma_wait3A_324 = arith.constant 1 : i32
    %dma_wait3A_325 = arith.constant 104 : i32
    %dma_wait3A_326 = arith.constant 0 : i32
    %dma_wait3A_327 = tpu.memref_slice %arg6[%dma_wait3A_325, %dma_wait3A_326] : memref<208x96xf32, #tpu.memory_space<vmem>> -> memref<104x96xf32, #tpu.memory_space<vmem>>
    %dma_wait3A_328 = arith.constant 0 : i32
    %dma_wait3A_329 = tpu.memref_slice %arg5[%dma_wait3A_323, %dma_wait3A_324, %dma_wait3A_328] : memref<8x2x104xi32, #tpu.memory_space<vmem>> -> memref<1x1x104xi32, #tpu.memory_space<vmem>>
    %dma_wait3A_330 = tpu.memref_squeeze %dma_wait3A_329 : memref<1x1x104xi32, #tpu.memory_space<vmem>> -> memref<104xi32, #tpu.memory_space<vmem>>
    %dma_wait3A_331 = arith.constant 0 : i32
    %dma_wait3A_332 = arith.constant 0 : i32
    %dma_wait3A_333 = tpu.memref_slice %arg2[%dma_wait3A_331, %dma_wait3A_332] : memref<6656x96xf32, #tpu.memory_space<hbm>> -> memref<6656x96xf32, #tpu.memory_space<hbm>>
    tpu.wait_indirect_dma semaphore(%arg7 : memref<!tpu.dma_semaphore, #tpu.memory_space<semaphore_mem>>) src(%dma_wait3A_333 : memref<6656x96xf32, #tpu.memory_space<hbm>>) dst(%dma_wait3A_327 : memref<104x96xf32, #tpu.memory_space<vmem>>)
    %dma_wait3A_334 = arith.constant 7 : i32
    %dma_wait3A_335 = arith.constant 0 : i32
    %dma_wait3A_336 = arith.constant 0 : i32
    %dma_wait3A_337 = arith.constant 0 : i32
    %dma_wait3A_338 = tpu.memref_slice %arg6[%dma_wait3A_336, %dma_wait3A_337] : memref<208x96xf32, #tpu.memory_space<vmem>> -> memref<104x96xf32, #tpu.memory_space<vmem>>
    %dma_wait3A_339 = arith.constant 0 : i32
    %dma_wait3A_340 = tpu.memref_slice %arg5[%dma_wait3A_334, %dma_wait3A_335, %dma_wait3A_339] : memref<8x2x104xi32, #tpu.memory_space<vmem>> -> memref<1x1x104xi32, #tpu.memory_space<vmem>>
    %dma_wait3A_341 = tpu.memref_squeeze %dma_wait3A_340 : memref<1x1x104xi32, #tpu.memory_space<vmem>> -> memref<104xi32, #tpu.memory_space<vmem>>
    %dma_wait3A_342 = arith.constant 0 : i32
    %dma_wait3A_343 = arith.constant 0 : i32
    %dma_wait3A_344 = tpu.memref_slice %arg2[%dma_wait3A_342, %dma_wait3A_343] : memref<6656x96xf32, #tpu.memory_space<hbm>> -> memref<6656x96xf32, #tpu.memory_space<hbm>>
    tpu.wait_indirect_dma semaphore(%arg7 : memref<!tpu.dma_semaphore, #tpu.memory_space<semaphore_mem>>) src(%dma_wait3A_344 : memref<6656x96xf32, #tpu.memory_space<hbm>>) dst(%dma_wait3A_338 : memref<104x96xf32, #tpu.memory_space<vmem>>)
    %dma_wait3A_345 = arith.constant 7 : i32
    %dma_wait3A_346 = arith.constant 1 : i32
    %dma_wait3A_347 = arith.constant 104 : i32
    %dma_wait3A_348 = arith.constant 0 : i32
    %dma_wait3A_349 = tpu.memref_slice %arg6[%dma_wait3A_347, %dma_wait3A_348] : memref<208x96xf32, #tpu.memory_space<vmem>> -> memref<104x96xf32, #tpu.memory_space<vmem>>
    %dma_wait3A_350 = arith.constant 0 : i32
    %dma_wait3A_351 = tpu.memref_slice %arg5[%dma_wait3A_345, %dma_wait3A_346, %dma_wait3A_350] : memref<8x2x104xi32, #tpu.memory_space<vmem>> -> memref<1x1x104xi32, #tpu.memory_space<vmem>>
    %dma_wait3A_352 = tpu.memref_squeeze %dma_wait3A_351 : memref<1x1x104xi32, #tpu.memory_space<vmem>> -> memref<104xi32, #tpu.memory_space<vmem>>
    %dma_wait3A_353 = arith.constant 0 : i32
    %dma_wait3A_354 = arith.constant 0 : i32
    %dma_wait3A_355 = tpu.memref_slice %arg2[%dma_wait3A_353, %dma_wait3A_354] : memref<6656x96xf32, #tpu.memory_space<hbm>> -> memref<6656x96xf32, #tpu.memory_space<hbm>>
    tpu.wait_indirect_dma semaphore(%arg7 : memref<!tpu.dma_semaphore, #tpu.memory_space<semaphore_mem>>) src(%dma_wait3A_355 : memref<6656x96xf32, #tpu.memory_space<hbm>>) dst(%dma_wait3A_349 : memref<104x96xf32, #tpu.memory_space<vmem>>)
    "tpu.trace_stop"() : () -> ()
    "tpu.trace_start"() <{level = 10 : i32, message = "gm_out"}> : () -> ()
    %mul3A_356 = arith.constant 208 : i32
    %mul3A_357 = arith.muli %add3A, %mul3A_356 : i32
    "tpu.region"() ({
      %run_scoped3A = tpu.sem_alloc : memref<!tpu.dma_semaphore, #tpu.memory_space<semaphore_mem>>
      %dma_start3A_358 = arith.constant 0 : i32
      %dma_start3A_359 = tpu.memref_slice %arg4[%mul3A_357, %dma_start3A_358] : memref<6656x96xf32, #tpu.memory_space<hbm>> -> memref<208x96xf32, #tpu.memory_space<hbm>>
      %dma_start3A_360 = arith.constant 0 : i32
      %dma_start3A_361 = tpu.memref_slice %arg4[%mul3A_357, %dma_start3A_360] : memref<6656x96xf32, #tpu.memory_space<hbm>> -> memref<208x96xf32, #tpu.memory_space<hbm>>
      tpu.enqueue_dma source(%arg6 : memref<208x96xf32, #tpu.memory_space<vmem>>) target(%dma_start3A_361 : memref<208x96xf32, #tpu.memory_space<hbm>>) target_semaphore(%run_scoped3A : memref<!tpu.dma_semaphore, #tpu.memory_space<semaphore_mem>>)
      %dma_wait3A_362 = arith.constant 0 : i32
      %dma_wait3A_363 = tpu.memref_slice %arg4[%mul3A_357, %dma_wait3A_362] : memref<6656x96xf32, #tpu.memory_space<hbm>> -> memref<208x96xf32, #tpu.memory_space<hbm>>
      %dma_wait3A_364 = arith.constant 0 : i32
      %dma_wait3A_365 = tpu.memref_slice %arg4[%mul3A_357, %dma_wait3A_364] : memref<6656x96xf32, #tpu.memory_space<hbm>> -> memref<208x96xf32, #tpu.memory_space<hbm>>
      tpu.wait_dma2 semaphore(%run_scoped3A : memref<!tpu.dma_semaphore, #tpu.memory_space<semaphore_mem>>) src(%arg6 : memref<208x96xf32, #tpu.memory_space<vmem>>) dst(%dma_wait3A_365 : memref<208x96xf32, #tpu.memory_space<hbm>>)
      tpu.yield
    }) : () -> ()
    "tpu.trace_stop"() : () -> ()
    return
  }
}

#map = affine_map<(d0, d1) -> (0, 0)>
#map1 = affine_map<(d0, d1) -> (0, 0, 0, 0)>
module attributes {stable_mosaic.version = 14 : i64} {
  func.func @gmean(%arg0: i32, %arg1: i32, %arg2: memref<6656x192xf32, #tpu.memory_space<hbm>>, %arg3: memref<32x8x2x104xi32, #tpu.memory_space<hbm>>, %arg4: memref<6656x192xf32, #tpu.memory_space<hbm>>, %arg5: memref<8x2x104xi32, #tpu.memory_space<vmem>>, %arg6: memref<208x192xf32, #tpu.memory_space<vmem>>, %arg7: memref<!tpu.dma_semaphore, #tpu.memory_space<semaphore_mem>>) attributes {dimension_semantics = [#tpu.dimension_semantics<core_parallel>, #tpu.dimension_semantics<subcore_parallel>], iteration_bounds = array<i64: 2, 16>, scalar_prefetch = 0 : i64, scratch_operands = 3 : i64, tpu.core_type = #tpu.core_type<sc_vector_subcore>, window_params = [{transform_indices = #map}, {transform_indices = #map1}, {transform_indices = #map}]} {
    %mul3A = arith.constant 2 : i32
    %mul3A_0 = arith.muli %arg1, %mul3A : i32
    %add3A = arith.addi %mul3A_0, %arg0 : i32
    "tpu.trace_start"() <{level = 10 : i32, message = "gm_idx"}> : () -> ()
    "tpu.region"() ({
      %run_scoped3A = tpu.sem_alloc : memref<!tpu.dma_semaphore, #tpu.memory_space<semaphore_mem>>
      %dma_start3A_358 = arith.constant 0 : i32
      %dma_start3A_359 = arith.constant 0 : i32
      %dma_start3A_360 = arith.constant 0 : i32
      %dma_start3A_361 = tpu.memref_slice %arg3[%add3A, %dma_start3A_358, %dma_start3A_359, %dma_start3A_360] : memref<32x8x2x104xi32, #tpu.memory_space<hbm>> -> memref<1x8x2x104xi32, #tpu.memory_space<hbm>>
      %dma_start3A_362 = tpu.memref_squeeze %dma_start3A_361 : memref<1x8x2x104xi32, #tpu.memory_space<hbm>> -> memref<8x2x104xi32, #tpu.memory_space<hbm>>
      %dma_start3A_363 = arith.constant 0 : i32
      %dma_start3A_364 = arith.constant 0 : i32
      %dma_start3A_365 = arith.constant 0 : i32
      %dma_start3A_366 = tpu.memref_slice %arg3[%add3A, %dma_start3A_363, %dma_start3A_364, %dma_start3A_365] : memref<32x8x2x104xi32, #tpu.memory_space<hbm>> -> memref<1x8x2x104xi32, #tpu.memory_space<hbm>>
      %dma_start3A_367 = tpu.memref_squeeze %dma_start3A_366 : memref<1x8x2x104xi32, #tpu.memory_space<hbm>> -> memref<8x2x104xi32, #tpu.memory_space<hbm>>
      tpu.enqueue_dma source(%dma_start3A_367 : memref<8x2x104xi32, #tpu.memory_space<hbm>>) target(%arg5 : memref<8x2x104xi32, #tpu.memory_space<vmem>>) target_semaphore(%run_scoped3A : memref<!tpu.dma_semaphore, #tpu.memory_space<semaphore_mem>>)
      %dma_wait3A_368 = arith.constant 0 : i32
      %dma_wait3A_369 = arith.constant 0 : i32
      %dma_wait3A_370 = arith.constant 0 : i32
      %dma_wait3A_371 = tpu.memref_slice %arg3[%add3A, %dma_wait3A_368, %dma_wait3A_369, %dma_wait3A_370] : memref<32x8x2x104xi32, #tpu.memory_space<hbm>> -> memref<1x8x2x104xi32, #tpu.memory_space<hbm>>
      %dma_wait3A_372 = tpu.memref_squeeze %dma_wait3A_371 : memref<1x8x2x104xi32, #tpu.memory_space<hbm>> -> memref<8x2x104xi32, #tpu.memory_space<hbm>>
      %dma_wait3A_373 = arith.constant 0 : i32
      %dma_wait3A_374 = arith.constant 0 : i32
      %dma_wait3A_375 = arith.constant 0 : i32
      %dma_wait3A_376 = tpu.memref_slice %arg3[%add3A, %dma_wait3A_373, %dma_wait3A_374, %dma_wait3A_375] : memref<32x8x2x104xi32, #tpu.memory_space<hbm>> -> memref<1x8x2x104xi32, #tpu.memory_space<hbm>>
      %dma_wait3A_377 = tpu.memref_squeeze %dma_wait3A_376 : memref<1x8x2x104xi32, #tpu.memory_space<hbm>> -> memref<8x2x104xi32, #tpu.memory_space<hbm>>
      tpu.wait_dma2 semaphore(%run_scoped3A : memref<!tpu.dma_semaphore, #tpu.memory_space<semaphore_mem>>) src(%dma_wait3A_377 : memref<8x2x104xi32, #tpu.memory_space<hbm>>) dst(%arg5 : memref<8x2x104xi32, #tpu.memory_space<vmem>>)
      tpu.yield
    }) : () -> ()
    "tpu.trace_stop"() : () -> ()
    "tpu.trace_start"() <{level = 10 : i32, message = "gm_zero"}> : () -> ()
    %scan3A = arith.constant 0 : i32
    %scan3A_1 = arith.constant 0 : i32
    %scan3A_2 = arith.constant 208 : i32
    %scan3A_3 = arith.addi %scan3A_1, %scan3A_2 : i32
    %scan3A_4 = arith.constant 1 : i32
    scf.for %scan3A_358 = %scan3A_1 to %scan3A_3 step %scan3A_4  : i32 {
      %broadcast_in_dim3A = arith.constant 0.000000e+00 : f32
      %broadcast_in_dim3A_359 = vector.broadcast %broadcast_in_dim3A : f32 to vector<16xf32>
      %swap3A = arith.index_cast %scan3A_358 : i32 to index
      %swap3A_360 = arith.constant 0 : index
      %swap3A_361 = tpu.vector_load %arg6[%swap3A, %swap3A_360] {strides = array<i32>} : memref<208x192xf32, #tpu.memory_space<vmem>>, vector<1x16xf32>,
      %swap3A_362 = vector.shape_cast %swap3A_361 : vector<1x16xf32> to vector<16xf32>
      %swap3A_363 = vector.shape_cast %broadcast_in_dim3A_359 : vector<16xf32> to vector<1x16xf32>
      tpu.vector_store %arg6[%swap3A, %swap3A_360], %swap3A_363 {strides = array<i32>} : memref<208x192xf32, #tpu.memory_space<vmem>>, vector<1x16xf32>,
      %broadcast_in_dim3A_364 = arith.constant 0.000000e+00 : f32
      %broadcast_in_dim3A_365 = vector.broadcast %broadcast_in_dim3A_364 : f32 to vector<16xf32>
      %swap3A_366 = arith.index_cast %scan3A_358 : i32 to index
      %swap3A_367 = arith.constant 16 : index
      %swap3A_368 = tpu.vector_load %arg6[%swap3A_366, %swap3A_367] {strides = array<i32>} : memref<208x192xf32, #tpu.memory_space<vmem>>, vector<1x16xf32>,
      %swap3A_369 = vector.shape_cast %swap3A_368 : vector<1x16xf32> to vector<16xf32>
      %swap3A_370 = vector.shape_cast %broadcast_in_dim3A_365 : vector<16xf32> to vector<1x16xf32>
      tpu.vector_store %arg6[%swap3A_366, %swap3A_367], %swap3A_370 {strides = array<i32>} : memref<208x192xf32, #tpu.memory_space<vmem>>, vector<1x16xf32>,
      %broadcast_in_dim3A_371 = arith.constant 0.000000e+00 : f32
      %broadcast_in_dim3A_372 = vector.broadcast %broadcast_in_dim3A_371 : f32 to vector<16xf32>
      %swap3A_373 = arith.index_cast %scan3A_358 : i32 to index
      %swap3A_374 = arith.constant 32 : index
      %swap3A_375 = tpu.vector_load %arg6[%swap3A_373, %swap3A_374] {strides = array<i32>} : memref<208x192xf32, #tpu.memory_space<vmem>>, vector<1x16xf32>,
      %swap3A_376 = vector.shape_cast %swap3A_375 : vector<1x16xf32> to vector<16xf32>
      %swap3A_377 = vector.shape_cast %broadcast_in_dim3A_372 : vector<16xf32> to vector<1x16xf32>
      tpu.vector_store %arg6[%swap3A_373, %swap3A_374], %swap3A_377 {strides = array<i32>} : memref<208x192xf32, #tpu.memory_space<vmem>>, vector<1x16xf32>,
      %broadcast_in_dim3A_378 = arith.constant 0.000000e+00 : f32
      %broadcast_in_dim3A_379 = vector.broadcast %broadcast_in_dim3A_378 : f32 to vector<16xf32>
      %swap3A_380 = arith.index_cast %scan3A_358 : i32 to index
      %swap3A_381 = arith.constant 48 : index
      %swap3A_382 = tpu.vector_load %arg6[%swap3A_380, %swap3A_381] {strides = array<i32>} : memref<208x192xf32, #tpu.memory_space<vmem>>, vector<1x16xf32>,
      %swap3A_383 = vector.shape_cast %swap3A_382 : vector<1x16xf32> to vector<16xf32>
      %swap3A_384 = vector.shape_cast %broadcast_in_dim3A_379 : vector<16xf32> to vector<1x16xf32>
      tpu.vector_store %arg6[%swap3A_380, %swap3A_381], %swap3A_384 {strides = array<i32>} : memref<208x192xf32, #tpu.memory_space<vmem>>, vector<1x16xf32>,
      %broadcast_in_dim3A_385 = arith.constant 0.000000e+00 : f32
      %broadcast_in_dim3A_386 = vector.broadcast %broadcast_in_dim3A_385 : f32 to vector<16xf32>
      %swap3A_387 = arith.index_cast %scan3A_358 : i32 to index
      %swap3A_388 = arith.constant 64 : index
      %swap3A_389 = tpu.vector_load %arg6[%swap3A_387, %swap3A_388] {strides = array<i32>} : memref<208x192xf32, #tpu.memory_space<vmem>>, vector<1x16xf32>,
      %swap3A_390 = vector.shape_cast %swap3A_389 : vector<1x16xf32> to vector<16xf32>
      %swap3A_391 = vector.shape_cast %broadcast_in_dim3A_386 : vector<16xf32> to vector<1x16xf32>
      tpu.vector_store %arg6[%swap3A_387, %swap3A_388], %swap3A_391 {strides = array<i32>} : memref<208x192xf32, #tpu.memory_space<vmem>>, vector<1x16xf32>,
      %broadcast_in_dim3A_392 = arith.constant 0.000000e+00 : f32
      %broadcast_in_dim3A_393 = vector.broadcast %broadcast_in_dim3A_392 : f32 to vector<16xf32>
      %swap3A_394 = arith.index_cast %scan3A_358 : i32 to index
      %swap3A_395 = arith.constant 80 : index
      %swap3A_396 = tpu.vector_load %arg6[%swap3A_394, %swap3A_395] {strides = array<i32>} : memref<208x192xf32, #tpu.memory_space<vmem>>, vector<1x16xf32>,
      %swap3A_397 = vector.shape_cast %swap3A_396 : vector<1x16xf32> to vector<16xf32>
      %swap3A_398 = vector.shape_cast %broadcast_in_dim3A_393 : vector<16xf32> to vector<1x16xf32>
      tpu.vector_store %arg6[%swap3A_394, %swap3A_395], %swap3A_398 {strides = array<i32>} : memref<208x192xf32, #tpu.memory_space<vmem>>, vector<1x16xf32>,
      %broadcast_in_dim3A_399 = arith.constant 0.000000e+00 : f32
      %broadcast_in_dim3A_400 = vector.broadcast %broadcast_in_dim3A_399 : f32 to vector<16xf32>
      %swap3A_401 = arith.index_cast %scan3A_358 : i32 to index
      %swap3A_402 = arith.constant 96 : index
      %swap3A_403 = tpu.vector_load %arg6[%swap3A_401, %swap3A_402] {strides = array<i32>} : memref<208x192xf32, #tpu.memory_space<vmem>>, vector<1x16xf32>,
      %swap3A_404 = vector.shape_cast %swap3A_403 : vector<1x16xf32> to vector<16xf32>
      %swap3A_405 = vector.shape_cast %broadcast_in_dim3A_400 : vector<16xf32> to vector<1x16xf32>
      tpu.vector_store %arg6[%swap3A_401, %swap3A_402], %swap3A_405 {strides = array<i32>} : memref<208x192xf32, #tpu.memory_space<vmem>>, vector<1x16xf32>,
      %broadcast_in_dim3A_406 = arith.constant 0.000000e+00 : f32
      %broadcast_in_dim3A_407 = vector.broadcast %broadcast_in_dim3A_406 : f32 to vector<16xf32>
      %swap3A_408 = arith.index_cast %scan3A_358 : i32 to index
      %swap3A_409 = arith.constant 112 : index
      %swap3A_410 = tpu.vector_load %arg6[%swap3A_408, %swap3A_409] {strides = array<i32>} : memref<208x192xf32, #tpu.memory_space<vmem>>, vector<1x16xf32>,
      %swap3A_411 = vector.shape_cast %swap3A_410 : vector<1x16xf32> to vector<16xf32>
      %swap3A_412 = vector.shape_cast %broadcast_in_dim3A_407 : vector<16xf32> to vector<1x16xf32>
      tpu.vector_store %arg6[%swap3A_408, %swap3A_409], %swap3A_412 {strides = array<i32>} : memref<208x192xf32, #tpu.memory_space<vmem>>, vector<1x16xf32>,
      %broadcast_in_dim3A_413 = arith.constant 0.000000e+00 : f32
      %broadcast_in_dim3A_414 = vector.broadcast %broadcast_in_dim3A_413 : f32 to vector<16xf32>
      %swap3A_415 = arith.index_cast %scan3A_358 : i32 to index
      %swap3A_416 = arith.constant 128 : index
      %swap3A_417 = tpu.vector_load %arg6[%swap3A_415, %swap3A_416] {strides = array<i32>} : memref<208x192xf32, #tpu.memory_space<vmem>>, vector<1x16xf32>,
      %swap3A_418 = vector.shape_cast %swap3A_417 : vector<1x16xf32> to vector<16xf32>
      %swap3A_419 = vector.shape_cast %broadcast_in_dim3A_414 : vector<16xf32> to vector<1x16xf32>
      tpu.vector_store %arg6[%swap3A_415, %swap3A_416], %swap3A_419 {strides = array<i32>} : memref<208x192xf32, #tpu.memory_space<vmem>>, vector<1x16xf32>,
      %broadcast_in_dim3A_420 = arith.constant 0.000000e+00 : f32
      %broadcast_in_dim3A_421 = vector.broadcast %broadcast_in_dim3A_420 : f32 to vector<16xf32>
      %swap3A_422 = arith.index_cast %scan3A_358 : i32 to index
      %swap3A_423 = arith.constant 144 : index
      %swap3A_424 = tpu.vector_load %arg6[%swap3A_422, %swap3A_423] {strides = array<i32>} : memref<208x192xf32, #tpu.memory_space<vmem>>, vector<1x16xf32>,
      %swap3A_425 = vector.shape_cast %swap3A_424 : vector<1x16xf32> to vector<16xf32>
      %swap3A_426 = vector.shape_cast %broadcast_in_dim3A_421 : vector<16xf32> to vector<1x16xf32>
      tpu.vector_store %arg6[%swap3A_422, %swap3A_423], %swap3A_426 {strides = array<i32>} : memref<208x192xf32, #tpu.memory_space<vmem>>, vector<1x16xf32>,
      %broadcast_in_dim3A_427 = arith.constant 0.000000e+00 : f32
      %broadcast_in_dim3A_428 = vector.broadcast %broadcast_in_dim3A_427 : f32 to vector<16xf32>
      %swap3A_429 = arith.index_cast %scan3A_358 : i32 to index
      %swap3A_430 = arith.constant 160 : index
      %swap3A_431 = tpu.vector_load %arg6[%swap3A_429, %swap3A_430] {strides = array<i32>} : memref<208x192xf32, #tpu.memory_space<vmem>>, vector<1x16xf32>,
      %swap3A_432 = vector.shape_cast %swap3A_431 : vector<1x16xf32> to vector<16xf32>
      %swap3A_433 = vector.shape_cast %broadcast_in_dim3A_428 : vector<16xf32> to vector<1x16xf32>
      tpu.vector_store %arg6[%swap3A_429, %swap3A_430], %swap3A_433 {strides = array<i32>} : memref<208x192xf32, #tpu.memory_space<vmem>>, vector<1x16xf32>,
      %broadcast_in_dim3A_434 = arith.constant 0.000000e+00 : f32
      %broadcast_in_dim3A_435 = vector.broadcast %broadcast_in_dim3A_434 : f32 to vector<16xf32>
      %swap3A_436 = arith.index_cast %scan3A_358 : i32 to index
      %swap3A_437 = arith.constant 176 : index
      %swap3A_438 = tpu.vector_load %arg6[%swap3A_436, %swap3A_437] {strides = array<i32>} : memref<208x192xf32, #tpu.memory_space<vmem>>, vector<1x16xf32>,
      %swap3A_439 = vector.shape_cast %swap3A_438 : vector<1x16xf32> to vector<16xf32>
      %swap3A_440 = vector.shape_cast %broadcast_in_dim3A_435 : vector<16xf32> to vector<1x16xf32>
      tpu.vector_store %arg6[%swap3A_436, %swap3A_437], %swap3A_440 {strides = array<i32>} : memref<208x192xf32, #tpu.memory_space<vmem>>, vector<1x16xf32>,
    }
    %scan3A_5 = arith.constant 208 : i32
    %dma_start3A = arith.constant 0 : i32
    %dma_start3A_6 = arith.constant 0 : i32
    "tpu.trace_stop"() : () -> ()
    "tpu.trace_start"() <{level = 10 : i32, message = "gm_gather"}> : () -> ()
    %dma_start3A_7 = arith.constant 0 : i32
    %dma_start3A_8 = arith.constant 0 : i32
    %dma_start3A_9 = tpu.memref_slice %arg6[%dma_start3A_7, %dma_start3A_8] : memref<208x192xf32, #tpu.memory_space<vmem>> -> memref<104x192xf32, #tpu.memory_space<vmem>>
    %dma_start3A_10 = arith.constant 0 : i32
    %dma_start3A_11 = tpu.memref_slice %arg5[%dma_start3A, %dma_start3A_6, %dma_start3A_10] : memref<8x2x104xi32, #tpu.memory_space<vmem>> -> memref<1x1x104xi32, #tpu.memory_space<vmem>>
    %dma_start3A_12 = tpu.memref_squeeze %dma_start3A_11 : memref<1x1x104xi32, #tpu.memory_space<vmem>> -> memref<104xi32, #tpu.memory_space<vmem>>
    %dma_start3A_13 = arith.constant 0 : i32
    %dma_start3A_14 = arith.constant 0 : i32
    %dma_start3A_15 = tpu.memref_slice %arg2[%dma_start3A_13, %dma_start3A_14] : memref<6656x192xf32, #tpu.memory_space<hbm>> -> memref<6656x192xf32, #tpu.memory_space<hbm>>
    tpu.enqueue_indirect_dma source(%dma_start3A_15 : memref<6656x192xf32, #tpu.memory_space<hbm>>) target(%dma_start3A_9 : memref<104x192xf32, #tpu.memory_space<vmem>>) offsets(%dma_start3A_12 : memref<104xi32, #tpu.memory_space<vmem>>) semaphore(%arg7 : memref<!tpu.dma_semaphore, #tpu.memory_space<semaphore_mem>>) {add = true}
    %dma_start3A_16 = arith.constant 0 : i32
    %dma_start3A_17 = arith.constant 1 : i32
    %dma_start3A_18 = arith.constant 104 : i32
    %dma_start3A_19 = arith.constant 0 : i32
    %dma_start3A_20 = tpu.memref_slice %arg6[%dma_start3A_18, %dma_start3A_19] : memref<208x192xf32, #tpu.memory_space<vmem>> -> memref<104x192xf32, #tpu.memory_space<vmem>>
    %dma_start3A_21 = arith.constant 0 : i32
    %dma_start3A_22 = tpu.memref_slice %arg5[%dma_start3A_16, %dma_start3A_17, %dma_start3A_21] : memref<8x2x104xi32, #tpu.memory_space<vmem>> -> memref<1x1x104xi32, #tpu.memory_space<vmem>>
    %dma_start3A_23 = tpu.memref_squeeze %dma_start3A_22 : memref<1x1x104xi32, #tpu.memory_space<vmem>> -> memref<104xi32, #tpu.memory_space<vmem>>
    %dma_start3A_24 = arith.constant 0 : i32
    %dma_start3A_25 = arith.constant 0 : i32
    %dma_start3A_26 = tpu.memref_slice %arg2[%dma_start3A_24, %dma_start3A_25] : memref<6656x192xf32, #tpu.memory_space<hbm>> -> memref<6656x192xf32, #tpu.memory_space<hbm>>
    tpu.enqueue_indirect_dma source(%dma_start3A_26 : memref<6656x192xf32, #tpu.memory_space<hbm>>) target(%dma_start3A_20 : memref<104x192xf32, #tpu.memory_space<vmem>>) offsets(%dma_start3A_23 : memref<104xi32, #tpu.memory_space<vmem>>) semaphore(%arg7 : memref<!tpu.dma_semaphore, #tpu.memory_space<semaphore_mem>>) {add = true}
    %dma_start3A_27 = arith.constant 1 : i32
    %dma_start3A_28 = arith.constant 0 : i32
    %dma_start3A_29 = arith.constant 0 : i32
    %dma_start3A_30 = arith.constant 0 : i32
    %dma_start3A_31 = tpu.memref_slice %arg6[%dma_start3A_29, %dma_start3A_30] : memref<208x192xf32, #tpu.memory_space<vmem>> -> memref<104x192xf32, #tpu.memory_space<vmem>>
    %dma_start3A_32 = arith.constant 0 : i32
    %dma_start3A_33 = tpu.memref_slice %arg5[%dma_start3A_27, %dma_start3A_28, %dma_start3A_32] : memref<8x2x104xi32, #tpu.memory_space<vmem>> -> memref<1x1x104xi32, #tpu.memory_space<vmem>>
    %dma_start3A_34 = tpu.memref_squeeze %dma_start3A_33 : memref<1x1x104xi32, #tpu.memory_space<vmem>> -> memref<104xi32, #tpu.memory_space<vmem>>
    %dma_start3A_35 = arith.constant 0 : i32
    %dma_start3A_36 = arith.constant 0 : i32
    %dma_start3A_37 = tpu.memref_slice %arg2[%dma_start3A_35, %dma_start3A_36] : memref<6656x192xf32, #tpu.memory_space<hbm>> -> memref<6656x192xf32, #tpu.memory_space<hbm>>
    tpu.enqueue_indirect_dma source(%dma_start3A_37 : memref<6656x192xf32, #tpu.memory_space<hbm>>) target(%dma_start3A_31 : memref<104x192xf32, #tpu.memory_space<vmem>>) offsets(%dma_start3A_34 : memref<104xi32, #tpu.memory_space<vmem>>) semaphore(%arg7 : memref<!tpu.dma_semaphore, #tpu.memory_space<semaphore_mem>>) {add = true}
    %dma_start3A_38 = arith.constant 1 : i32
    %dma_start3A_39 = arith.constant 1 : i32
    %dma_start3A_40 = arith.constant 104 : i32
    %dma_start3A_41 = arith.constant 0 : i32
    %dma_start3A_42 = tpu.memref_slice %arg6[%dma_start3A_40, %dma_start3A_41] : memref<208x192xf32, #tpu.memory_space<vmem>> -> memref<104x192xf32, #tpu.memory_space<vmem>>
    %dma_start3A_43 = arith.constant 0 : i32
    %dma_start3A_44 = tpu.memref_slice %arg5[%dma_start3A_38, %dma_start3A_39, %dma_start3A_43] : memref<8x2x104xi32, #tpu.memory_space<vmem>> -> memref<1x1x104xi32, #tpu.memory_space<vmem>>
    %dma_start3A_45 = tpu.memref_squeeze %dma_start3A_44 : memref<1x1x104xi32, #tpu.memory_space<vmem>> -> memref<104xi32, #tpu.memory_space<vmem>>
    %dma_start3A_46 = arith.constant 0 : i32
    %dma_start3A_47 = arith.constant 0 : i32
    %dma_start3A_48 = tpu.memref_slice %arg2[%dma_start3A_46, %dma_start3A_47] : memref<6656x192xf32, #tpu.memory_space<hbm>> -> memref<6656x192xf32, #tpu.memory_space<hbm>>
    tpu.enqueue_indirect_dma source(%dma_start3A_48 : memref<6656x192xf32, #tpu.memory_space<hbm>>) target(%dma_start3A_42 : memref<104x192xf32, #tpu.memory_space<vmem>>) offsets(%dma_start3A_45 : memref<104xi32, #tpu.memory_space<vmem>>) semaphore(%arg7 : memref<!tpu.dma_semaphore, #tpu.memory_space<semaphore_mem>>) {add = true}
    %dma_start3A_49 = arith.constant 2 : i32
    %dma_start3A_50 = arith.constant 0 : i32
    %dma_start3A_51 = arith.constant 0 : i32
    %dma_start3A_52 = arith.constant 0 : i32
    %dma_start3A_53 = tpu.memref_slice %arg6[%dma_start3A_51, %dma_start3A_52] : memref<208x192xf32, #tpu.memory_space<vmem>> -> memref<104x192xf32, #tpu.memory_space<vmem>>
    %dma_start3A_54 = arith.constant 0 : i32
    %dma_start3A_55 = tpu.memref_slice %arg5[%dma_start3A_49, %dma_start3A_50, %dma_start3A_54] : memref<8x2x104xi32, #tpu.memory_space<vmem>> -> memref<1x1x104xi32, #tpu.memory_space<vmem>>
    %dma_start3A_56 = tpu.memref_squeeze %dma_start3A_55 : memref<1x1x104xi32, #tpu.memory_space<vmem>> -> memref<104xi32, #tpu.memory_space<vmem>>
    %dma_start3A_57 = arith.constant 0 : i32
    %dma_start3A_58 = arith.constant 0 : i32
    %dma_start3A_59 = tpu.memref_slice %arg2[%dma_start3A_57, %dma_start3A_58] : memref<6656x192xf32, #tpu.memory_space<hbm>> -> memref<6656x192xf32, #tpu.memory_space<hbm>>
    tpu.enqueue_indirect_dma source(%dma_start3A_59 : memref<6656x192xf32, #tpu.memory_space<hbm>>) target(%dma_start3A_53 : memref<104x192xf32, #tpu.memory_space<vmem>>) offsets(%dma_start3A_56 : memref<104xi32, #tpu.memory_space<vmem>>) semaphore(%arg7 : memref<!tpu.dma_semaphore, #tpu.memory_space<semaphore_mem>>) {add = true}
    %dma_start3A_60 = arith.constant 2 : i32
    %dma_start3A_61 = arith.constant 1 : i32
    %dma_start3A_62 = arith.constant 104 : i32
    %dma_start3A_63 = arith.constant 0 : i32
    %dma_start3A_64 = tpu.memref_slice %arg6[%dma_start3A_62, %dma_start3A_63] : memref<208x192xf32, #tpu.memory_space<vmem>> -> memref<104x192xf32, #tpu.memory_space<vmem>>
    %dma_start3A_65 = arith.constant 0 : i32
    %dma_start3A_66 = tpu.memref_slice %arg5[%dma_start3A_60, %dma_start3A_61, %dma_start3A_65] : memref<8x2x104xi32, #tpu.memory_space<vmem>> -> memref<1x1x104xi32, #tpu.memory_space<vmem>>
    %dma_start3A_67 = tpu.memref_squeeze %dma_start3A_66 : memref<1x1x104xi32, #tpu.memory_space<vmem>> -> memref<104xi32, #tpu.memory_space<vmem>>
    %dma_start3A_68 = arith.constant 0 : i32
    %dma_start3A_69 = arith.constant 0 : i32
    %dma_start3A_70 = tpu.memref_slice %arg2[%dma_start3A_68, %dma_start3A_69] : memref<6656x192xf32, #tpu.memory_space<hbm>> -> memref<6656x192xf32, #tpu.memory_space<hbm>>
    tpu.enqueue_indirect_dma source(%dma_start3A_70 : memref<6656x192xf32, #tpu.memory_space<hbm>>) target(%dma_start3A_64 : memref<104x192xf32, #tpu.memory_space<vmem>>) offsets(%dma_start3A_67 : memref<104xi32, #tpu.memory_space<vmem>>) semaphore(%arg7 : memref<!tpu.dma_semaphore, #tpu.memory_space<semaphore_mem>>) {add = true}
    %dma_start3A_71 = arith.constant 3 : i32
    %dma_start3A_72 = arith.constant 0 : i32
    %dma_start3A_73 = arith.constant 0 : i32
    %dma_start3A_74 = arith.constant 0 : i32
    %dma_start3A_75 = tpu.memref_slice %arg6[%dma_start3A_73, %dma_start3A_74] : memref<208x192xf32, #tpu.memory_space<vmem>> -> memref<104x192xf32, #tpu.memory_space<vmem>>
    %dma_start3A_76 = arith.constant 0 : i32
    %dma_start3A_77 = tpu.memref_slice %arg5[%dma_start3A_71, %dma_start3A_72, %dma_start3A_76] : memref<8x2x104xi32, #tpu.memory_space<vmem>> -> memref<1x1x104xi32, #tpu.memory_space<vmem>>
    %dma_start3A_78 = tpu.memref_squeeze %dma_start3A_77 : memref<1x1x104xi32, #tpu.memory_space<vmem>> -> memref<104xi32, #tpu.memory_space<vmem>>
    %dma_start3A_79 = arith.constant 0 : i32
    %dma_start3A_80 = arith.constant 0 : i32
    %dma_start3A_81 = tpu.memref_slice %arg2[%dma_start3A_79, %dma_start3A_80] : memref<6656x192xf32, #tpu.memory_space<hbm>> -> memref<6656x192xf32, #tpu.memory_space<hbm>>
    tpu.enqueue_indirect_dma source(%dma_start3A_81 : memref<6656x192xf32, #tpu.memory_space<hbm>>) target(%dma_start3A_75 : memref<104x192xf32, #tpu.memory_space<vmem>>) offsets(%dma_start3A_78 : memref<104xi32, #tpu.memory_space<vmem>>) semaphore(%arg7 : memref<!tpu.dma_semaphore, #tpu.memory_space<semaphore_mem>>) {add = true}
    %dma_start3A_82 = arith.constant 3 : i32
    %dma_start3A_83 = arith.constant 1 : i32
    %dma_start3A_84 = arith.constant 104 : i32
    %dma_start3A_85 = arith.constant 0 : i32
    %dma_start3A_86 = tpu.memref_slice %arg6[%dma_start3A_84, %dma_start3A_85] : memref<208x192xf32, #tpu.memory_space<vmem>> -> memref<104x192xf32, #tpu.memory_space<vmem>>
    %dma_start3A_87 = arith.constant 0 : i32
    %dma_start3A_88 = tpu.memref_slice %arg5[%dma_start3A_82, %dma_start3A_83, %dma_start3A_87] : memref<8x2x104xi32, #tpu.memory_space<vmem>> -> memref<1x1x104xi32, #tpu.memory_space<vmem>>
    %dma_start3A_89 = tpu.memref_squeeze %dma_start3A_88 : memref<1x1x104xi32, #tpu.memory_space<vmem>> -> memref<104xi32, #tpu.memory_space<vmem>>
    %dma_start3A_90 = arith.constant 0 : i32
    %dma_start3A_91 = arith.constant 0 : i32
    %dma_start3A_92 = tpu.memref_slice %arg2[%dma_start3A_90, %dma_start3A_91] : memref<6656x192xf32, #tpu.memory_space<hbm>> -> memref<6656x192xf32, #tpu.memory_space<hbm>>
    tpu.enqueue_indirect_dma source(%dma_start3A_92 : memref<6656x192xf32, #tpu.memory_space<hbm>>) target(%dma_start3A_86 : memref<104x192xf32, #tpu.memory_space<vmem>>) offsets(%dma_start3A_89 : memref<104xi32, #tpu.memory_space<vmem>>) semaphore(%arg7 : memref<!tpu.dma_semaphore, #tpu.memory_space<semaphore_mem>>) {add = true}
    %dma_start3A_93 = arith.constant 4 : i32
    %dma_start3A_94 = arith.constant 0 : i32
    %dma_start3A_95 = arith.constant 0 : i32
    %dma_start3A_96 = arith.constant 0 : i32
    %dma_start3A_97 = tpu.memref_slice %arg6[%dma_start3A_95, %dma_start3A_96] : memref<208x192xf32, #tpu.memory_space<vmem>> -> memref<104x192xf32, #tpu.memory_space<vmem>>
    %dma_start3A_98 = arith.constant 0 : i32
    %dma_start3A_99 = tpu.memref_slice %arg5[%dma_start3A_93, %dma_start3A_94, %dma_start3A_98] : memref<8x2x104xi32, #tpu.memory_space<vmem>> -> memref<1x1x104xi32, #tpu.memory_space<vmem>>
    %dma_start3A_100 = tpu.memref_squeeze %dma_start3A_99 : memref<1x1x104xi32, #tpu.memory_space<vmem>> -> memref<104xi32, #tpu.memory_space<vmem>>
    %dma_start3A_101 = arith.constant 0 : i32
    %dma_start3A_102 = arith.constant 0 : i32
    %dma_start3A_103 = tpu.memref_slice %arg2[%dma_start3A_101, %dma_start3A_102] : memref<6656x192xf32, #tpu.memory_space<hbm>> -> memref<6656x192xf32, #tpu.memory_space<hbm>>
    tpu.enqueue_indirect_dma source(%dma_start3A_103 : memref<6656x192xf32, #tpu.memory_space<hbm>>) target(%dma_start3A_97 : memref<104x192xf32, #tpu.memory_space<vmem>>) offsets(%dma_start3A_100 : memref<104xi32, #tpu.memory_space<vmem>>) semaphore(%arg7 : memref<!tpu.dma_semaphore, #tpu.memory_space<semaphore_mem>>) {add = true}
    %dma_start3A_104 = arith.constant 4 : i32
    %dma_start3A_105 = arith.constant 1 : i32
    %dma_start3A_106 = arith.constant 104 : i32
    %dma_start3A_107 = arith.constant 0 : i32
    %dma_start3A_108 = tpu.memref_slice %arg6[%dma_start3A_106, %dma_start3A_107] : memref<208x192xf32, #tpu.memory_space<vmem>> -> memref<104x192xf32, #tpu.memory_space<vmem>>
    %dma_start3A_109 = arith.constant 0 : i32
    %dma_start3A_110 = tpu.memref_slice %arg5[%dma_start3A_104, %dma_start3A_105, %dma_start3A_109] : memref<8x2x104xi32, #tpu.memory_space<vmem>> -> memref<1x1x104xi32, #tpu.memory_space<vmem>>
    %dma_start3A_111 = tpu.memref_squeeze %dma_start3A_110 : memref<1x1x104xi32, #tpu.memory_space<vmem>> -> memref<104xi32, #tpu.memory_space<vmem>>
    %dma_start3A_112 = arith.constant 0 : i32
    %dma_start3A_113 = arith.constant 0 : i32
    %dma_start3A_114 = tpu.memref_slice %arg2[%dma_start3A_112, %dma_start3A_113] : memref<6656x192xf32, #tpu.memory_space<hbm>> -> memref<6656x192xf32, #tpu.memory_space<hbm>>
    tpu.enqueue_indirect_dma source(%dma_start3A_114 : memref<6656x192xf32, #tpu.memory_space<hbm>>) target(%dma_start3A_108 : memref<104x192xf32, #tpu.memory_space<vmem>>) offsets(%dma_start3A_111 : memref<104xi32, #tpu.memory_space<vmem>>) semaphore(%arg7 : memref<!tpu.dma_semaphore, #tpu.memory_space<semaphore_mem>>) {add = true}
    %dma_start3A_115 = arith.constant 5 : i32
    %dma_start3A_116 = arith.constant 0 : i32
    %dma_start3A_117 = arith.constant 0 : i32
    %dma_start3A_118 = arith.constant 0 : i32
    %dma_start3A_119 = tpu.memref_slice %arg6[%dma_start3A_117, %dma_start3A_118] : memref<208x192xf32, #tpu.memory_space<vmem>> -> memref<104x192xf32, #tpu.memory_space<vmem>>
    %dma_start3A_120 = arith.constant 0 : i32
    %dma_start3A_121 = tpu.memref_slice %arg5[%dma_start3A_115, %dma_start3A_116, %dma_start3A_120] : memref<8x2x104xi32, #tpu.memory_space<vmem>> -> memref<1x1x104xi32, #tpu.memory_space<vmem>>
    %dma_start3A_122 = tpu.memref_squeeze %dma_start3A_121 : memref<1x1x104xi32, #tpu.memory_space<vmem>> -> memref<104xi32, #tpu.memory_space<vmem>>
    %dma_start3A_123 = arith.constant 0 : i32
    %dma_start3A_124 = arith.constant 0 : i32
    %dma_start3A_125 = tpu.memref_slice %arg2[%dma_start3A_123, %dma_start3A_124] : memref<6656x192xf32, #tpu.memory_space<hbm>> -> memref<6656x192xf32, #tpu.memory_space<hbm>>
    tpu.enqueue_indirect_dma source(%dma_start3A_125 : memref<6656x192xf32, #tpu.memory_space<hbm>>) target(%dma_start3A_119 : memref<104x192xf32, #tpu.memory_space<vmem>>) offsets(%dma_start3A_122 : memref<104xi32, #tpu.memory_space<vmem>>) semaphore(%arg7 : memref<!tpu.dma_semaphore, #tpu.memory_space<semaphore_mem>>) {add = true}
    %dma_start3A_126 = arith.constant 5 : i32
    %dma_start3A_127 = arith.constant 1 : i32
    %dma_start3A_128 = arith.constant 104 : i32
    %dma_start3A_129 = arith.constant 0 : i32
    %dma_start3A_130 = tpu.memref_slice %arg6[%dma_start3A_128, %dma_start3A_129] : memref<208x192xf32, #tpu.memory_space<vmem>> -> memref<104x192xf32, #tpu.memory_space<vmem>>
    %dma_start3A_131 = arith.constant 0 : i32
    %dma_start3A_132 = tpu.memref_slice %arg5[%dma_start3A_126, %dma_start3A_127, %dma_start3A_131] : memref<8x2x104xi32, #tpu.memory_space<vmem>> -> memref<1x1x104xi32, #tpu.memory_space<vmem>>
    %dma_start3A_133 = tpu.memref_squeeze %dma_start3A_132 : memref<1x1x104xi32, #tpu.memory_space<vmem>> -> memref<104xi32, #tpu.memory_space<vmem>>
    %dma_start3A_134 = arith.constant 0 : i32
    %dma_start3A_135 = arith.constant 0 : i32
    %dma_start3A_136 = tpu.memref_slice %arg2[%dma_start3A_134, %dma_start3A_135] : memref<6656x192xf32, #tpu.memory_space<hbm>> -> memref<6656x192xf32, #tpu.memory_space<hbm>>
    tpu.enqueue_indirect_dma source(%dma_start3A_136 : memref<6656x192xf32, #tpu.memory_space<hbm>>) target(%dma_start3A_130 : memref<104x192xf32, #tpu.memory_space<vmem>>) offsets(%dma_start3A_133 : memref<104xi32, #tpu.memory_space<vmem>>) semaphore(%arg7 : memref<!tpu.dma_semaphore, #tpu.memory_space<semaphore_mem>>) {add = true}
    %dma_start3A_137 = arith.constant 6 : i32
    %dma_start3A_138 = arith.constant 0 : i32
    %dma_start3A_139 = arith.constant 0 : i32
    %dma_start3A_140 = arith.constant 0 : i32
    %dma_start3A_141 = tpu.memref_slice %arg6[%dma_start3A_139, %dma_start3A_140] : memref<208x192xf32, #tpu.memory_space<vmem>> -> memref<104x192xf32, #tpu.memory_space<vmem>>
    %dma_start3A_142 = arith.constant 0 : i32
    %dma_start3A_143 = tpu.memref_slice %arg5[%dma_start3A_137, %dma_start3A_138, %dma_start3A_142] : memref<8x2x104xi32, #tpu.memory_space<vmem>> -> memref<1x1x104xi32, #tpu.memory_space<vmem>>
    %dma_start3A_144 = tpu.memref_squeeze %dma_start3A_143 : memref<1x1x104xi32, #tpu.memory_space<vmem>> -> memref<104xi32, #tpu.memory_space<vmem>>
    %dma_start3A_145 = arith.constant 0 : i32
    %dma_start3A_146 = arith.constant 0 : i32
    %dma_start3A_147 = tpu.memref_slice %arg2[%dma_start3A_145, %dma_start3A_146] : memref<6656x192xf32, #tpu.memory_space<hbm>> -> memref<6656x192xf32, #tpu.memory_space<hbm>>
    tpu.enqueue_indirect_dma source(%dma_start3A_147 : memref<6656x192xf32, #tpu.memory_space<hbm>>) target(%dma_start3A_141 : memref<104x192xf32, #tpu.memory_space<vmem>>) offsets(%dma_start3A_144 : memref<104xi32, #tpu.memory_space<vmem>>) semaphore(%arg7 : memref<!tpu.dma_semaphore, #tpu.memory_space<semaphore_mem>>) {add = true}
    %dma_start3A_148 = arith.constant 6 : i32
    %dma_start3A_149 = arith.constant 1 : i32
    %dma_start3A_150 = arith.constant 104 : i32
    %dma_start3A_151 = arith.constant 0 : i32
    %dma_start3A_152 = tpu.memref_slice %arg6[%dma_start3A_150, %dma_start3A_151] : memref<208x192xf32, #tpu.memory_space<vmem>> -> memref<104x192xf32, #tpu.memory_space<vmem>>
    %dma_start3A_153 = arith.constant 0 : i32
    %dma_start3A_154 = tpu.memref_slice %arg5[%dma_start3A_148, %dma_start3A_149, %dma_start3A_153] : memref<8x2x104xi32, #tpu.memory_space<vmem>> -> memref<1x1x104xi32, #tpu.memory_space<vmem>>
    %dma_start3A_155 = tpu.memref_squeeze %dma_start3A_154 : memref<1x1x104xi32, #tpu.memory_space<vmem>> -> memref<104xi32, #tpu.memory_space<vmem>>
    %dma_start3A_156 = arith.constant 0 : i32
    %dma_start3A_157 = arith.constant 0 : i32
    %dma_start3A_158 = tpu.memref_slice %arg2[%dma_start3A_156, %dma_start3A_157] : memref<6656x192xf32, #tpu.memory_space<hbm>> -> memref<6656x192xf32, #tpu.memory_space<hbm>>
    tpu.enqueue_indirect_dma source(%dma_start3A_158 : memref<6656x192xf32, #tpu.memory_space<hbm>>) target(%dma_start3A_152 : memref<104x192xf32, #tpu.memory_space<vmem>>) offsets(%dma_start3A_155 : memref<104xi32, #tpu.memory_space<vmem>>) semaphore(%arg7 : memref<!tpu.dma_semaphore, #tpu.memory_space<semaphore_mem>>) {add = true}
    %dma_start3A_159 = arith.constant 7 : i32
    %dma_start3A_160 = arith.constant 0 : i32
    %dma_start3A_161 = arith.constant 0 : i32
    %dma_start3A_162 = arith.constant 0 : i32
    %dma_start3A_163 = tpu.memref_slice %arg6[%dma_start3A_161, %dma_start3A_162] : memref<208x192xf32, #tpu.memory_space<vmem>> -> memref<104x192xf32, #tpu.memory_space<vmem>>
    %dma_start3A_164 = arith.constant 0 : i32
    %dma_start3A_165 = tpu.memref_slice %arg5[%dma_start3A_159, %dma_start3A_160, %dma_start3A_164] : memref<8x2x104xi32, #tpu.memory_space<vmem>> -> memref<1x1x104xi32, #tpu.memory_space<vmem>>
    %dma_start3A_166 = tpu.memref_squeeze %dma_start3A_165 : memref<1x1x104xi32, #tpu.memory_space<vmem>> -> memref<104xi32, #tpu.memory_space<vmem>>
    %dma_start3A_167 = arith.constant 0 : i32
    %dma_start3A_168 = arith.constant 0 : i32
    %dma_start3A_169 = tpu.memref_slice %arg2[%dma_start3A_167, %dma_start3A_168] : memref<6656x192xf32, #tpu.memory_space<hbm>> -> memref<6656x192xf32, #tpu.memory_space<hbm>>
    tpu.enqueue_indirect_dma source(%dma_start3A_169 : memref<6656x192xf32, #tpu.memory_space<hbm>>) target(%dma_start3A_163 : memref<104x192xf32, #tpu.memory_space<vmem>>) offsets(%dma_start3A_166 : memref<104xi32, #tpu.memory_space<vmem>>) semaphore(%arg7 : memref<!tpu.dma_semaphore, #tpu.memory_space<semaphore_mem>>) {add = true}
    %dma_start3A_170 = arith.constant 7 : i32
    %dma_start3A_171 = arith.constant 1 : i32
    %dma_start3A_172 = arith.constant 104 : i32
    %dma_start3A_173 = arith.constant 0 : i32
    %dma_start3A_174 = tpu.memref_slice %arg6[%dma_start3A_172, %dma_start3A_173] : memref<208x192xf32, #tpu.memory_space<vmem>> -> memref<104x192xf32, #tpu.memory_space<vmem>>
    %dma_start3A_175 = arith.constant 0 : i32
    %dma_start3A_176 = tpu.memref_slice %arg5[%dma_start3A_170, %dma_start3A_171, %dma_start3A_175] : memref<8x2x104xi32, #tpu.memory_space<vmem>> -> memref<1x1x104xi32, #tpu.memory_space<vmem>>
    %dma_start3A_177 = tpu.memref_squeeze %dma_start3A_176 : memref<1x1x104xi32, #tpu.memory_space<vmem>> -> memref<104xi32, #tpu.memory_space<vmem>>
    %dma_start3A_178 = arith.constant 0 : i32
    %dma_start3A_179 = arith.constant 0 : i32
    %dma_start3A_180 = tpu.memref_slice %arg2[%dma_start3A_178, %dma_start3A_179] : memref<6656x192xf32, #tpu.memory_space<hbm>> -> memref<6656x192xf32, #tpu.memory_space<hbm>>
    tpu.enqueue_indirect_dma source(%dma_start3A_180 : memref<6656x192xf32, #tpu.memory_space<hbm>>) target(%dma_start3A_174 : memref<104x192xf32, #tpu.memory_space<vmem>>) offsets(%dma_start3A_177 : memref<104xi32, #tpu.memory_space<vmem>>) semaphore(%arg7 : memref<!tpu.dma_semaphore, #tpu.memory_space<semaphore_mem>>) {add = true}
    %dma_wait3A = arith.constant 0 : i32
    %dma_wait3A_181 = arith.constant 0 : i32
    %dma_wait3A_182 = arith.constant 0 : i32
    %dma_wait3A_183 = arith.constant 0 : i32
    %dma_wait3A_184 = tpu.memref_slice %arg6[%dma_wait3A_182, %dma_wait3A_183] : memref<208x192xf32, #tpu.memory_space<vmem>> -> memref<104x192xf32, #tpu.memory_space<vmem>>
    %dma_wait3A_185 = arith.constant 0 : i32
    %dma_wait3A_186 = tpu.memref_slice %arg5[%dma_wait3A, %dma_wait3A_181, %dma_wait3A_185] : memref<8x2x104xi32, #tpu.memory_space<vmem>> -> memref<1x1x104xi32, #tpu.memory_space<vmem>>
    %dma_wait3A_187 = tpu.memref_squeeze %dma_wait3A_186 : memref<1x1x104xi32, #tpu.memory_space<vmem>> -> memref<104xi32, #tpu.memory_space<vmem>>
    %dma_wait3A_188 = arith.constant 0 : i32
    %dma_wait3A_189 = arith.constant 0 : i32
    %dma_wait3A_190 = tpu.memref_slice %arg2[%dma_wait3A_188, %dma_wait3A_189] : memref<6656x192xf32, #tpu.memory_space<hbm>> -> memref<6656x192xf32, #tpu.memory_space<hbm>>
    tpu.wait_indirect_dma semaphore(%arg7 : memref<!tpu.dma_semaphore, #tpu.memory_space<semaphore_mem>>) src(%dma_wait3A_190 : memref<6656x192xf32, #tpu.memory_space<hbm>>) dst(%dma_wait3A_184 : memref<104x192xf32, #tpu.memory_space<vmem>>)
    %dma_wait3A_191 = arith.constant 0 : i32
    %dma_wait3A_192 = arith.constant 1 : i32
    %dma_wait3A_193 = arith.constant 104 : i32
    %dma_wait3A_194 = arith.constant 0 : i32
    %dma_wait3A_195 = tpu.memref_slice %arg6[%dma_wait3A_193, %dma_wait3A_194] : memref<208x192xf32, #tpu.memory_space<vmem>> -> memref<104x192xf32, #tpu.memory_space<vmem>>
    %dma_wait3A_196 = arith.constant 0 : i32
    %dma_wait3A_197 = tpu.memref_slice %arg5[%dma_wait3A_191, %dma_wait3A_192, %dma_wait3A_196] : memref<8x2x104xi32, #tpu.memory_space<vmem>> -> memref<1x1x104xi32, #tpu.memory_space<vmem>>
    %dma_wait3A_198 = tpu.memref_squeeze %dma_wait3A_197 : memref<1x1x104xi32, #tpu.memory_space<vmem>> -> memref<104xi32, #tpu.memory_space<vmem>>
    %dma_wait3A_199 = arith.constant 0 : i32
    %dma_wait3A_200 = arith.constant 0 : i32
    %dma_wait3A_201 = tpu.memref_slice %arg2[%dma_wait3A_199, %dma_wait3A_200] : memref<6656x192xf32, #tpu.memory_space<hbm>> -> memref<6656x192xf32, #tpu.memory_space<hbm>>
    tpu.wait_indirect_dma semaphore(%arg7 : memref<!tpu.dma_semaphore, #tpu.memory_space<semaphore_mem>>) src(%dma_wait3A_201 : memref<6656x192xf32, #tpu.memory_space<hbm>>) dst(%dma_wait3A_195 : memref<104x192xf32, #tpu.memory_space<vmem>>)
    %dma_wait3A_202 = arith.constant 1 : i32
    %dma_wait3A_203 = arith.constant 0 : i32
    %dma_wait3A_204 = arith.constant 0 : i32
    %dma_wait3A_205 = arith.constant 0 : i32
    %dma_wait3A_206 = tpu.memref_slice %arg6[%dma_wait3A_204, %dma_wait3A_205] : memref<208x192xf32, #tpu.memory_space<vmem>> -> memref<104x192xf32, #tpu.memory_space<vmem>>
    %dma_wait3A_207 = arith.constant 0 : i32
    %dma_wait3A_208 = tpu.memref_slice %arg5[%dma_wait3A_202, %dma_wait3A_203, %dma_wait3A_207] : memref<8x2x104xi32, #tpu.memory_space<vmem>> -> memref<1x1x104xi32, #tpu.memory_space<vmem>>
    %dma_wait3A_209 = tpu.memref_squeeze %dma_wait3A_208 : memref<1x1x104xi32, #tpu.memory_space<vmem>> -> memref<104xi32, #tpu.memory_space<vmem>>
    %dma_wait3A_210 = arith.constant 0 : i32
    %dma_wait3A_211 = arith.constant 0 : i32
    %dma_wait3A_212 = tpu.memref_slice %arg2[%dma_wait3A_210, %dma_wait3A_211] : memref<6656x192xf32, #tpu.memory_space<hbm>> -> memref<6656x192xf32, #tpu.memory_space<hbm>>
    tpu.wait_indirect_dma semaphore(%arg7 : memref<!tpu.dma_semaphore, #tpu.memory_space<semaphore_mem>>) src(%dma_wait3A_212 : memref<6656x192xf32, #tpu.memory_space<hbm>>) dst(%dma_wait3A_206 : memref<104x192xf32, #tpu.memory_space<vmem>>)
    %dma_wait3A_213 = arith.constant 1 : i32
    %dma_wait3A_214 = arith.constant 1 : i32
    %dma_wait3A_215 = arith.constant 104 : i32
    %dma_wait3A_216 = arith.constant 0 : i32
    %dma_wait3A_217 = tpu.memref_slice %arg6[%dma_wait3A_215, %dma_wait3A_216] : memref<208x192xf32, #tpu.memory_space<vmem>> -> memref<104x192xf32, #tpu.memory_space<vmem>>
    %dma_wait3A_218 = arith.constant 0 : i32
    %dma_wait3A_219 = tpu.memref_slice %arg5[%dma_wait3A_213, %dma_wait3A_214, %dma_wait3A_218] : memref<8x2x104xi32, #tpu.memory_space<vmem>> -> memref<1x1x104xi32, #tpu.memory_space<vmem>>
    %dma_wait3A_220 = tpu.memref_squeeze %dma_wait3A_219 : memref<1x1x104xi32, #tpu.memory_space<vmem>> -> memref<104xi32, #tpu.memory_space<vmem>>
    %dma_wait3A_221 = arith.constant 0 : i32
    %dma_wait3A_222 = arith.constant 0 : i32
    %dma_wait3A_223 = tpu.memref_slice %arg2[%dma_wait3A_221, %dma_wait3A_222] : memref<6656x192xf32, #tpu.memory_space<hbm>> -> memref<6656x192xf32, #tpu.memory_space<hbm>>
    tpu.wait_indirect_dma semaphore(%arg7 : memref<!tpu.dma_semaphore, #tpu.memory_space<semaphore_mem>>) src(%dma_wait3A_223 : memref<6656x192xf32, #tpu.memory_space<hbm>>) dst(%dma_wait3A_217 : memref<104x192xf32, #tpu.memory_space<vmem>>)
    %dma_wait3A_224 = arith.constant 2 : i32
    %dma_wait3A_225 = arith.constant 0 : i32
    %dma_wait3A_226 = arith.constant 0 : i32
    %dma_wait3A_227 = arith.constant 0 : i32
    %dma_wait3A_228 = tpu.memref_slice %arg6[%dma_wait3A_226, %dma_wait3A_227] : memref<208x192xf32, #tpu.memory_space<vmem>> -> memref<104x192xf32, #tpu.memory_space<vmem>>
    %dma_wait3A_229 = arith.constant 0 : i32
    %dma_wait3A_230 = tpu.memref_slice %arg5[%dma_wait3A_224, %dma_wait3A_225, %dma_wait3A_229] : memref<8x2x104xi32, #tpu.memory_space<vmem>> -> memref<1x1x104xi32, #tpu.memory_space<vmem>>
    %dma_wait3A_231 = tpu.memref_squeeze %dma_wait3A_230 : memref<1x1x104xi32, #tpu.memory_space<vmem>> -> memref<104xi32, #tpu.memory_space<vmem>>
    %dma_wait3A_232 = arith.constant 0 : i32
    %dma_wait3A_233 = arith.constant 0 : i32
    %dma_wait3A_234 = tpu.memref_slice %arg2[%dma_wait3A_232, %dma_wait3A_233] : memref<6656x192xf32, #tpu.memory_space<hbm>> -> memref<6656x192xf32, #tpu.memory_space<hbm>>
    tpu.wait_indirect_dma semaphore(%arg7 : memref<!tpu.dma_semaphore, #tpu.memory_space<semaphore_mem>>) src(%dma_wait3A_234 : memref<6656x192xf32, #tpu.memory_space<hbm>>) dst(%dma_wait3A_228 : memref<104x192xf32, #tpu.memory_space<vmem>>)
    %dma_wait3A_235 = arith.constant 2 : i32
    %dma_wait3A_236 = arith.constant 1 : i32
    %dma_wait3A_237 = arith.constant 104 : i32
    %dma_wait3A_238 = arith.constant 0 : i32
    %dma_wait3A_239 = tpu.memref_slice %arg6[%dma_wait3A_237, %dma_wait3A_238] : memref<208x192xf32, #tpu.memory_space<vmem>> -> memref<104x192xf32, #tpu.memory_space<vmem>>
    %dma_wait3A_240 = arith.constant 0 : i32
    %dma_wait3A_241 = tpu.memref_slice %arg5[%dma_wait3A_235, %dma_wait3A_236, %dma_wait3A_240] : memref<8x2x104xi32, #tpu.memory_space<vmem>> -> memref<1x1x104xi32, #tpu.memory_space<vmem>>
    %dma_wait3A_242 = tpu.memref_squeeze %dma_wait3A_241 : memref<1x1x104xi32, #tpu.memory_space<vmem>> -> memref<104xi32, #tpu.memory_space<vmem>>
    %dma_wait3A_243 = arith.constant 0 : i32
    %dma_wait3A_244 = arith.constant 0 : i32
    %dma_wait3A_245 = tpu.memref_slice %arg2[%dma_wait3A_243, %dma_wait3A_244] : memref<6656x192xf32, #tpu.memory_space<hbm>> -> memref<6656x192xf32, #tpu.memory_space<hbm>>
    tpu.wait_indirect_dma semaphore(%arg7 : memref<!tpu.dma_semaphore, #tpu.memory_space<semaphore_mem>>) src(%dma_wait3A_245 : memref<6656x192xf32, #tpu.memory_space<hbm>>) dst(%dma_wait3A_239 : memref<104x192xf32, #tpu.memory_space<vmem>>)
    %dma_wait3A_246 = arith.constant 3 : i32
    %dma_wait3A_247 = arith.constant 0 : i32
    %dma_wait3A_248 = arith.constant 0 : i32
    %dma_wait3A_249 = arith.constant 0 : i32
    %dma_wait3A_250 = tpu.memref_slice %arg6[%dma_wait3A_248, %dma_wait3A_249] : memref<208x192xf32, #tpu.memory_space<vmem>> -> memref<104x192xf32, #tpu.memory_space<vmem>>
    %dma_wait3A_251 = arith.constant 0 : i32
    %dma_wait3A_252 = tpu.memref_slice %arg5[%dma_wait3A_246, %dma_wait3A_247, %dma_wait3A_251] : memref<8x2x104xi32, #tpu.memory_space<vmem>> -> memref<1x1x104xi32, #tpu.memory_space<vmem>>
    %dma_wait3A_253 = tpu.memref_squeeze %dma_wait3A_252 : memref<1x1x104xi32, #tpu.memory_space<vmem>> -> memref<104xi32, #tpu.memory_space<vmem>>
    %dma_wait3A_254 = arith.constant 0 : i32
    %dma_wait3A_255 = arith.constant 0 : i32
    %dma_wait3A_256 = tpu.memref_slice %arg2[%dma_wait3A_254, %dma_wait3A_255] : memref<6656x192xf32, #tpu.memory_space<hbm>> -> memref<6656x192xf32, #tpu.memory_space<hbm>>
    tpu.wait_indirect_dma semaphore(%arg7 : memref<!tpu.dma_semaphore, #tpu.memory_space<semaphore_mem>>) src(%dma_wait3A_256 : memref<6656x192xf32, #tpu.memory_space<hbm>>) dst(%dma_wait3A_250 : memref<104x192xf32, #tpu.memory_space<vmem>>)
    %dma_wait3A_257 = arith.constant 3 : i32
    %dma_wait3A_258 = arith.constant 1 : i32
    %dma_wait3A_259 = arith.constant 104 : i32
    %dma_wait3A_260 = arith.constant 0 : i32
    %dma_wait3A_261 = tpu.memref_slice %arg6[%dma_wait3A_259, %dma_wait3A_260] : memref<208x192xf32, #tpu.memory_space<vmem>> -> memref<104x192xf32, #tpu.memory_space<vmem>>
    %dma_wait3A_262 = arith.constant 0 : i32
    %dma_wait3A_263 = tpu.memref_slice %arg5[%dma_wait3A_257, %dma_wait3A_258, %dma_wait3A_262] : memref<8x2x104xi32, #tpu.memory_space<vmem>> -> memref<1x1x104xi32, #tpu.memory_space<vmem>>
    %dma_wait3A_264 = tpu.memref_squeeze %dma_wait3A_263 : memref<1x1x104xi32, #tpu.memory_space<vmem>> -> memref<104xi32, #tpu.memory_space<vmem>>
    %dma_wait3A_265 = arith.constant 0 : i32
    %dma_wait3A_266 = arith.constant 0 : i32
    %dma_wait3A_267 = tpu.memref_slice %arg2[%dma_wait3A_265, %dma_wait3A_266] : memref<6656x192xf32, #tpu.memory_space<hbm>> -> memref<6656x192xf32, #tpu.memory_space<hbm>>
    tpu.wait_indirect_dma semaphore(%arg7 : memref<!tpu.dma_semaphore, #tpu.memory_space<semaphore_mem>>) src(%dma_wait3A_267 : memref<6656x192xf32, #tpu.memory_space<hbm>>) dst(%dma_wait3A_261 : memref<104x192xf32, #tpu.memory_space<vmem>>)
    %dma_wait3A_268 = arith.constant 4 : i32
    %dma_wait3A_269 = arith.constant 0 : i32
    %dma_wait3A_270 = arith.constant 0 : i32
    %dma_wait3A_271 = arith.constant 0 : i32
    %dma_wait3A_272 = tpu.memref_slice %arg6[%dma_wait3A_270, %dma_wait3A_271] : memref<208x192xf32, #tpu.memory_space<vmem>> -> memref<104x192xf32, #tpu.memory_space<vmem>>
    %dma_wait3A_273 = arith.constant 0 : i32
    %dma_wait3A_274 = tpu.memref_slice %arg5[%dma_wait3A_268, %dma_wait3A_269, %dma_wait3A_273] : memref<8x2x104xi32, #tpu.memory_space<vmem>> -> memref<1x1x104xi32, #tpu.memory_space<vmem>>
    %dma_wait3A_275 = tpu.memref_squeeze %dma_wait3A_274 : memref<1x1x104xi32, #tpu.memory_space<vmem>> -> memref<104xi32, #tpu.memory_space<vmem>>
    %dma_wait3A_276 = arith.constant 0 : i32
    %dma_wait3A_277 = arith.constant 0 : i32
    %dma_wait3A_278 = tpu.memref_slice %arg2[%dma_wait3A_276, %dma_wait3A_277] : memref<6656x192xf32, #tpu.memory_space<hbm>> -> memref<6656x192xf32, #tpu.memory_space<hbm>>
    tpu.wait_indirect_dma semaphore(%arg7 : memref<!tpu.dma_semaphore, #tpu.memory_space<semaphore_mem>>) src(%dma_wait3A_278 : memref<6656x192xf32, #tpu.memory_space<hbm>>) dst(%dma_wait3A_272 : memref<104x192xf32, #tpu.memory_space<vmem>>)
    %dma_wait3A_279 = arith.constant 4 : i32
    %dma_wait3A_280 = arith.constant 1 : i32
    %dma_wait3A_281 = arith.constant 104 : i32
    %dma_wait3A_282 = arith.constant 0 : i32
    %dma_wait3A_283 = tpu.memref_slice %arg6[%dma_wait3A_281, %dma_wait3A_282] : memref<208x192xf32, #tpu.memory_space<vmem>> -> memref<104x192xf32, #tpu.memory_space<vmem>>
    %dma_wait3A_284 = arith.constant 0 : i32
    %dma_wait3A_285 = tpu.memref_slice %arg5[%dma_wait3A_279, %dma_wait3A_280, %dma_wait3A_284] : memref<8x2x104xi32, #tpu.memory_space<vmem>> -> memref<1x1x104xi32, #tpu.memory_space<vmem>>
    %dma_wait3A_286 = tpu.memref_squeeze %dma_wait3A_285 : memref<1x1x104xi32, #tpu.memory_space<vmem>> -> memref<104xi32, #tpu.memory_space<vmem>>
    %dma_wait3A_287 = arith.constant 0 : i32
    %dma_wait3A_288 = arith.constant 0 : i32
    %dma_wait3A_289 = tpu.memref_slice %arg2[%dma_wait3A_287, %dma_wait3A_288] : memref<6656x192xf32, #tpu.memory_space<hbm>> -> memref<6656x192xf32, #tpu.memory_space<hbm>>
    tpu.wait_indirect_dma semaphore(%arg7 : memref<!tpu.dma_semaphore, #tpu.memory_space<semaphore_mem>>) src(%dma_wait3A_289 : memref<6656x192xf32, #tpu.memory_space<hbm>>) dst(%dma_wait3A_283 : memref<104x192xf32, #tpu.memory_space<vmem>>)
    %dma_wait3A_290 = arith.constant 5 : i32
    %dma_wait3A_291 = arith.constant 0 : i32
    %dma_wait3A_292 = arith.constant 0 : i32
    %dma_wait3A_293 = arith.constant 0 : i32
    %dma_wait3A_294 = tpu.memref_slice %arg6[%dma_wait3A_292, %dma_wait3A_293] : memref<208x192xf32, #tpu.memory_space<vmem>> -> memref<104x192xf32, #tpu.memory_space<vmem>>
    %dma_wait3A_295 = arith.constant 0 : i32
    %dma_wait3A_296 = tpu.memref_slice %arg5[%dma_wait3A_290, %dma_wait3A_291, %dma_wait3A_295] : memref<8x2x104xi32, #tpu.memory_space<vmem>> -> memref<1x1x104xi32, #tpu.memory_space<vmem>>
    %dma_wait3A_297 = tpu.memref_squeeze %dma_wait3A_296 : memref<1x1x104xi32, #tpu.memory_space<vmem>> -> memref<104xi32, #tpu.memory_space<vmem>>
    %dma_wait3A_298 = arith.constant 0 : i32
    %dma_wait3A_299 = arith.constant 0 : i32
    %dma_wait3A_300 = tpu.memref_slice %arg2[%dma_wait3A_298, %dma_wait3A_299] : memref<6656x192xf32, #tpu.memory_space<hbm>> -> memref<6656x192xf32, #tpu.memory_space<hbm>>
    tpu.wait_indirect_dma semaphore(%arg7 : memref<!tpu.dma_semaphore, #tpu.memory_space<semaphore_mem>>) src(%dma_wait3A_300 : memref<6656x192xf32, #tpu.memory_space<hbm>>) dst(%dma_wait3A_294 : memref<104x192xf32, #tpu.memory_space<vmem>>)
    %dma_wait3A_301 = arith.constant 5 : i32
    %dma_wait3A_302 = arith.constant 1 : i32
    %dma_wait3A_303 = arith.constant 104 : i32
    %dma_wait3A_304 = arith.constant 0 : i32
    %dma_wait3A_305 = tpu.memref_slice %arg6[%dma_wait3A_303, %dma_wait3A_304] : memref<208x192xf32, #tpu.memory_space<vmem>> -> memref<104x192xf32, #tpu.memory_space<vmem>>
    %dma_wait3A_306 = arith.constant 0 : i32
    %dma_wait3A_307 = tpu.memref_slice %arg5[%dma_wait3A_301, %dma_wait3A_302, %dma_wait3A_306] : memref<8x2x104xi32, #tpu.memory_space<vmem>> -> memref<1x1x104xi32, #tpu.memory_space<vmem>>
    %dma_wait3A_308 = tpu.memref_squeeze %dma_wait3A_307 : memref<1x1x104xi32, #tpu.memory_space<vmem>> -> memref<104xi32, #tpu.memory_space<vmem>>
    %dma_wait3A_309 = arith.constant 0 : i32
    %dma_wait3A_310 = arith.constant 0 : i32
    %dma_wait3A_311 = tpu.memref_slice %arg2[%dma_wait3A_309, %dma_wait3A_310] : memref<6656x192xf32, #tpu.memory_space<hbm>> -> memref<6656x192xf32, #tpu.memory_space<hbm>>
    tpu.wait_indirect_dma semaphore(%arg7 : memref<!tpu.dma_semaphore, #tpu.memory_space<semaphore_mem>>) src(%dma_wait3A_311 : memref<6656x192xf32, #tpu.memory_space<hbm>>) dst(%dma_wait3A_305 : memref<104x192xf32, #tpu.memory_space<vmem>>)
    %dma_wait3A_312 = arith.constant 6 : i32
    %dma_wait3A_313 = arith.constant 0 : i32
    %dma_wait3A_314 = arith.constant 0 : i32
    %dma_wait3A_315 = arith.constant 0 : i32
    %dma_wait3A_316 = tpu.memref_slice %arg6[%dma_wait3A_314, %dma_wait3A_315] : memref<208x192xf32, #tpu.memory_space<vmem>> -> memref<104x192xf32, #tpu.memory_space<vmem>>
    %dma_wait3A_317 = arith.constant 0 : i32
    %dma_wait3A_318 = tpu.memref_slice %arg5[%dma_wait3A_312, %dma_wait3A_313, %dma_wait3A_317] : memref<8x2x104xi32, #tpu.memory_space<vmem>> -> memref<1x1x104xi32, #tpu.memory_space<vmem>>
    %dma_wait3A_319 = tpu.memref_squeeze %dma_wait3A_318 : memref<1x1x104xi32, #tpu.memory_space<vmem>> -> memref<104xi32, #tpu.memory_space<vmem>>
    %dma_wait3A_320 = arith.constant 0 : i32
    %dma_wait3A_321 = arith.constant 0 : i32
    %dma_wait3A_322 = tpu.memref_slice %arg2[%dma_wait3A_320, %dma_wait3A_321] : memref<6656x192xf32, #tpu.memory_space<hbm>> -> memref<6656x192xf32, #tpu.memory_space<hbm>>
    tpu.wait_indirect_dma semaphore(%arg7 : memref<!tpu.dma_semaphore, #tpu.memory_space<semaphore_mem>>) src(%dma_wait3A_322 : memref<6656x192xf32, #tpu.memory_space<hbm>>) dst(%dma_wait3A_316 : memref<104x192xf32, #tpu.memory_space<vmem>>)
    %dma_wait3A_323 = arith.constant 6 : i32
    %dma_wait3A_324 = arith.constant 1 : i32
    %dma_wait3A_325 = arith.constant 104 : i32
    %dma_wait3A_326 = arith.constant 0 : i32
    %dma_wait3A_327 = tpu.memref_slice %arg6[%dma_wait3A_325, %dma_wait3A_326] : memref<208x192xf32, #tpu.memory_space<vmem>> -> memref<104x192xf32, #tpu.memory_space<vmem>>
    %dma_wait3A_328 = arith.constant 0 : i32
    %dma_wait3A_329 = tpu.memref_slice %arg5[%dma_wait3A_323, %dma_wait3A_324, %dma_wait3A_328] : memref<8x2x104xi32, #tpu.memory_space<vmem>> -> memref<1x1x104xi32, #tpu.memory_space<vmem>>
    %dma_wait3A_330 = tpu.memref_squeeze %dma_wait3A_329 : memref<1x1x104xi32, #tpu.memory_space<vmem>> -> memref<104xi32, #tpu.memory_space<vmem>>
    %dma_wait3A_331 = arith.constant 0 : i32
    %dma_wait3A_332 = arith.constant 0 : i32
    %dma_wait3A_333 = tpu.memref_slice %arg2[%dma_wait3A_331, %dma_wait3A_332] : memref<6656x192xf32, #tpu.memory_space<hbm>> -> memref<6656x192xf32, #tpu.memory_space<hbm>>
    tpu.wait_indirect_dma semaphore(%arg7 : memref<!tpu.dma_semaphore, #tpu.memory_space<semaphore_mem>>) src(%dma_wait3A_333 : memref<6656x192xf32, #tpu.memory_space<hbm>>) dst(%dma_wait3A_327 : memref<104x192xf32, #tpu.memory_space<vmem>>)
    %dma_wait3A_334 = arith.constant 7 : i32
    %dma_wait3A_335 = arith.constant 0 : i32
    %dma_wait3A_336 = arith.constant 0 : i32
    %dma_wait3A_337 = arith.constant 0 : i32
    %dma_wait3A_338 = tpu.memref_slice %arg6[%dma_wait3A_336, %dma_wait3A_337] : memref<208x192xf32, #tpu.memory_space<vmem>> -> memref<104x192xf32, #tpu.memory_space<vmem>>
    %dma_wait3A_339 = arith.constant 0 : i32
    %dma_wait3A_340 = tpu.memref_slice %arg5[%dma_wait3A_334, %dma_wait3A_335, %dma_wait3A_339] : memref<8x2x104xi32, #tpu.memory_space<vmem>> -> memref<1x1x104xi32, #tpu.memory_space<vmem>>
    %dma_wait3A_341 = tpu.memref_squeeze %dma_wait3A_340 : memref<1x1x104xi32, #tpu.memory_space<vmem>> -> memref<104xi32, #tpu.memory_space<vmem>>
    %dma_wait3A_342 = arith.constant 0 : i32
    %dma_wait3A_343 = arith.constant 0 : i32
    %dma_wait3A_344 = tpu.memref_slice %arg2[%dma_wait3A_342, %dma_wait3A_343] : memref<6656x192xf32, #tpu.memory_space<hbm>> -> memref<6656x192xf32, #tpu.memory_space<hbm>>
    tpu.wait_indirect_dma semaphore(%arg7 : memref<!tpu.dma_semaphore, #tpu.memory_space<semaphore_mem>>) src(%dma_wait3A_344 : memref<6656x192xf32, #tpu.memory_space<hbm>>) dst(%dma_wait3A_338 : memref<104x192xf32, #tpu.memory_space<vmem>>)
    %dma_wait3A_345 = arith.constant 7 : i32
    %dma_wait3A_346 = arith.constant 1 : i32
    %dma_wait3A_347 = arith.constant 104 : i32
    %dma_wait3A_348 = arith.constant 0 : i32
    %dma_wait3A_349 = tpu.memref_slice %arg6[%dma_wait3A_347, %dma_wait3A_348] : memref<208x192xf32, #tpu.memory_space<vmem>> -> memref<104x192xf32, #tpu.memory_space<vmem>>
    %dma_wait3A_350 = arith.constant 0 : i32
    %dma_wait3A_351 = tpu.memref_slice %arg5[%dma_wait3A_345, %dma_wait3A_346, %dma_wait3A_350] : memref<8x2x104xi32, #tpu.memory_space<vmem>> -> memref<1x1x104xi32, #tpu.memory_space<vmem>>
    %dma_wait3A_352 = tpu.memref_squeeze %dma_wait3A_351 : memref<1x1x104xi32, #tpu.memory_space<vmem>> -> memref<104xi32, #tpu.memory_space<vmem>>
    %dma_wait3A_353 = arith.constant 0 : i32
    %dma_wait3A_354 = arith.constant 0 : i32
    %dma_wait3A_355 = tpu.memref_slice %arg2[%dma_wait3A_353, %dma_wait3A_354] : memref<6656x192xf32, #tpu.memory_space<hbm>> -> memref<6656x192xf32, #tpu.memory_space<hbm>>
    tpu.wait_indirect_dma semaphore(%arg7 : memref<!tpu.dma_semaphore, #tpu.memory_space<semaphore_mem>>) src(%dma_wait3A_355 : memref<6656x192xf32, #tpu.memory_space<hbm>>) dst(%dma_wait3A_349 : memref<104x192xf32, #tpu.memory_space<vmem>>)
    "tpu.trace_stop"() : () -> ()
    "tpu.trace_start"() <{level = 10 : i32, message = "gm_out"}> : () -> ()
    %mul3A_356 = arith.constant 208 : i32
    %mul3A_357 = arith.muli %add3A, %mul3A_356 : i32
    "tpu.region"() ({
      %run_scoped3A = tpu.sem_alloc : memref<!tpu.dma_semaphore, #tpu.memory_space<semaphore_mem>>
      %dma_start3A_358 = arith.constant 0 : i32
      %dma_start3A_359 = tpu.memref_slice %arg4[%mul3A_357, %dma_start3A_358] : memref<6656x192xf32, #tpu.memory_space<hbm>> -> memref<208x192xf32, #tpu.memory_space<hbm>>
      %dma_start3A_360 = arith.constant 0 : i32
      %dma_start3A_361 = tpu.memref_slice %arg4[%mul3A_357, %dma_start3A_360] : memref<6656x192xf32, #tpu.memory_space<hbm>> -> memref<208x192xf32, #tpu.memory_space<hbm>>
      tpu.enqueue_dma source(%arg6 : memref<208x192xf32, #tpu.memory_space<vmem>>) target(%dma_start3A_361 : memref<208x192xf32, #tpu.memory_space<hbm>>) target_semaphore(%run_scoped3A : memref<!tpu.dma_semaphore, #tpu.memory_space<semaphore_mem>>)
      %dma_wait3A_362 = arith.constant 0 : i32
      %dma_wait3A_363 = tpu.memref_slice %arg4[%mul3A_357, %dma_wait3A_362] : memref<6656x192xf32, #tpu.memory_space<hbm>> -> memref<208x192xf32, #tpu.memory_space<hbm>>
      %dma_wait3A_364 = arith.constant 0 : i32
      %dma_wait3A_365 = tpu.memref_slice %arg4[%mul3A_357, %dma_wait3A_364] : memref<6656x192xf32, #tpu.memory_space<hbm>> -> memref<208x192xf32, #tpu.memory_space<hbm>>
      tpu.wait_dma2 semaphore(%run_scoped3A : memref<!tpu.dma_semaphore, #tpu.memory_space<semaphore_mem>>) src(%arg6 : memref<208x192xf32, #tpu.memory_space<vmem>>) dst(%dma_wait3A_365 : memref<208x192xf32, #tpu.memory_space<hbm>>)
      tpu.yield
    }) : () -> ()
    "tpu.trace_stop"() : () -> ()
    return
  }
}

module attributes {stable_mosaic.version = 14 : i64} {
  func.func @_knn_body(%arg0: i32, %arg1: i32, %arg2: memref<392x96xf32, #tpu.memory_space<vmem>>, %arg3: memref<1x96x3136xf32, #tpu.memory_space<vmem>>, %arg4: memref<1x392x8xi32, #tpu.memory_space<vmem>>) attributes {dimension_semantics = [#tpu.dimension_semantics<arbitrary>, #tpu.dimension_semantics<arbitrary>], iteration_bounds = array<i64: 2, 8>, scalar_prefetch = 0 : i64, scratch_operands = 0 : i64, tpu.core_type = #tpu.core_type<tc>, window_params = [{transform_indices = @transform_0, window_bounds = array<i64: 392, 96>}, {transform_indices = @transform_1, window_bounds = array<i64: 1, 96, 3136>}, {transform_indices = @transform_2, window_bounds = array<i64: 1, 392, 8>}]} {
    %get3A = arith.constant 0 : index
    %get3A_0 = arith.constant 0 : index
    %get3A_1 = vector.load %arg2[%get3A, %get3A_0] : memref<392x96xf32, #tpu.memory_space<vmem>>, vector<392x96xf32>
    %get3A_2 = arith.constant 0 : index
    %get3A_3 = arith.constant 0 : index
    %get3A_4 = arith.constant 0 : index
    %get3A_5 = vector.load %arg3[%get3A_2, %get3A_3, %get3A_4] : memref<1x96x3136xf32, #tpu.memory_space<vmem>>, vector<1x96x3136xf32>
    %get3A_6 = vector.shape_cast %get3A_5 : vector<1x96x3136xf32> to vector<96x3136xf32>
    %mul3A = arith.mulf %get3A_6, %get3A_6 : vector<96x3136xf32>
    %reduce_sum3A = arith.constant dense<0.000000e+00> : vector<3136xf32>
    %reduce_sum3A_7 = vector.multi_reduction <add>, %mul3A, %reduce_sum3A [0] : vector<96x3136xf32> to vector<3136xf32>
    %broadcast_in_dim3A = vector.shape_cast %reduce_sum3A_7 : vector<3136xf32> to vector<1x3136xf32>
    %dot_general3A = arith.constant dense<0.000000e+00> : vector<392x3136xf32>
    %dot_general3A_8 = tpu.matmul %get3A_1, %get3A_6, %dot_general3A {dimension_numbers = #tpu.dot_dimension_numbers<[1], [0], [0], [1], [0, 0, 1, 1], [], []>, transpose_lhs_hint = false} : vector<392x96xf32>, vector<96x3136xf32>, vector<392x3136xf32> -> vector<392x3136xf32>
    %mul3A_9 = arith.constant 2.000000e+00 : f32
    %mul3A_10 = vector.broadcast %mul3A_9 : f32 to vector<392x3136xf32>
    %mul3A_11 = arith.mulf %mul3A_10, %dot_general3A_8 : vector<392x3136xf32>
    %sub3A = vector.broadcast %broadcast_in_dim3A : vector<1x3136xf32> to vector<392x3136xf32>
    %sub3A_12 = arith.subf %sub3A, %mul3A_11 : vector<392x3136xf32>
    %iota3A = tpu.iota {dimensions = array<i32: 1>} : vector<392x3136xi32>
    %mul3A_13 = arith.constant 3136 : i32
    %mul3A_14 = arith.muli %arg0, %mul3A_13 : i32
    %mul3A_15 = arith.constant 392 : i32
    %mul3A_16 = arith.muli %arg1, %mul3A_15 : i32
    %iota3A_17 = tpu.iota {dimensions = array<i32: 0>} : vector<392x1xi32>
    %add3A = vector.broadcast %mul3A_16 : i32 to vector<392x1xi32>
    %add3A_18 = arith.addi %add3A, %iota3A_17 : vector<392x1xi32>
    %eq3A = vector.broadcast %add3A_18 : vector<392x1xi32> to vector<392x3136xi32>
    %eq3A_19 = arith.cmpi eq, %iota3A, %eq3A : vector<392x3136xi32>
    %jit3A = arith.constant 3.000000e+38 : f32
    %broadcast_in_dim3A_20 = vector.broadcast %jit3A : f32 to vector<392x3136xf32>
    %select_n3A = arith.select %eq3A_19, %broadcast_in_dim3A_20, %sub3A_12 : vector<392x3136xi1>, vector<392x3136xf32>
    %reduce_min3A = arith.constant dense<0x7F800000> : vector<392xf32>
    %reduce_min3A_21 = vector.multi_reduction <minimumf>, %select_n3A, %reduce_min3A [1] : vector<392x3136xf32> to vector<392xf32>
    %broadcast_in_dim3A_22 = vector.shape_cast %reduce_min3A_21 : vector<392xf32> to vector<392x1xf32>
    %eq3A_23 = vector.broadcast %broadcast_in_dim3A_22 : vector<392x1xf32> to vector<392x3136xf32>
    %eq3A_24 = arith.cmpf oeq, %select_n3A, %eq3A_23 : vector<392x3136xf32>
    %jit3A_25 = arith.constant 3136 : i32
    %broadcast_in_dim3A_26 = vector.broadcast %jit3A_25 : i32 to vector<392x3136xi32>
    %select_n3A_27 = arith.select %eq3A_24, %iota3A, %broadcast_in_dim3A_26 : vector<392x3136xi1>, vector<392x3136xi32>
    %reduce_min3A_28 = arith.constant dense<2147483647> : vector<392xi32>
    %reduce_min3A_29 = vector.multi_reduction <minsi>, %select_n3A_27, %reduce_min3A_28 [1] : vector<392x3136xi32> to vector<392xi32>
    %broadcast_in_dim3A_30 = vector.shape_cast %reduce_min3A_29 : vector<392xi32> to vector<392x1xi32>
    %jit3A_31 = arith.constant 3.000000e+38 : f32
    %broadcast_in_dim3A_32 = vector.broadcast %jit3A_31 : f32 to vector<392x3136xf32>
    %select_n3A_33 = arith.select %eq3A_24, %broadcast_in_dim3A_32, %select_n3A : vector<392x3136xi1>, vector<392x3136xf32>
    %reduce_min3A_34 = arith.constant dense<0x7F800000> : vector<392xf32>
    %reduce_min3A_35 = vector.multi_reduction <minimumf>, %select_n3A_33, %reduce_min3A_34 [1] : vector<392x3136xf32> to vector<392xf32>
    %broadcast_in_dim3A_36 = vector.shape_cast %reduce_min3A_35 : vector<392xf32> to vector<392x1xf32>
    %eq3A_37 = vector.broadcast %broadcast_in_dim3A_36 : vector<392x1xf32> to vector<392x3136xf32>
    %eq3A_38 = arith.cmpf oeq, %select_n3A_33, %eq3A_37 : vector<392x3136xf32>
    %jit3A_39 = arith.constant 3136 : i32
    %broadcast_in_dim3A_40 = vector.broadcast %jit3A_39 : i32 to vector<392x3136xi32>
    %select_n3A_41 = arith.select %eq3A_38, %iota3A, %broadcast_in_dim3A_40 : vector<392x3136xi1>, vector<392x3136xi32>
    %reduce_min3A_42 = arith.constant dense<2147483647> : vector<392xi32>
    %reduce_min3A_43 = vector.multi_reduction <minsi>, %select_n3A_41, %reduce_min3A_42 [1] : vector<392x3136xi32> to vector<392xi32>
    %broadcast_in_dim3A_44 = vector.shape_cast %reduce_min3A_43 : vector<392xi32> to vector<392x1xi32>
    %jit3A_45 = arith.constant 3.000000e+38 : f32
    %broadcast_in_dim3A_46 = vector.broadcast %jit3A_45 : f32 to vector<392x3136xf32>
    %select_n3A_47 = arith.select %eq3A_38, %broadcast_in_dim3A_46, %select_n3A_33 : vector<392x3136xi1>, vector<392x3136xf32>
    %reduce_min3A_48 = arith.constant dense<0x7F800000> : vector<392xf32>
    %reduce_min3A_49 = vector.multi_reduction <minimumf>, %select_n3A_47, %reduce_min3A_48 [1] : vector<392x3136xf32> to vector<392xf32>
    %broadcast_in_dim3A_50 = vector.shape_cast %reduce_min3A_49 : vector<392xf32> to vector<392x1xf32>
    %eq3A_51 = vector.broadcast %broadcast_in_dim3A_50 : vector<392x1xf32> to vector<392x3136xf32>
    %eq3A_52 = arith.cmpf oeq, %select_n3A_47, %eq3A_51 : vector<392x3136xf32>
    %jit3A_53 = arith.constant 3136 : i32
    %broadcast_in_dim3A_54 = vector.broadcast %jit3A_53 : i32 to vector<392x3136xi32>
    %select_n3A_55 = arith.select %eq3A_52, %iota3A, %broadcast_in_dim3A_54 : vector<392x3136xi1>, vector<392x3136xi32>
    %reduce_min3A_56 = arith.constant dense<2147483647> : vector<392xi32>
    %reduce_min3A_57 = vector.multi_reduction <minsi>, %select_n3A_55, %reduce_min3A_56 [1] : vector<392x3136xi32> to vector<392xi32>
    %broadcast_in_dim3A_58 = vector.shape_cast %reduce_min3A_57 : vector<392xi32> to vector<392x1xi32>
    %jit3A_59 = arith.constant 3.000000e+38 : f32
    %broadcast_in_dim3A_60 = vector.broadcast %jit3A_59 : f32 to vector<392x3136xf32>
    %select_n3A_61 = arith.select %eq3A_52, %broadcast_in_dim3A_60, %select_n3A_47 : vector<392x3136xi1>, vector<392x3136xf32>
    %reduce_min3A_62 = arith.constant dense<0x7F800000> : vector<392xf32>
    %reduce_min3A_63 = vector.multi_reduction <minimumf>, %select_n3A_61, %reduce_min3A_62 [1] : vector<392x3136xf32> to vector<392xf32>
    %broadcast_in_dim3A_64 = vector.shape_cast %reduce_min3A_63 : vector<392xf32> to vector<392x1xf32>
    %eq3A_65 = vector.broadcast %broadcast_in_dim3A_64 : vector<392x1xf32> to vector<392x3136xf32>
    %eq3A_66 = arith.cmpf oeq, %select_n3A_61, %eq3A_65 : vector<392x3136xf32>
    %jit3A_67 = arith.constant 3136 : i32
    %broadcast_in_dim3A_68 = vector.broadcast %jit3A_67 : i32 to vector<392x3136xi32>
    %select_n3A_69 = arith.select %eq3A_66, %iota3A, %broadcast_in_dim3A_68 : vector<392x3136xi1>, vector<392x3136xi32>
    %reduce_min3A_70 = arith.constant dense<2147483647> : vector<392xi32>
    %reduce_min3A_71 = vector.multi_reduction <minsi>, %select_n3A_69, %reduce_min3A_70 [1] : vector<392x3136xi32> to vector<392xi32>
    %broadcast_in_dim3A_72 = vector.shape_cast %reduce_min3A_71 : vector<392xi32> to vector<392x1xi32>
    %jit3A_73 = arith.constant 3.000000e+38 : f32
    %broadcast_in_dim3A_74 = vector.broadcast %jit3A_73 : f32 to vector<392x3136xf32>
    %select_n3A_75 = arith.select %eq3A_66, %broadcast_in_dim3A_74, %select_n3A_61 : vector<392x3136xi1>, vector<392x3136xf32>
    %reduce_min3A_76 = arith.constant dense<0x7F800000> : vector<392xf32>
    %reduce_min3A_77 = vector.multi_reduction <minimumf>, %select_n3A_75, %reduce_min3A_76 [1] : vector<392x3136xf32> to vector<392xf32>
    %broadcast_in_dim3A_78 = vector.shape_cast %reduce_min3A_77 : vector<392xf32> to vector<392x1xf32>
    %eq3A_79 = vector.broadcast %broadcast_in_dim3A_78 : vector<392x1xf32> to vector<392x3136xf32>
    %eq3A_80 = arith.cmpf oeq, %select_n3A_75, %eq3A_79 : vector<392x3136xf32>
    %jit3A_81 = arith.constant 3136 : i32
    %broadcast_in_dim3A_82 = vector.broadcast %jit3A_81 : i32 to vector<392x3136xi32>
    %select_n3A_83 = arith.select %eq3A_80, %iota3A, %broadcast_in_dim3A_82 : vector<392x3136xi1>, vector<392x3136xi32>
    %reduce_min3A_84 = arith.constant dense<2147483647> : vector<392xi32>
    %reduce_min3A_85 = vector.multi_reduction <minsi>, %select_n3A_83, %reduce_min3A_84 [1] : vector<392x3136xi32> to vector<392xi32>
    %broadcast_in_dim3A_86 = vector.shape_cast %reduce_min3A_85 : vector<392xi32> to vector<392x1xi32>
    %jit3A_87 = arith.constant 3.000000e+38 : f32
    %broadcast_in_dim3A_88 = vector.broadcast %jit3A_87 : f32 to vector<392x3136xf32>
    %select_n3A_89 = arith.select %eq3A_80, %broadcast_in_dim3A_88, %select_n3A_75 : vector<392x3136xi1>, vector<392x3136xf32>
    %reduce_min3A_90 = arith.constant dense<0x7F800000> : vector<392xf32>
    %reduce_min3A_91 = vector.multi_reduction <minimumf>, %select_n3A_89, %reduce_min3A_90 [1] : vector<392x3136xf32> to vector<392xf32>
    %broadcast_in_dim3A_92 = vector.shape_cast %reduce_min3A_91 : vector<392xf32> to vector<392x1xf32>
    %eq3A_93 = vector.broadcast %broadcast_in_dim3A_92 : vector<392x1xf32> to vector<392x3136xf32>
    %eq3A_94 = arith.cmpf oeq, %select_n3A_89, %eq3A_93 : vector<392x3136xf32>
    %jit3A_95 = arith.constant 3136 : i32
    %broadcast_in_dim3A_96 = vector.broadcast %jit3A_95 : i32 to vector<392x3136xi32>
    %select_n3A_97 = arith.select %eq3A_94, %iota3A, %broadcast_in_dim3A_96 : vector<392x3136xi1>, vector<392x3136xi32>
    %reduce_min3A_98 = arith.constant dense<2147483647> : vector<392xi32>
    %reduce_min3A_99 = vector.multi_reduction <minsi>, %select_n3A_97, %reduce_min3A_98 [1] : vector<392x3136xi32> to vector<392xi32>
    %broadcast_in_dim3A_100 = vector.shape_cast %reduce_min3A_99 : vector<392xi32> to vector<392x1xi32>
    %jit3A_101 = arith.constant 3.000000e+38 : f32
    %broadcast_in_dim3A_102 = vector.broadcast %jit3A_101 : f32 to vector<392x3136xf32>
    %select_n3A_103 = arith.select %eq3A_94, %broadcast_in_dim3A_102, %select_n3A_89 : vector<392x3136xi1>, vector<392x3136xf32>
    %reduce_min3A_104 = arith.constant dense<0x7F800000> : vector<392xf32>
    %reduce_min3A_105 = vector.multi_reduction <minimumf>, %select_n3A_103, %reduce_min3A_104 [1] : vector<392x3136xf32> to vector<392xf32>
    %broadcast_in_dim3A_106 = vector.shape_cast %reduce_min3A_105 : vector<392xf32> to vector<392x1xf32>
    %eq3A_107 = vector.broadcast %broadcast_in_dim3A_106 : vector<392x1xf32> to vector<392x3136xf32>
    %eq3A_108 = arith.cmpf oeq, %select_n3A_103, %eq3A_107 : vector<392x3136xf32>
    %jit3A_109 = arith.constant 3136 : i32
    %broadcast_in_dim3A_110 = vector.broadcast %jit3A_109 : i32 to vector<392x3136xi32>
    %select_n3A_111 = arith.select %eq3A_108, %iota3A, %broadcast_in_dim3A_110 : vector<392x3136xi1>, vector<392x3136xi32>
    %reduce_min3A_112 = arith.constant dense<2147483647> : vector<392xi32>
    %reduce_min3A_113 = vector.multi_reduction <minsi>, %select_n3A_111, %reduce_min3A_112 [1] : vector<392x3136xi32> to vector<392xi32>
    %broadcast_in_dim3A_114 = vector.shape_cast %reduce_min3A_113 : vector<392xi32> to vector<392x1xi32>
    %concatenate3A = tpu.concatenate %add3A_18, %broadcast_in_dim3A_30, %broadcast_in_dim3A_44, %broadcast_in_dim3A_58, %broadcast_in_dim3A_72, %broadcast_in_dim3A_86, %broadcast_in_dim3A_100, %broadcast_in_dim3A_114 in 1 : vector<392x1xi32>, vector<392x1xi32>, vector<392x1xi32>, vector<392x1xi32>, vector<392x1xi32>, vector<392x1xi32>, vector<392x1xi32>, vector<392x1xi32> -> vector<392x8xi32>
    %add3A_115 = vector.broadcast %mul3A_14 : i32 to vector<392x8xi32>
    %add3A_116 = arith.addi %concatenate3A, %add3A_115 : vector<392x8xi32>
    %swap3A = arith.constant 0 : index
    %swap3A_117 = arith.constant 0 : index
    %swap3A_118 = arith.constant 0 : index
    %swap3A_119 = vector.load %arg4[%swap3A, %swap3A_117, %swap3A_118] : memref<1x392x8xi32, #tpu.memory_space<vmem>>, vector<1x392x8xi32>
    %swap3A_120 = vector.shape_cast %swap3A_119 : vector<1x392x8xi32> to vector<392x8xi32>
    %swap3A_121 = vector.shape_cast %add3A_116 : vector<392x8xi32> to vector<1x392x8xi32>
    tpu.vector_store %arg4[%swap3A, %swap3A_117, %swap3A_118], %swap3A_121 {strides = array<i32>} : memref<1x392x8xi32, #tpu.memory_space<vmem>>, vector<1x392x8xi32>,
    return
  }
  func.func @transform_0(%arg0: i32, %arg1: i32) -> (i32, i32) {
    %mul3A = arith.constant 8 : i32
    %mul3A_0 = arith.muli %arg0, %mul3A : i32
    %add3A = arith.addi %mul3A_0, %arg1 : i32
    %c0_i32 = arith.constant 0 : i32
    %c0_i32_1 = arith.constant 0 : i32
    return %add3A, %c0_i32 : i32, i32
  }
  func.func @transform_1(%arg0: i32, %arg1: i32) -> (i32, i32, i32) {
    %c0_i32 = arith.constant 0 : i32
    %c0_i32_0 = arith.constant 0 : i32
    %c0_i32_1 = arith.constant 0 : i32
    return %arg0, %c0_i32, %c0_i32_0 : i32, i32, i32
  }
  func.func @transform_2(%arg0: i32, %arg1: i32) -> (i32, i32, i32) {
    %c0_i32 = arith.constant 0 : i32
    %c0_i32_0 = arith.constant 0 : i32
    return %arg0, %arg1, %c0_i32 : i32, i32, i32
  }
}

module attributes {stable_mosaic.version = 14 : i64} {
  func.func @_prep_body(%arg0: memref<2x96x3136xf32, #tpu.memory_space<vmem>>, %arg1: memref<3x3x96x96xf32, #tpu.memory_space<vmem>>, %arg2: memref<96x1xf32, #tpu.memory_space<vmem>>, %arg3: memref<96x1xf32, #tpu.memory_space<vmem>>, %arg4: memref<96x1xf32, #tpu.memory_space<vmem>>, %arg5: memref<2x96x3136xf32, #tpu.memory_space<vmem>>, %arg6: memref<6656x96xf32, #tpu.memory_space<vmem>>) attributes {dimension_semantics = [], scalar_prefetch = 0 : i64, scratch_operands = 0 : i64, tpu.core_type = #tpu.core_type<tc>} {
    %iota3A = tpu.iota {dimensions = array<i32: 1>} : vector<1x3136xi32>
    %jit3A = arith.constant 56 : i32
    %eq3A = arith.constant 0 : i32
    %eq3A_0 = arith.cmpi eq, %jit3A, %eq3A : i32
    %jit3A_1 = arith.constant 1 : i32
    %select_n3A = arith.select %eq3A_0, %jit3A_1, %jit3A : i32
    %rem3A = vector.broadcast %select_n3A : i32 to vector<1x3136xi32>
    %rem3A_2 = arith.remsi %iota3A, %rem3A : vector<1x3136xi32>
    %ne3A = arith.constant 0 : i32
    %ne3A_3 = vector.broadcast %ne3A : i32 to vector<1x3136xi32>
    %ne3A_4 = arith.cmpi ne, %rem3A_2, %ne3A_3 : vector<1x3136xi32>
    %lt3A = arith.constant 0 : i32
    %lt3A_5 = vector.broadcast %lt3A : i32 to vector<1x3136xi32>
    %lt3A_6 = arith.cmpi slt, %rem3A_2, %lt3A_5 : vector<1x3136xi32>
    %lt3A_7 = arith.constant 0 : i32
    %lt3A_8 = arith.cmpi slt, %select_n3A, %lt3A_7 : i32
    %ne3A_9 = vector.broadcast %lt3A_8 : i1 to vector<1x3136xi1>
    %ne3A_10 = vector.broadcast %ne3A_9 : vector<1x3136xi1> to vector<1x3136xi1>
    %ne3A_11 = arith.xori %lt3A_6, %ne3A_10 : vector<1x3136xi1>
    %and3A = arith.andi %ne3A_11, %ne3A_4 : vector<1x3136xi1>
    %add3A = vector.broadcast %select_n3A : i32 to vector<1x3136xi32>
    %add3A_12 = arith.addi %rem3A_2, %add3A : vector<1x3136xi32>
    %select_n3A_13 = arith.select %and3A, %add3A_12, %rem3A_2 : vector<1x3136xi1>, vector<1x3136xi32>
    %get3A = arith.constant 0 : index
    %get3A_14 = arith.constant 0 : index
    %get3A_15 = arith.constant 0 : index
    %get3A_16 = vector.load %arg0[%get3A, %get3A_14, %get3A_15] : memref<2x96x3136xf32, #tpu.memory_space<vmem>>, vector<1x96x3136xf32>
    %get3A_17 = vector.shape_cast %get3A_16 : vector<1x96x3136xf32> to vector<96x3136xf32>
    %broadcast_in_dim3A = arith.constant 0.000000e+00 : f32
    %broadcast_in_dim3A_18 = vector.broadcast %broadcast_in_dim3A : f32 to vector<96x3136xf32>
    %broadcast_in_dim3A_19 = arith.constant 0.000000e+00 : f32
    %broadcast_in_dim3A_20 = vector.broadcast %broadcast_in_dim3A_19 : f32 to vector<96x57xf32>
    %slice3A = vector.extract_strided_slice %get3A_17 {offsets = [0, 0], sizes = [96, 3079], strides = [1, 1]} : vector<96x3136xf32> to vector<96x3079xf32>
    %concatenate3A = tpu.concatenate %broadcast_in_dim3A_20, %slice3A in 1 : vector<96x57xf32>, vector<96x3079xf32> -> vector<96x3136xf32>
    %gt3A = arith.constant 0 : i32
    %gt3A_21 = vector.broadcast %gt3A : i32 to vector<1x3136xi32>
    %gt3A_22 = arith.cmpi sgt, %select_n3A_13, %gt3A_21 : vector<1x3136xi32>
    %jit3A_23 = arith.constant 0.000000e+00 : f32
    %broadcast_in_dim3A_24 = vector.shape_cast %gt3A_22 : vector<1x3136xi1> to vector<1x3136xi1>
    %broadcast_in_dim3A_25 = vector.broadcast %broadcast_in_dim3A_24 : vector<1x3136xi1> to vector<96x3136xi1>
    %broadcast_in_dim3A_26 = vector.broadcast %jit3A_23 : f32 to vector<96x3136xf32>
    %select_n3A_27 = arith.select %broadcast_in_dim3A_25, %concatenate3A, %broadcast_in_dim3A_26 : vector<96x3136xi1>, vector<96x3136xf32>
    %get3A_28 = arith.constant 0 : index
    %get3A_29 = arith.constant 0 : index
    %get3A_30 = arith.constant 0 : index
    %get3A_31 = arith.constant 0 : index
    %get3A_32 = vector.load %arg1[%get3A_28, %get3A_29, %get3A_30, %get3A_31] : memref<3x3x96x96xf32, #tpu.memory_space<vmem>>, vector<1x1x96x96xf32>
    %get3A_33 = vector.shape_cast %get3A_32 : vector<1x1x96x96xf32> to vector<96x96xf32>
    %dot_general3A = arith.constant dense<0.000000e+00> : vector<96x3136xf32>
    %dot_general3A_34 = tpu.matmul %get3A_33, %select_n3A_27, %dot_general3A {dimension_numbers = #tpu.dot_dimension_numbers<[1], [0], [0], [1], [0, 0, 1, 1], [], []>, transpose_lhs_hint = false} : vector<96x96xf32>, vector<96x3136xf32>, vector<96x3136xf32> -> vector<96x3136xf32>
    %add3A_35 = arith.addf %broadcast_in_dim3A_18, %dot_general3A_34 : vector<96x3136xf32>
    %broadcast_in_dim3A_36 = arith.constant 0.000000e+00 : f32
    %broadcast_in_dim3A_37 = vector.broadcast %broadcast_in_dim3A_36 : f32 to vector<96x56xf32>
    %slice3A_38 = vector.extract_strided_slice %get3A_17 {offsets = [0, 0], sizes = [96, 3080], strides = [1, 1]} : vector<96x3136xf32> to vector<96x3080xf32>
    %concatenate3A_39 = tpu.concatenate %broadcast_in_dim3A_37, %slice3A_38 in 1 : vector<96x56xf32>, vector<96x3080xf32> -> vector<96x3136xf32>
    %get3A_40 = arith.constant 0 : index
    %get3A_41 = arith.constant 1 : index
    %get3A_42 = arith.constant 0 : index
    %get3A_43 = arith.constant 0 : index
    %get3A_44 = vector.load %arg1[%get3A_40, %get3A_41, %get3A_42, %get3A_43] : memref<3x3x96x96xf32, #tpu.memory_space<vmem>>, vector<1x1x96x96xf32>
    %get3A_45 = vector.shape_cast %get3A_44 : vector<1x1x96x96xf32> to vector<96x96xf32>
    %dot_general3A_46 = arith.constant dense<0.000000e+00> : vector<96x3136xf32>
    %dot_general3A_47 = tpu.matmul %get3A_45, %concatenate3A_39, %dot_general3A_46 {dimension_numbers = #tpu.dot_dimension_numbers<[1], [0], [0], [1], [0, 0, 1, 1], [], []>, transpose_lhs_hint = false} : vector<96x96xf32>, vector<96x3136xf32>, vector<96x3136xf32> -> vector<96x3136xf32>
    %add3A_48 = arith.addf %add3A_35, %dot_general3A_47 : vector<96x3136xf32>
    %broadcast_in_dim3A_49 = arith.constant 0.000000e+00 : f32
    %broadcast_in_dim3A_50 = vector.broadcast %broadcast_in_dim3A_49 : f32 to vector<96x55xf32>
    %slice3A_51 = vector.extract_strided_slice %get3A_17 {offsets = [0, 0], sizes = [96, 3081], strides = [1, 1]} : vector<96x3136xf32> to vector<96x3081xf32>
    %concatenate3A_52 = tpu.concatenate %broadcast_in_dim3A_50, %slice3A_51 in 1 : vector<96x55xf32>, vector<96x3081xf32> -> vector<96x3136xf32>
    %lt3A_53 = arith.constant 55 : i32
    %lt3A_54 = vector.broadcast %lt3A_53 : i32 to vector<1x3136xi32>
    %lt3A_55 = arith.cmpi slt, %select_n3A_13, %lt3A_54 : vector<1x3136xi32>
    %jit3A_56 = arith.constant 0.000000e+00 : f32
    %broadcast_in_dim3A_57 = vector.shape_cast %lt3A_55 : vector<1x3136xi1> to vector<1x3136xi1>
    %broadcast_in_dim3A_58 = vector.broadcast %broadcast_in_dim3A_57 : vector<1x3136xi1> to vector<96x3136xi1>
    %broadcast_in_dim3A_59 = vector.broadcast %jit3A_56 : f32 to vector<96x3136xf32>
    %select_n3A_60 = arith.select %broadcast_in_dim3A_58, %concatenate3A_52, %broadcast_in_dim3A_59 : vector<96x3136xi1>, vector<96x3136xf32>
    %get3A_61 = arith.constant 0 : index
    %get3A_62 = arith.constant 2 : index
    %get3A_63 = arith.constant 0 : index
    %get3A_64 = arith.constant 0 : index
    %get3A_65 = vector.load %arg1[%get3A_61, %get3A_62, %get3A_63, %get3A_64] : memref<3x3x96x96xf32, #tpu.memory_space<vmem>>, vector<1x1x96x96xf32>
    %get3A_66 = vector.shape_cast %get3A_65 : vector<1x1x96x96xf32> to vector<96x96xf32>
    %dot_general3A_67 = arith.constant dense<0.000000e+00> : vector<96x3136xf32>
    %dot_general3A_68 = tpu.matmul %get3A_66, %select_n3A_60, %dot_general3A_67 {dimension_numbers = #tpu.dot_dimension_numbers<[1], [0], [0], [1], [0, 0, 1, 1], [], []>, transpose_lhs_hint = false} : vector<96x96xf32>, vector<96x3136xf32>, vector<96x3136xf32> -> vector<96x3136xf32>
    %add3A_69 = arith.addf %add3A_48, %dot_general3A_68 : vector<96x3136xf32>
    %broadcast_in_dim3A_70 = arith.constant 0.000000e+00 : f32
    %broadcast_in_dim3A_71 = vector.broadcast %broadcast_in_dim3A_70 : f32 to vector<96x1xf32>
    %slice3A_72 = vector.extract_strided_slice %get3A_17 {offsets = [0, 0], sizes = [96, 3135], strides = [1, 1]} : vector<96x3136xf32> to vector<96x3135xf32>
    %concatenate3A_73 = tpu.concatenate %broadcast_in_dim3A_71, %slice3A_72 in 1 : vector<96x1xf32>, vector<96x3135xf32> -> vector<96x3136xf32>
    %gt3A_74 = arith.constant 0 : i32
    %gt3A_75 = vector.broadcast %gt3A_74 : i32 to vector<1x3136xi32>
    %gt3A_76 = arith.cmpi sgt, %select_n3A_13, %gt3A_75 : vector<1x3136xi32>
    %jit3A_77 = arith.constant 0.000000e+00 : f32
    %broadcast_in_dim3A_78 = vector.shape_cast %gt3A_76 : vector<1x3136xi1> to vector<1x3136xi1>
    %broadcast_in_dim3A_79 = vector.broadcast %broadcast_in_dim3A_78 : vector<1x3136xi1> to vector<96x3136xi1>
    %broadcast_in_dim3A_80 = vector.broadcast %jit3A_77 : f32 to vector<96x3136xf32>
    %select_n3A_81 = arith.select %broadcast_in_dim3A_79, %concatenate3A_73, %broadcast_in_dim3A_80 : vector<96x3136xi1>, vector<96x3136xf32>
    %get3A_82 = arith.constant 1 : index
    %get3A_83 = arith.constant 0 : index
    %get3A_84 = arith.constant 0 : index
    %get3A_85 = arith.constant 0 : index
    %get3A_86 = vector.load %arg1[%get3A_82, %get3A_83, %get3A_84, %get3A_85] : memref<3x3x96x96xf32, #tpu.memory_space<vmem>>, vector<1x1x96x96xf32>
    %get3A_87 = vector.shape_cast %get3A_86 : vector<1x1x96x96xf32> to vector<96x96xf32>
    %dot_general3A_88 = arith.constant dense<0.000000e+00> : vector<96x3136xf32>
    %dot_general3A_89 = tpu.matmul %get3A_87, %select_n3A_81, %dot_general3A_88 {dimension_numbers = #tpu.dot_dimension_numbers<[1], [0], [0], [1], [0, 0, 1, 1], [], []>, transpose_lhs_hint = false} : vector<96x96xf32>, vector<96x3136xf32>, vector<96x3136xf32> -> vector<96x3136xf32>
    %add3A_90 = arith.addf %add3A_69, %dot_general3A_89 : vector<96x3136xf32>
    %get3A_91 = arith.constant 1 : index
    %get3A_92 = arith.constant 1 : index
    %get3A_93 = arith.constant 0 : index
    %get3A_94 = arith.constant 0 : index
    %get3A_95 = vector.load %arg1[%get3A_91, %get3A_92, %get3A_93, %get3A_94] : memref<3x3x96x96xf32, #tpu.memory_space<vmem>>, vector<1x1x96x96xf32>
    %get3A_96 = vector.shape_cast %get3A_95 : vector<1x1x96x96xf32> to vector<96x96xf32>
    %dot_general3A_97 = arith.constant dense<0.000000e+00> : vector<96x3136xf32>
    %dot_general3A_98 = tpu.matmul %get3A_96, %get3A_17, %dot_general3A_97 {dimension_numbers = #tpu.dot_dimension_numbers<[1], [0], [0], [1], [0, 0, 1, 1], [], []>, transpose_lhs_hint = false} : vector<96x96xf32>, vector<96x3136xf32>, vector<96x3136xf32> -> vector<96x3136xf32>
    %add3A_99 = arith.addf %add3A_90, %dot_general3A_98 : vector<96x3136xf32>
    %slice3A_100 = vector.extract_strided_slice %get3A_17 {offsets = [0, 1], sizes = [96, 3135], strides = [1, 1]} : vector<96x3136xf32> to vector<96x3135xf32>
    %broadcast_in_dim3A_101 = arith.constant 0.000000e+00 : f32
    %broadcast_in_dim3A_102 = vector.broadcast %broadcast_in_dim3A_101 : f32 to vector<96x1xf32>
    %concatenate3A_103 = tpu.concatenate %slice3A_100, %broadcast_in_dim3A_102 in 1 : vector<96x3135xf32>, vector<96x1xf32> -> vector<96x3136xf32>
    %lt3A_104 = arith.constant 55 : i32
    %lt3A_105 = vector.broadcast %lt3A_104 : i32 to vector<1x3136xi32>
    %lt3A_106 = arith.cmpi slt, %select_n3A_13, %lt3A_105 : vector<1x3136xi32>
    %jit3A_107 = arith.constant 0.000000e+00 : f32
    %broadcast_in_dim3A_108 = vector.shape_cast %lt3A_106 : vector<1x3136xi1> to vector<1x3136xi1>
    %broadcast_in_dim3A_109 = vector.broadcast %broadcast_in_dim3A_108 : vector<1x3136xi1> to vector<96x3136xi1>
    %broadcast_in_dim3A_110 = vector.broadcast %jit3A_107 : f32 to vector<96x3136xf32>
    %select_n3A_111 = arith.select %broadcast_in_dim3A_109, %concatenate3A_103, %broadcast_in_dim3A_110 : vector<96x3136xi1>, vector<96x3136xf32>
    %get3A_112 = arith.constant 1 : index
    %get3A_113 = arith.constant 2 : index
    %get3A_114 = arith.constant 0 : index
    %get3A_115 = arith.constant 0 : index
    %get3A_116 = vector.load %arg1[%get3A_112, %get3A_113, %get3A_114, %get3A_115] : memref<3x3x96x96xf32, #tpu.memory_space<vmem>>, vector<1x1x96x96xf32>
    %get3A_117 = vector.shape_cast %get3A_116 : vector<1x1x96x96xf32> to vector<96x96xf32>
    %dot_general3A_118 = arith.constant dense<0.000000e+00> : vector<96x3136xf32>
    %dot_general3A_119 = tpu.matmul %get3A_117, %select_n3A_111, %dot_general3A_118 {dimension_numbers = #tpu.dot_dimension_numbers<[1], [0], [0], [1], [0, 0, 1, 1], [], []>, transpose_lhs_hint = false} : vector<96x96xf32>, vector<96x3136xf32>, vector<96x3136xf32> -> vector<96x3136xf32>
    %add3A_120 = arith.addf %add3A_99, %dot_general3A_119 : vector<96x3136xf32>
    %slice3A_121 = vector.extract_strided_slice %get3A_17 {offsets = [0, 55], sizes = [96, 3081], strides = [1, 1]} : vector<96x3136xf32> to vector<96x3081xf32>
    %broadcast_in_dim3A_122 = arith.constant 0.000000e+00 : f32
    %broadcast_in_dim3A_123 = vector.broadcast %broadcast_in_dim3A_122 : f32 to vector<96x55xf32>
    %concatenate3A_124 = tpu.concatenate %slice3A_121, %broadcast_in_dim3A_123 in 1 : vector<96x3081xf32>, vector<96x55xf32> -> vector<96x3136xf32>
    %gt3A_125 = arith.constant 0 : i32
    %gt3A_126 = vector.broadcast %gt3A_125 : i32 to vector<1x3136xi32>
    %gt3A_127 = arith.cmpi sgt, %select_n3A_13, %gt3A_126 : vector<1x3136xi32>
    %jit3A_128 = arith.constant 0.000000e+00 : f32
    %broadcast_in_dim3A_129 = vector.shape_cast %gt3A_127 : vector<1x3136xi1> to vector<1x3136xi1>
    %broadcast_in_dim3A_130 = vector.broadcast %broadcast_in_dim3A_129 : vector<1x3136xi1> to vector<96x3136xi1>
    %broadcast_in_dim3A_131 = vector.broadcast %jit3A_128 : f32 to vector<96x3136xf32>
    %select_n3A_132 = arith.select %broadcast_in_dim3A_130, %concatenate3A_124, %broadcast_in_dim3A_131 : vector<96x3136xi1>, vector<96x3136xf32>
    %get3A_133 = arith.constant 2 : index
    %get3A_134 = arith.constant 0 : index
    %get3A_135 = arith.constant 0 : index
    %get3A_136 = arith.constant 0 : index
    %get3A_137 = vector.load %arg1[%get3A_133, %get3A_134, %get3A_135, %get3A_136] : memref<3x3x96x96xf32, #tpu.memory_space<vmem>>, vector<1x1x96x96xf32>
    %get3A_138 = vector.shape_cast %get3A_137 : vector<1x1x96x96xf32> to vector<96x96xf32>
    %dot_general3A_139 = arith.constant dense<0.000000e+00> : vector<96x3136xf32>
    %dot_general3A_140 = tpu.matmul %get3A_138, %select_n3A_132, %dot_general3A_139 {dimension_numbers = #tpu.dot_dimension_numbers<[1], [0], [0], [1], [0, 0, 1, 1], [], []>, transpose_lhs_hint = false} : vector<96x96xf32>, vector<96x3136xf32>, vector<96x3136xf32> -> vector<96x3136xf32>
    %add3A_141 = arith.addf %add3A_120, %dot_general3A_140 : vector<96x3136xf32>
    %slice3A_142 = vector.extract_strided_slice %get3A_17 {offsets = [0, 56], sizes = [96, 3080], strides = [1, 1]} : vector<96x3136xf32> to vector<96x3080xf32>
    %broadcast_in_dim3A_143 = arith.constant 0.000000e+00 : f32
    %broadcast_in_dim3A_144 = vector.broadcast %broadcast_in_dim3A_143 : f32 to vector<96x56xf32>
    %concatenate3A_145 = tpu.concatenate %slice3A_142, %broadcast_in_dim3A_144 in 1 : vector<96x3080xf32>, vector<96x56xf32> -> vector<96x3136xf32>
    %get3A_146 = arith.constant 2 : index
    %get3A_147 = arith.constant 1 : index
    %get3A_148 = arith.constant 0 : index
    %get3A_149 = arith.constant 0 : index
    %get3A_150 = vector.load %arg1[%get3A_146, %get3A_147, %get3A_148, %get3A_149] : memref<3x3x96x96xf32, #tpu.memory_space<vmem>>, vector<1x1x96x96xf32>
    %get3A_151 = vector.shape_cast %get3A_150 : vector<1x1x96x96xf32> to vector<96x96xf32>
    %dot_general3A_152 = arith.constant dense<0.000000e+00> : vector<96x3136xf32>
    %dot_general3A_153 = tpu.matmul %get3A_151, %concatenate3A_145, %dot_general3A_152 {dimension_numbers = #tpu.dot_dimension_numbers<[1], [0], [0], [1], [0, 0, 1, 1], [], []>, transpose_lhs_hint = false} : vector<96x96xf32>, vector<96x3136xf32>, vector<96x3136xf32> -> vector<96x3136xf32>
    %add3A_154 = arith.addf %add3A_141, %dot_general3A_153 : vector<96x3136xf32>
    %slice3A_155 = vector.extract_strided_slice %get3A_17 {offsets = [0, 57], sizes = [96, 3079], strides = [1, 1]} : vector<96x3136xf32> to vector<96x3079xf32>
    %broadcast_in_dim3A_156 = arith.constant 0.000000e+00 : f32
    %broadcast_in_dim3A_157 = vector.broadcast %broadcast_in_dim3A_156 : f32 to vector<96x57xf32>
    %concatenate3A_158 = tpu.concatenate %slice3A_155, %broadcast_in_dim3A_157 in 1 : vector<96x3079xf32>, vector<96x57xf32> -> vector<96x3136xf32>
    %lt3A_159 = arith.constant 55 : i32
    %lt3A_160 = vector.broadcast %lt3A_159 : i32 to vector<1x3136xi32>
    %lt3A_161 = arith.cmpi slt, %select_n3A_13, %lt3A_160 : vector<1x3136xi32>
    %jit3A_162 = arith.constant 0.000000e+00 : f32
    %broadcast_in_dim3A_163 = vector.shape_cast %lt3A_161 : vector<1x3136xi1> to vector<1x3136xi1>
    %broadcast_in_dim3A_164 = vector.broadcast %broadcast_in_dim3A_163 : vector<1x3136xi1> to vector<96x3136xi1>
    %broadcast_in_dim3A_165 = vector.broadcast %jit3A_162 : f32 to vector<96x3136xf32>
    %select_n3A_166 = arith.select %broadcast_in_dim3A_164, %concatenate3A_158, %broadcast_in_dim3A_165 : vector<96x3136xi1>, vector<96x3136xf32>
    %get3A_167 = arith.constant 2 : index
    %get3A_168 = arith.constant 2 : index
    %get3A_169 = arith.constant 0 : index
    %get3A_170 = arith.constant 0 : index
    %get3A_171 = vector.load %arg1[%get3A_167, %get3A_168, %get3A_169, %get3A_170] : memref<3x3x96x96xf32, #tpu.memory_space<vmem>>, vector<1x1x96x96xf32>
    %get3A_172 = vector.shape_cast %get3A_171 : vector<1x1x96x96xf32> to vector<96x96xf32>
    %dot_general3A_173 = arith.constant dense<0.000000e+00> : vector<96x3136xf32>
    %dot_general3A_174 = tpu.matmul %get3A_172, %select_n3A_166, %dot_general3A_173 {dimension_numbers = #tpu.dot_dimension_numbers<[1], [0], [0], [1], [0, 0, 1, 1], [], []>, transpose_lhs_hint = false} : vector<96x96xf32>, vector<96x3136xf32>, vector<96x3136xf32> -> vector<96x3136xf32>
    %add3A_175 = arith.addf %add3A_154, %dot_general3A_174 : vector<96x3136xf32>
    %get3A_176 = arith.constant 0 : index
    %get3A_177 = arith.constant 0 : index
    %get3A_178 = vector.load %arg2[%get3A_176, %get3A_177] : memref<96x1xf32, #tpu.memory_space<vmem>>, vector<96x1xf32>
    %add3A_179 = vector.broadcast %get3A_178 : vector<96x1xf32> to vector<96x3136xf32>
    %add3A_180 = arith.addf %add3A_175, %add3A_179 : vector<96x3136xf32>
    %get3A_181 = arith.constant 1 : index
    %get3A_182 = arith.constant 0 : index
    %get3A_183 = arith.constant 0 : index
    %get3A_184 = vector.load %arg0[%get3A_181, %get3A_182, %get3A_183] : memref<2x96x3136xf32, #tpu.memory_space<vmem>>, vector<1x96x3136xf32>
    %get3A_185 = vector.shape_cast %get3A_184 : vector<1x96x3136xf32> to vector<96x3136xf32>
    %broadcast_in_dim3A_186 = arith.constant 0.000000e+00 : f32
    %broadcast_in_dim3A_187 = vector.broadcast %broadcast_in_dim3A_186 : f32 to vector<96x3136xf32>
    %broadcast_in_dim3A_188 = arith.constant 0.000000e+00 : f32
    %broadcast_in_dim3A_189 = vector.broadcast %broadcast_in_dim3A_188 : f32 to vector<96x57xf32>
    %slice3A_190 = vector.extract_strided_slice %get3A_185 {offsets = [0, 0], sizes = [96, 3079], strides = [1, 1]} : vector<96x3136xf32> to vector<96x3079xf32>
    %concatenate3A_191 = tpu.concatenate %broadcast_in_dim3A_189, %slice3A_190 in 1 : vector<96x57xf32>, vector<96x3079xf32> -> vector<96x3136xf32>
    %gt3A_192 = arith.constant 0 : i32
    %gt3A_193 = vector.broadcast %gt3A_192 : i32 to vector<1x3136xi32>
    %gt3A_194 = arith.cmpi sgt, %select_n3A_13, %gt3A_193 : vector<1x3136xi32>
    %jit3A_195 = arith.constant 0.000000e+00 : f32
    %broadcast_in_dim3A_196 = vector.shape_cast %gt3A_194 : vector<1x3136xi1> to vector<1x3136xi1>
    %broadcast_in_dim3A_197 = vector.broadcast %broadcast_in_dim3A_196 : vector<1x3136xi1> to vector<96x3136xi1>
    %broadcast_in_dim3A_198 = vector.broadcast %jit3A_195 : f32 to vector<96x3136xf32>
    %select_n3A_199 = arith.select %broadcast_in_dim3A_197, %concatenate3A_191, %broadcast_in_dim3A_198 : vector<96x3136xi1>, vector<96x3136xf32>
    %get3A_200 = arith.constant 0 : index
    %get3A_201 = arith.constant 0 : index
    %get3A_202 = arith.constant 0 : index
    %get3A_203 = arith.constant 0 : index
    %get3A_204 = vector.load %arg1[%get3A_200, %get3A_201, %get3A_202, %get3A_203] : memref<3x3x96x96xf32, #tpu.memory_space<vmem>>, vector<1x1x96x96xf32>
    %get3A_205 = vector.shape_cast %get3A_204 : vector<1x1x96x96xf32> to vector<96x96xf32>
    %dot_general3A_206 = arith.constant dense<0.000000e+00> : vector<96x3136xf32>
    %dot_general3A_207 = tpu.matmul %get3A_205, %select_n3A_199, %dot_general3A_206 {dimension_numbers = #tpu.dot_dimension_numbers<[1], [0], [0], [1], [0, 0, 1, 1], [], []>, transpose_lhs_hint = false} : vector<96x96xf32>, vector<96x3136xf32>, vector<96x3136xf32> -> vector<96x3136xf32>
    %add3A_208 = arith.addf %broadcast_in_dim3A_187, %dot_general3A_207 : vector<96x3136xf32>
    %broadcast_in_dim3A_209 = arith.constant 0.000000e+00 : f32
    %broadcast_in_dim3A_210 = vector.broadcast %broadcast_in_dim3A_209 : f32 to vector<96x56xf32>
    %slice3A_211 = vector.extract_strided_slice %get3A_185 {offsets = [0, 0], sizes = [96, 3080], strides = [1, 1]} : vector<96x3136xf32> to vector<96x3080xf32>
    %concatenate3A_212 = tpu.concatenate %broadcast_in_dim3A_210, %slice3A_211 in 1 : vector<96x56xf32>, vector<96x3080xf32> -> vector<96x3136xf32>
    %get3A_213 = arith.constant 0 : index
    %get3A_214 = arith.constant 1 : index
    %get3A_215 = arith.constant 0 : index
    %get3A_216 = arith.constant 0 : index
    %get3A_217 = vector.load %arg1[%get3A_213, %get3A_214, %get3A_215, %get3A_216] : memref<3x3x96x96xf32, #tpu.memory_space<vmem>>, vector<1x1x96x96xf32>
    %get3A_218 = vector.shape_cast %get3A_217 : vector<1x1x96x96xf32> to vector<96x96xf32>
    %dot_general3A_219 = arith.constant dense<0.000000e+00> : vector<96x3136xf32>
    %dot_general3A_220 = tpu.matmul %get3A_218, %concatenate3A_212, %dot_general3A_219 {dimension_numbers = #tpu.dot_dimension_numbers<[1], [0], [0], [1], [0, 0, 1, 1], [], []>, transpose_lhs_hint = false} : vector<96x96xf32>, vector<96x3136xf32>, vector<96x3136xf32> -> vector<96x3136xf32>
    %add3A_221 = arith.addf %add3A_208, %dot_general3A_220 : vector<96x3136xf32>
    %broadcast_in_dim3A_222 = arith.constant 0.000000e+00 : f32
    %broadcast_in_dim3A_223 = vector.broadcast %broadcast_in_dim3A_222 : f32 to vector<96x55xf32>
    %slice3A_224 = vector.extract_strided_slice %get3A_185 {offsets = [0, 0], sizes = [96, 3081], strides = [1, 1]} : vector<96x3136xf32> to vector<96x3081xf32>
    %concatenate3A_225 = tpu.concatenate %broadcast_in_dim3A_223, %slice3A_224 in 1 : vector<96x55xf32>, vector<96x3081xf32> -> vector<96x3136xf32>
    %lt3A_226 = arith.constant 55 : i32
    %lt3A_227 = vector.broadcast %lt3A_226 : i32 to vector<1x3136xi32>
    %lt3A_228 = arith.cmpi slt, %select_n3A_13, %lt3A_227 : vector<1x3136xi32>
    %jit3A_229 = arith.constant 0.000000e+00 : f32
    %broadcast_in_dim3A_230 = vector.shape_cast %lt3A_228 : vector<1x3136xi1> to vector<1x3136xi1>
    %broadcast_in_dim3A_231 = vector.broadcast %broadcast_in_dim3A_230 : vector<1x3136xi1> to vector<96x3136xi1>
    %broadcast_in_dim3A_232 = vector.broadcast %jit3A_229 : f32 to vector<96x3136xf32>
    %select_n3A_233 = arith.select %broadcast_in_dim3A_231, %concatenate3A_225, %broadcast_in_dim3A_232 : vector<96x3136xi1>, vector<96x3136xf32>
    %get3A_234 = arith.constant 0 : index
    %get3A_235 = arith.constant 2 : index
    %get3A_236 = arith.constant 0 : index
    %get3A_237 = arith.constant 0 : index
    %get3A_238 = vector.load %arg1[%get3A_234, %get3A_235, %get3A_236, %get3A_237] : memref<3x3x96x96xf32, #tpu.memory_space<vmem>>, vector<1x1x96x96xf32>
    %get3A_239 = vector.shape_cast %get3A_238 : vector<1x1x96x96xf32> to vector<96x96xf32>
    %dot_general3A_240 = arith.constant dense<0.000000e+00> : vector<96x3136xf32>
    %dot_general3A_241 = tpu.matmul %get3A_239, %select_n3A_233, %dot_general3A_240 {dimension_numbers = #tpu.dot_dimension_numbers<[1], [0], [0], [1], [0, 0, 1, 1], [], []>, transpose_lhs_hint = false} : vector<96x96xf32>, vector<96x3136xf32>, vector<96x3136xf32> -> vector<96x3136xf32>
    %add3A_242 = arith.addf %add3A_221, %dot_general3A_241 : vector<96x3136xf32>
    %broadcast_in_dim3A_243 = arith.constant 0.000000e+00 : f32
    %broadcast_in_dim3A_244 = vector.broadcast %broadcast_in_dim3A_243 : f32 to vector<96x1xf32>
    %slice3A_245 = vector.extract_strided_slice %get3A_185 {offsets = [0, 0], sizes = [96, 3135], strides = [1, 1]} : vector<96x3136xf32> to vector<96x3135xf32>
    %concatenate3A_246 = tpu.concatenate %broadcast_in_dim3A_244, %slice3A_245 in 1 : vector<96x1xf32>, vector<96x3135xf32> -> vector<96x3136xf32>
    %gt3A_247 = arith.constant 0 : i32
    %gt3A_248 = vector.broadcast %gt3A_247 : i32 to vector<1x3136xi32>
    %gt3A_249 = arith.cmpi sgt, %select_n3A_13, %gt3A_248 : vector<1x3136xi32>
    %jit3A_250 = arith.constant 0.000000e+00 : f32
    %broadcast_in_dim3A_251 = vector.shape_cast %gt3A_249 : vector<1x3136xi1> to vector<1x3136xi1>
    %broadcast_in_dim3A_252 = vector.broadcast %broadcast_in_dim3A_251 : vector<1x3136xi1> to vector<96x3136xi1>
    %broadcast_in_dim3A_253 = vector.broadcast %jit3A_250 : f32 to vector<96x3136xf32>
    %select_n3A_254 = arith.select %broadcast_in_dim3A_252, %concatenate3A_246, %broadcast_in_dim3A_253 : vector<96x3136xi1>, vector<96x3136xf32>
    %get3A_255 = arith.constant 1 : index
    %get3A_256 = arith.constant 0 : index
    %get3A_257 = arith.constant 0 : index
    %get3A_258 = arith.constant 0 : index
    %get3A_259 = vector.load %arg1[%get3A_255, %get3A_256, %get3A_257, %get3A_258] : memref<3x3x96x96xf32, #tpu.memory_space<vmem>>, vector<1x1x96x96xf32>
    %get3A_260 = vector.shape_cast %get3A_259 : vector<1x1x96x96xf32> to vector<96x96xf32>
    %dot_general3A_261 = arith.constant dense<0.000000e+00> : vector<96x3136xf32>
    %dot_general3A_262 = tpu.matmul %get3A_260, %select_n3A_254, %dot_general3A_261 {dimension_numbers = #tpu.dot_dimension_numbers<[1], [0], [0], [1], [0, 0, 1, 1], [], []>, transpose_lhs_hint = false} : vector<96x96xf32>, vector<96x3136xf32>, vector<96x3136xf32> -> vector<96x3136xf32>
    %add3A_263 = arith.addf %add3A_242, %dot_general3A_262 : vector<96x3136xf32>
    %get3A_264 = arith.constant 1 : index
    %get3A_265 = arith.constant 1 : index
    %get3A_266 = arith.constant 0 : index
    %get3A_267 = arith.constant 0 : index
    %get3A_268 = vector.load %arg1[%get3A_264, %get3A_265, %get3A_266, %get3A_267] : memref<3x3x96x96xf32, #tpu.memory_space<vmem>>, vector<1x1x96x96xf32>
    %get3A_269 = vector.shape_cast %get3A_268 : vector<1x1x96x96xf32> to vector<96x96xf32>
    %dot_general3A_270 = arith.constant dense<0.000000e+00> : vector<96x3136xf32>
    %dot_general3A_271 = tpu.matmul %get3A_269, %get3A_185, %dot_general3A_270 {dimension_numbers = #tpu.dot_dimension_numbers<[1], [0], [0], [1], [0, 0, 1, 1], [], []>, transpose_lhs_hint = false} : vector<96x96xf32>, vector<96x3136xf32>, vector<96x3136xf32> -> vector<96x3136xf32>
    %add3A_272 = arith.addf %add3A_263, %dot_general3A_271 : vector<96x3136xf32>
    %slice3A_273 = vector.extract_strided_slice %get3A_185 {offsets = [0, 1], sizes = [96, 3135], strides = [1, 1]} : vector<96x3136xf32> to vector<96x3135xf32>
    %broadcast_in_dim3A_274 = arith.constant 0.000000e+00 : f32
    %broadcast_in_dim3A_275 = vector.broadcast %broadcast_in_dim3A_274 : f32 to vector<96x1xf32>
    %concatenate3A_276 = tpu.concatenate %slice3A_273, %broadcast_in_dim3A_275 in 1 : vector<96x3135xf32>, vector<96x1xf32> -> vector<96x3136xf32>
    %lt3A_277 = arith.constant 55 : i32
    %lt3A_278 = vector.broadcast %lt3A_277 : i32 to vector<1x3136xi32>
    %lt3A_279 = arith.cmpi slt, %select_n3A_13, %lt3A_278 : vector<1x3136xi32>
    %jit3A_280 = arith.constant 0.000000e+00 : f32
    %broadcast_in_dim3A_281 = vector.shape_cast %lt3A_279 : vector<1x3136xi1> to vector<1x3136xi1>
    %broadcast_in_dim3A_282 = vector.broadcast %broadcast_in_dim3A_281 : vector<1x3136xi1> to vector<96x3136xi1>
    %broadcast_in_dim3A_283 = vector.broadcast %jit3A_280 : f32 to vector<96x3136xf32>
    %select_n3A_284 = arith.select %broadcast_in_dim3A_282, %concatenate3A_276, %broadcast_in_dim3A_283 : vector<96x3136xi1>, vector<96x3136xf32>
    %get3A_285 = arith.constant 1 : index
    %get3A_286 = arith.constant 2 : index
    %get3A_287 = arith.constant 0 : index
    %get3A_288 = arith.constant 0 : index
    %get3A_289 = vector.load %arg1[%get3A_285, %get3A_286, %get3A_287, %get3A_288] : memref<3x3x96x96xf32, #tpu.memory_space<vmem>>, vector<1x1x96x96xf32>
    %get3A_290 = vector.shape_cast %get3A_289 : vector<1x1x96x96xf32> to vector<96x96xf32>
    %dot_general3A_291 = arith.constant dense<0.000000e+00> : vector<96x3136xf32>
    %dot_general3A_292 = tpu.matmul %get3A_290, %select_n3A_284, %dot_general3A_291 {dimension_numbers = #tpu.dot_dimension_numbers<[1], [0], [0], [1], [0, 0, 1, 1], [], []>, transpose_lhs_hint = false} : vector<96x96xf32>, vector<96x3136xf32>, vector<96x3136xf32> -> vector<96x3136xf32>
    %add3A_293 = arith.addf %add3A_272, %dot_general3A_292 : vector<96x3136xf32>
    %slice3A_294 = vector.extract_strided_slice %get3A_185 {offsets = [0, 55], sizes = [96, 3081], strides = [1, 1]} : vector<96x3136xf32> to vector<96x3081xf32>
    %broadcast_in_dim3A_295 = arith.constant 0.000000e+00 : f32
    %broadcast_in_dim3A_296 = vector.broadcast %broadcast_in_dim3A_295 : f32 to vector<96x55xf32>
    %concatenate3A_297 = tpu.concatenate %slice3A_294, %broadcast_in_dim3A_296 in 1 : vector<96x3081xf32>, vector<96x55xf32> -> vector<96x3136xf32>
    %gt3A_298 = arith.constant 0 : i32
    %gt3A_299 = vector.broadcast %gt3A_298 : i32 to vector<1x3136xi32>
    %gt3A_300 = arith.cmpi sgt, %select_n3A_13, %gt3A_299 : vector<1x3136xi32>
    %jit3A_301 = arith.constant 0.000000e+00 : f32
    %broadcast_in_dim3A_302 = vector.shape_cast %gt3A_300 : vector<1x3136xi1> to vector<1x3136xi1>
    %broadcast_in_dim3A_303 = vector.broadcast %broadcast_in_dim3A_302 : vector<1x3136xi1> to vector<96x3136xi1>
    %broadcast_in_dim3A_304 = vector.broadcast %jit3A_301 : f32 to vector<96x3136xf32>
    %select_n3A_305 = arith.select %broadcast_in_dim3A_303, %concatenate3A_297, %broadcast_in_dim3A_304 : vector<96x3136xi1>, vector<96x3136xf32>
    %get3A_306 = arith.constant 2 : index
    %get3A_307 = arith.constant 0 : index
    %get3A_308 = arith.constant 0 : index
    %get3A_309 = arith.constant 0 : index
    %get3A_310 = vector.load %arg1[%get3A_306, %get3A_307, %get3A_308, %get3A_309] : memref<3x3x96x96xf32, #tpu.memory_space<vmem>>, vector<1x1x96x96xf32>
    %get3A_311 = vector.shape_cast %get3A_310 : vector<1x1x96x96xf32> to vector<96x96xf32>
    %dot_general3A_312 = arith.constant dense<0.000000e+00> : vector<96x3136xf32>
    %dot_general3A_313 = tpu.matmul %get3A_311, %select_n3A_305, %dot_general3A_312 {dimension_numbers = #tpu.dot_dimension_numbers<[1], [0], [0], [1], [0, 0, 1, 1], [], []>, transpose_lhs_hint = false} : vector<96x96xf32>, vector<96x3136xf32>, vector<96x3136xf32> -> vector<96x3136xf32>
    %add3A_314 = arith.addf %add3A_293, %dot_general3A_313 : vector<96x3136xf32>
    %slice3A_315 = vector.extract_strided_slice %get3A_185 {offsets = [0, 56], sizes = [96, 3080], strides = [1, 1]} : vector<96x3136xf32> to vector<96x3080xf32>
    %broadcast_in_dim3A_316 = arith.constant 0.000000e+00 : f32
    %broadcast_in_dim3A_317 = vector.broadcast %broadcast_in_dim3A_316 : f32 to vector<96x56xf32>
    %concatenate3A_318 = tpu.concatenate %slice3A_315, %broadcast_in_dim3A_317 in 1 : vector<96x3080xf32>, vector<96x56xf32> -> vector<96x3136xf32>
    %get3A_319 = arith.constant 2 : index
    %get3A_320 = arith.constant 1 : index
    %get3A_321 = arith.constant 0 : index
    %get3A_322 = arith.constant 0 : index
    %get3A_323 = vector.load %arg1[%get3A_319, %get3A_320, %get3A_321, %get3A_322] : memref<3x3x96x96xf32, #tpu.memory_space<vmem>>, vector<1x1x96x96xf32>
    %get3A_324 = vector.shape_cast %get3A_323 : vector<1x1x96x96xf32> to vector<96x96xf32>
    %dot_general3A_325 = arith.constant dense<0.000000e+00> : vector<96x3136xf32>
    %dot_general3A_326 = tpu.matmul %get3A_324, %concatenate3A_318, %dot_general3A_325 {dimension_numbers = #tpu.dot_dimension_numbers<[1], [0], [0], [1], [0, 0, 1, 1], [], []>, transpose_lhs_hint = false} : vector<96x96xf32>, vector<96x3136xf32>, vector<96x3136xf32> -> vector<96x3136xf32>
    %add3A_327 = arith.addf %add3A_314, %dot_general3A_326 : vector<96x3136xf32>
    %slice3A_328 = vector.extract_strided_slice %get3A_185 {offsets = [0, 57], sizes = [96, 3079], strides = [1, 1]} : vector<96x3136xf32> to vector<96x3079xf32>
    %broadcast_in_dim3A_329 = arith.constant 0.000000e+00 : f32
    %broadcast_in_dim3A_330 = vector.broadcast %broadcast_in_dim3A_329 : f32 to vector<96x57xf32>
    %concatenate3A_331 = tpu.concatenate %slice3A_328, %broadcast_in_dim3A_330 in 1 : vector<96x3079xf32>, vector<96x57xf32> -> vector<96x3136xf32>
    %lt3A_332 = arith.constant 55 : i32
    %lt3A_333 = vector.broadcast %lt3A_332 : i32 to vector<1x3136xi32>
    %lt3A_334 = arith.cmpi slt, %select_n3A_13, %lt3A_333 : vector<1x3136xi32>
    %jit3A_335 = arith.constant 0.000000e+00 : f32
    %broadcast_in_dim3A_336 = vector.shape_cast %lt3A_334 : vector<1x3136xi1> to vector<1x3136xi1>
    %broadcast_in_dim3A_337 = vector.broadcast %broadcast_in_dim3A_336 : vector<1x3136xi1> to vector<96x3136xi1>
    %broadcast_in_dim3A_338 = vector.broadcast %jit3A_335 : f32 to vector<96x3136xf32>
    %select_n3A_339 = arith.select %broadcast_in_dim3A_337, %concatenate3A_331, %broadcast_in_dim3A_338 : vector<96x3136xi1>, vector<96x3136xf32>
    %get3A_340 = arith.constant 2 : index
    %get3A_341 = arith.constant 2 : index
    %get3A_342 = arith.constant 0 : index
    %get3A_343 = arith.constant 0 : index
    %get3A_344 = vector.load %arg1[%get3A_340, %get3A_341, %get3A_342, %get3A_343] : memref<3x3x96x96xf32, #tpu.memory_space<vmem>>, vector<1x1x96x96xf32>
    %get3A_345 = vector.shape_cast %get3A_344 : vector<1x1x96x96xf32> to vector<96x96xf32>
    %dot_general3A_346 = arith.constant dense<0.000000e+00> : vector<96x3136xf32>
    %dot_general3A_347 = tpu.matmul %get3A_345, %select_n3A_339, %dot_general3A_346 {dimension_numbers = #tpu.dot_dimension_numbers<[1], [0], [0], [1], [0, 0, 1, 1], [], []>, transpose_lhs_hint = false} : vector<96x96xf32>, vector<96x3136xf32>, vector<96x3136xf32> -> vector<96x3136xf32>
    %add3A_348 = arith.addf %add3A_327, %dot_general3A_347 : vector<96x3136xf32>
    %get3A_349 = arith.constant 0 : index
    %get3A_350 = arith.constant 0 : index
    %get3A_351 = vector.load %arg2[%get3A_349, %get3A_350] : memref<96x1xf32, #tpu.memory_space<vmem>>, vector<96x1xf32>
    %add3A_352 = vector.broadcast %get3A_351 : vector<96x1xf32> to vector<96x3136xf32>
    %add3A_353 = arith.addf %add3A_348, %add3A_352 : vector<96x3136xf32>
    %reduce_sum3A = arith.constant dense<0.000000e+00> : vector<96xf32>
    %reduce_sum3A_354 = vector.multi_reduction <add>, %add3A_180, %reduce_sum3A [1] : vector<96x3136xf32> to vector<96xf32>
    %broadcast_in_dim3A_355 = vector.shape_cast %reduce_sum3A_354 : vector<96xf32> to vector<96x1xf32>
    %reduce_sum3A_356 = arith.constant dense<0.000000e+00> : vector<96xf32>
    %reduce_sum3A_357 = vector.multi_reduction <add>, %add3A_353, %reduce_sum3A_356 [1] : vector<96x3136xf32> to vector<96xf32>
    %broadcast_in_dim3A_358 = vector.shape_cast %reduce_sum3A_357 : vector<96xf32> to vector<96x1xf32>
    %add3A_359 = arith.addf %broadcast_in_dim3A_355, %broadcast_in_dim3A_358 : vector<96x1xf32>
    %div3A = arith.constant 6.272000e+03 : f32
    %div3A_360 = vector.broadcast %div3A : f32 to vector<96x1xf32>
    %div3A_361 = arith.divf %add3A_359, %div3A_360 : vector<96x1xf32>
    %sub3A = vector.broadcast %div3A_361 : vector<96x1xf32> to vector<96x3136xf32>
    %sub3A_362 = arith.subf %add3A_180, %sub3A : vector<96x3136xf32>
    %sub3A_363 = vector.broadcast %div3A_361 : vector<96x1xf32> to vector<96x3136xf32>
    %sub3A_364 = arith.subf %add3A_353, %sub3A_363 : vector<96x3136xf32>
    %mul3A = arith.mulf %sub3A_362, %sub3A_362 : vector<96x3136xf32>
    %reduce_sum3A_365 = arith.constant dense<0.000000e+00> : vector<96xf32>
    %reduce_sum3A_366 = vector.multi_reduction <add>, %mul3A, %reduce_sum3A_365 [1] : vector<96x3136xf32> to vector<96xf32>
    %broadcast_in_dim3A_367 = vector.shape_cast %reduce_sum3A_366 : vector<96xf32> to vector<96x1xf32>
    %mul3A_368 = arith.mulf %sub3A_364, %sub3A_364 : vector<96x3136xf32>
    %reduce_sum3A_369 = arith.constant dense<0.000000e+00> : vector<96xf32>
    %reduce_sum3A_370 = vector.multi_reduction <add>, %mul3A_368, %reduce_sum3A_369 [1] : vector<96x3136xf32> to vector<96xf32>
    %broadcast_in_dim3A_371 = vector.shape_cast %reduce_sum3A_370 : vector<96xf32> to vector<96x1xf32>
    %add3A_372 = arith.addf %broadcast_in_dim3A_367, %broadcast_in_dim3A_371 : vector<96x1xf32>
    %div3A_373 = arith.constant 6.272000e+03 : f32
    %div3A_374 = vector.broadcast %div3A_373 : f32 to vector<96x1xf32>
    %div3A_375 = arith.divf %add3A_372, %div3A_374 : vector<96x1xf32>
    %get3A_376 = arith.constant 0 : index
    %get3A_377 = arith.constant 0 : index
    %get3A_378 = vector.load %arg3[%get3A_376, %get3A_377] : memref<96x1xf32, #tpu.memory_space<vmem>>, vector<96x1xf32>
    %add3A_379 = arith.constant 9.99999974E-6 : f32
    %add3A_380 = vector.broadcast %add3A_379 : f32 to vector<96x1xf32>
    %add3A_381 = arith.addf %div3A_375, %add3A_380 : vector<96x1xf32>
    %rsqrt3A = math.rsqrt %add3A_381 : vector<96x1xf32>
    %mul3A_382 = arith.mulf %get3A_378, %rsqrt3A : vector<96x1xf32>
    %mul3A_383 = vector.broadcast %mul3A_382 : vector<96x1xf32> to vector<96x3136xf32>
    %mul3A_384 = arith.mulf %sub3A_362, %mul3A_383 : vector<96x3136xf32>
    %get3A_385 = arith.constant 0 : index
    %get3A_386 = arith.constant 0 : index
    %get3A_387 = vector.load %arg4[%get3A_385, %get3A_386] : memref<96x1xf32, #tpu.memory_space<vmem>>, vector<96x1xf32>
    %add3A_388 = vector.broadcast %get3A_387 : vector<96x1xf32> to vector<96x3136xf32>
    %add3A_389 = arith.addf %mul3A_384, %add3A_388 : vector<96x3136xf32>
    %ge3A = arith.constant 0.000000e+00 : f32
    %ge3A_390 = vector.broadcast %ge3A : f32 to vector<96x3136xf32>
    %ge3A_391 = arith.cmpf oge, %add3A_389, %ge3A_390 : vector<96x3136xf32>
    %mul3A_392 = arith.constant 5.000000e-02 : f32
    %mul3A_393 = vector.broadcast %mul3A_392 : f32 to vector<96x3136xf32>
    %mul3A_394 = arith.mulf %mul3A_393, %add3A_389 : vector<96x3136xf32>
    %select_n3A_395 = arith.select %ge3A_391, %add3A_389, %mul3A_394 : vector<96x3136xi1>, vector<96x3136xf32>
    %mul3A_396 = vector.broadcast %mul3A_382 : vector<96x1xf32> to vector<96x3136xf32>
    %mul3A_397 = arith.mulf %sub3A_364, %mul3A_396 : vector<96x3136xf32>
    %get3A_398 = arith.constant 0 : index
    %get3A_399 = arith.constant 0 : index
    %get3A_400 = vector.load %arg4[%get3A_398, %get3A_399] : memref<96x1xf32, #tpu.memory_space<vmem>>, vector<96x1xf32>
    %add3A_401 = vector.broadcast %get3A_400 : vector<96x1xf32> to vector<96x3136xf32>
    %add3A_402 = arith.addf %mul3A_397, %add3A_401 : vector<96x3136xf32>
    %ge3A_403 = arith.constant 0.000000e+00 : f32
    %ge3A_404 = vector.broadcast %ge3A_403 : f32 to vector<96x3136xf32>
    %ge3A_405 = arith.cmpf oge, %add3A_402, %ge3A_404 : vector<96x3136xf32>
    %mul3A_406 = arith.constant 5.000000e-02 : f32
    %mul3A_407 = vector.broadcast %mul3A_406 : f32 to vector<96x3136xf32>
    %mul3A_408 = arith.mulf %mul3A_407, %add3A_402 : vector<96x3136xf32>
    %select_n3A_409 = arith.select %ge3A_405, %add3A_402, %mul3A_408 : vector<96x3136xi1>, vector<96x3136xf32>
    %swap3A = arith.constant 0 : index
    %swap3A_410 = arith.constant 0 : index
    %swap3A_411 = arith.constant 0 : index
    %swap3A_412 = vector.load %arg5[%swap3A, %swap3A_410, %swap3A_411] : memref<2x96x3136xf32, #tpu.memory_space<vmem>>, vector<1x96x3136xf32>
    %swap3A_413 = vector.shape_cast %swap3A_412 : vector<1x96x3136xf32> to vector<96x3136xf32>
    %swap3A_414 = vector.shape_cast %select_n3A_395 : vector<96x3136xf32> to vector<1x96x3136xf32>
    tpu.vector_store %arg5[%swap3A, %swap3A_410, %swap3A_411], %swap3A_414 {strides = array<i32>} : memref<2x96x3136xf32, #tpu.memory_space<vmem>>, vector<1x96x3136xf32>,
    %swap3A_415 = arith.constant 1 : index
    %swap3A_416 = arith.constant 0 : index
    %swap3A_417 = arith.constant 0 : index
    %swap3A_418 = vector.load %arg5[%swap3A_415, %swap3A_416, %swap3A_417] : memref<2x96x3136xf32, #tpu.memory_space<vmem>>, vector<1x96x3136xf32>
    %swap3A_419 = vector.shape_cast %swap3A_418 : vector<1x96x3136xf32> to vector<96x3136xf32>
    %swap3A_420 = vector.shape_cast %select_n3A_409 : vector<96x3136xf32> to vector<1x96x3136xf32>
    tpu.vector_store %arg5[%swap3A_415, %swap3A_416, %swap3A_417], %swap3A_420 {strides = array<i32>} : memref<2x96x3136xf32, #tpu.memory_space<vmem>>, vector<1x96x3136xf32>,
    %transpose3A = tpu.transpose %select_n3A_395, [1, 0] : vector<96x3136xf32> -> vector<3136x96xf32>
    %swap3A_421 = arith.constant 0 : index
    %swap3A_422 = arith.constant 0 : index
    %swap3A_423 = vector.load %arg6[%swap3A_421, %swap3A_422] : memref<6656x96xf32, #tpu.memory_space<vmem>>, vector<3136x96xf32>
    tpu.vector_store %arg6[%swap3A_421, %swap3A_422], %transpose3A {strides = array<i32>} : memref<6656x96xf32, #tpu.memory_space<vmem>>, vector<3136x96xf32>,
    %transpose3A_424 = tpu.transpose %select_n3A_409, [1, 0] : vector<96x3136xf32> -> vector<3136x96xf32>
    %swap3A_425 = arith.constant 3136 : index
    %swap3A_426 = arith.constant 0 : index
    %swap3A_427 = vector.load %arg6[%swap3A_425, %swap3A_426] : memref<6656x96xf32, #tpu.memory_space<vmem>>, vector<3136x96xf32>
    tpu.vector_store %arg6[%swap3A_425, %swap3A_426], %transpose3A_424 {strides = array<i32>} : memref<6656x96xf32, #tpu.memory_space<vmem>>, vector<3136x96xf32>,
    %broadcast_in_dim3A_428 = arith.constant 0.000000e+00 : f32
    %broadcast_in_dim3A_429 = vector.broadcast %broadcast_in_dim3A_428 : f32 to vector<384x96xf32>
    %swap3A_430 = arith.constant 6272 : index
    %swap3A_431 = arith.constant 0 : index
    %swap3A_432 = vector.load %arg6[%swap3A_430, %swap3A_431] : memref<6656x96xf32, #tpu.memory_space<vmem>>, vector<384x96xf32>
    tpu.vector_store %arg6[%swap3A_430, %swap3A_431], %broadcast_in_dim3A_429 {strides = array<i32>} : memref<6656x96xf32, #tpu.memory_space<vmem>>, vector<384x96xf32>,
    return
  }
}

module attributes {stable_mosaic.version = 14 : i64} {
  func.func @_gc_body(%arg0: i32, %arg1: memref<832x96xf32, #tpu.memory_space<vmem>>, %arg2: memref<832x96xf32, #tpu.memory_space<vmem>>, %arg3: memref<96x96xf32, #tpu.memory_space<vmem>>, %arg4: memref<96x96xf32, #tpu.memory_space<vmem>>, %arg5: memref<1x96xf32, #tpu.memory_space<vmem>>, %arg6: memref<832x96xf32, #tpu.memory_space<vmem>>) attributes {dimension_semantics = [#tpu.dimension_semantics<arbitrary>], iteration_bounds = array<i64: 8>, scalar_prefetch = 0 : i64, scratch_operands = 0 : i64, tpu.core_type = #tpu.core_type<tc>, window_params = [{transform_indices = @transform_0, window_bounds = array<i64: 832, 96>}, {transform_indices = @transform_1, window_bounds = array<i64: 832, 96>}, {pipeline_mode = #tpu.pipeline_mode<synchronous>, transform_indices = @transform_2, window_bounds = array<i64: 96, 96>}, {pipeline_mode = #tpu.pipeline_mode<synchronous>, transform_indices = @transform_3, window_bounds = array<i64: 96, 96>}, {pipeline_mode = #tpu.pipeline_mode<synchronous>, transform_indices = @transform_4, window_bounds = array<i64: 1, 96>}, {transform_indices = @transform_5, window_bounds = array<i64: 832, 96>}]} {
    %get3A = arith.constant 0 : index
    %get3A_0 = arith.constant 0 : index
    %get3A_1 = vector.load %arg1[%get3A, %get3A_0] : memref<832x96xf32, #tpu.memory_space<vmem>>, vector<832x96xf32>
    %get3A_2 = arith.constant 0 : index
    %get3A_3 = arith.constant 0 : index
    %get3A_4 = vector.load %arg3[%get3A_2, %get3A_3] : memref<96x96xf32, #tpu.memory_space<vmem>>, vector<96x96xf32>
    %dot_general3A = arith.constant dense<0.000000e+00> : vector<832x96xf32>
    %dot_general3A_5 = tpu.matmul %get3A_1, %get3A_4, %dot_general3A {dimension_numbers = #tpu.dot_dimension_numbers<[1], [0], [0], [1], [0, 0, 1, 1], [], []>, transpose_lhs_hint = false} : vector<832x96xf32>, vector<96x96xf32>, vector<832x96xf32> -> vector<832x96xf32>
    %get3A_6 = arith.constant 0 : index
    %get3A_7 = arith.constant 0 : index
    %get3A_8 = vector.load %arg2[%get3A_6, %get3A_7] : memref<832x96xf32, #tpu.memory_space<vmem>>, vector<832x96xf32>
    %get3A_9 = arith.constant 0 : index
    %get3A_10 = arith.constant 0 : index
    %get3A_11 = vector.load %arg4[%get3A_9, %get3A_10] : memref<96x96xf32, #tpu.memory_space<vmem>>, vector<96x96xf32>
    %dot_general3A_12 = arith.constant dense<0.000000e+00> : vector<832x96xf32>
    %dot_general3A_13 = tpu.matmul %get3A_8, %get3A_11, %dot_general3A_12 {dimension_numbers = #tpu.dot_dimension_numbers<[1], [0], [0], [1], [0, 0, 1, 1], [], []>, transpose_lhs_hint = false} : vector<832x96xf32>, vector<96x96xf32>, vector<832x96xf32> -> vector<832x96xf32>
    %add3A = arith.addf %dot_general3A_5, %dot_general3A_13 : vector<832x96xf32>
    %get3A_14 = arith.constant 0 : index
    %get3A_15 = arith.constant 0 : index
    %get3A_16 = vector.load %arg5[%get3A_14, %get3A_15] : memref<1x96xf32, #tpu.memory_space<vmem>>, vector<1x96xf32>
    %add3A_17 = vector.broadcast %get3A_16 : vector<1x96xf32> to vector<832x96xf32>
    %add3A_18 = arith.addf %add3A, %add3A_17 : vector<832x96xf32>
    %ge3A = arith.constant 0.000000e+00 : f32
    %ge3A_19 = vector.broadcast %ge3A : f32 to vector<832x96xf32>
    %ge3A_20 = arith.cmpf oge, %add3A_18, %ge3A_19 : vector<832x96xf32>
    %mul3A = arith.constant 5.000000e-02 : f32
    %mul3A_21 = vector.broadcast %mul3A : f32 to vector<832x96xf32>
    %mul3A_22 = arith.mulf %mul3A_21, %add3A_18 : vector<832x96xf32>
    %select_n3A = arith.select %ge3A_20, %add3A_18, %mul3A_22 : vector<832x96xi1>, vector<832x96xf32>
    %swap3A = arith.constant 0 : index
    %swap3A_23 = arith.constant 0 : index
    %swap3A_24 = vector.load %arg6[%swap3A, %swap3A_23] : memref<832x96xf32, #tpu.memory_space<vmem>>, vector<832x96xf32>
    tpu.vector_store %arg6[%swap3A, %swap3A_23], %select_n3A {strides = array<i32>} : memref<832x96xf32, #tpu.memory_space<vmem>>, vector<832x96xf32>,
    return
  }
  func.func @transform_0(%arg0: i32) -> (i32, i32) {
    %c0_i32 = arith.constant 0 : i32
    %c0_i32_0 = arith.constant 0 : i32
    return %arg0, %c0_i32 : i32, i32
  }
  func.func @transform_1(%arg0: i32) -> (i32, i32) {
    %c0_i32 = arith.constant 0 : i32
    %c0_i32_0 = arith.constant 0 : i32
    return %arg0, %c0_i32 : i32, i32
  }
  func.func @transform_2(%arg0: i32) -> (i32, i32) {
    %c0_i32 = arith.constant 0 : i32
    %c0_i32_0 = arith.constant 0 : i32
    %c0_i32_1 = arith.constant 0 : i32
    return %c0_i32, %c0_i32_0 : i32, i32
  }
  func.func @transform_3(%arg0: i32) -> (i32, i32) {
    %c0_i32 = arith.constant 0 : i32
    %c0_i32_0 = arith.constant 0 : i32
    %c0_i32_1 = arith.constant 0 : i32
    return %c0_i32, %c0_i32_0 : i32, i32
  }
  func.func @transform_4(%arg0: i32) -> (i32, i32) {
    %c0_i32 = arith.constant 0 : i32
    %c0_i32_0 = arith.constant 0 : i32
    %c0_i32_1 = arith.constant 0 : i32
    return %c0_i32, %c0_i32_0 : i32, i32
  }
  func.func @transform_5(%arg0: i32) -> (i32, i32) {
    %c0_i32 = arith.constant 0 : i32
    %c0_i32_0 = arith.constant 0 : i32
    return %arg0, %c0_i32 : i32, i32
  }
}

module attributes {stable_mosaic.version = 14 : i64} {
  func.func @_gc_body(%arg0: i32, %arg1: memref<832x96xf32, #tpu.memory_space<vmem>>, %arg2: memref<832x96xf32, #tpu.memory_space<vmem>>, %arg3: memref<96x192xf32, #tpu.memory_space<vmem>>, %arg4: memref<96x192xf32, #tpu.memory_space<vmem>>, %arg5: memref<1x192xf32, #tpu.memory_space<vmem>>, %arg6: memref<832x192xf32, #tpu.memory_space<vmem>>) attributes {dimension_semantics = [#tpu.dimension_semantics<arbitrary>], iteration_bounds = array<i64: 8>, scalar_prefetch = 0 : i64, scratch_operands = 0 : i64, tpu.core_type = #tpu.core_type<tc>, window_params = [{transform_indices = @transform_0, window_bounds = array<i64: 832, 96>}, {transform_indices = @transform_1, window_bounds = array<i64: 832, 96>}, {pipeline_mode = #tpu.pipeline_mode<synchronous>, transform_indices = @transform_2, window_bounds = array<i64: 96, 192>}, {pipeline_mode = #tpu.pipeline_mode<synchronous>, transform_indices = @transform_3, window_bounds = array<i64: 96, 192>}, {pipeline_mode = #tpu.pipeline_mode<synchronous>, transform_indices = @transform_4, window_bounds = array<i64: 1, 192>}, {transform_indices = @transform_5, window_bounds = array<i64: 832, 192>}]} {
    %get3A = arith.constant 0 : index
    %get3A_0 = arith.constant 0 : index
    %get3A_1 = vector.load %arg1[%get3A, %get3A_0] : memref<832x96xf32, #tpu.memory_space<vmem>>, vector<832x96xf32>
    %get3A_2 = arith.constant 0 : index
    %get3A_3 = arith.constant 0 : index
    %get3A_4 = vector.load %arg3[%get3A_2, %get3A_3] : memref<96x192xf32, #tpu.memory_space<vmem>>, vector<96x192xf32>
    %dot_general3A = arith.constant dense<0.000000e+00> : vector<832x192xf32>
    %dot_general3A_5 = tpu.matmul %get3A_1, %get3A_4, %dot_general3A {dimension_numbers = #tpu.dot_dimension_numbers<[1], [0], [0], [1], [0, 0, 1, 1], [], []>, transpose_lhs_hint = false} : vector<832x96xf32>, vector<96x192xf32>, vector<832x192xf32> -> vector<832x192xf32>
    %get3A_6 = arith.constant 0 : index
    %get3A_7 = arith.constant 0 : index
    %get3A_8 = vector.load %arg2[%get3A_6, %get3A_7] : memref<832x96xf32, #tpu.memory_space<vmem>>, vector<832x96xf32>
    %get3A_9 = arith.constant 0 : index
    %get3A_10 = arith.constant 0 : index
    %get3A_11 = vector.load %arg4[%get3A_9, %get3A_10] : memref<96x192xf32, #tpu.memory_space<vmem>>, vector<96x192xf32>
    %dot_general3A_12 = arith.constant dense<0.000000e+00> : vector<832x192xf32>
    %dot_general3A_13 = tpu.matmul %get3A_8, %get3A_11, %dot_general3A_12 {dimension_numbers = #tpu.dot_dimension_numbers<[1], [0], [0], [1], [0, 0, 1, 1], [], []>, transpose_lhs_hint = false} : vector<832x96xf32>, vector<96x192xf32>, vector<832x192xf32> -> vector<832x192xf32>
    %add3A = arith.addf %dot_general3A_5, %dot_general3A_13 : vector<832x192xf32>
    %get3A_14 = arith.constant 0 : index
    %get3A_15 = arith.constant 0 : index
    %get3A_16 = vector.load %arg5[%get3A_14, %get3A_15] : memref<1x192xf32, #tpu.memory_space<vmem>>, vector<1x192xf32>
    %add3A_17 = vector.broadcast %get3A_16 : vector<1x192xf32> to vector<832x192xf32>
    %add3A_18 = arith.addf %add3A, %add3A_17 : vector<832x192xf32>
    %ge3A = arith.constant 0.000000e+00 : f32
    %ge3A_19 = vector.broadcast %ge3A : f32 to vector<832x192xf32>
    %ge3A_20 = arith.cmpf oge, %add3A_18, %ge3A_19 : vector<832x192xf32>
    %mul3A = arith.constant 5.000000e-02 : f32
    %mul3A_21 = vector.broadcast %mul3A : f32 to vector<832x192xf32>
    %mul3A_22 = arith.mulf %mul3A_21, %add3A_18 : vector<832x192xf32>
    %select_n3A = arith.select %ge3A_20, %add3A_18, %mul3A_22 : vector<832x192xi1>, vector<832x192xf32>
    %swap3A = arith.constant 0 : index
    %swap3A_23 = arith.constant 0 : index
    %swap3A_24 = vector.load %arg6[%swap3A, %swap3A_23] : memref<832x192xf32, #tpu.memory_space<vmem>>, vector<832x192xf32>
    tpu.vector_store %arg6[%swap3A, %swap3A_23], %select_n3A {strides = array<i32>} : memref<832x192xf32, #tpu.memory_space<vmem>>, vector<832x192xf32>,
    return
  }
  func.func @transform_0(%arg0: i32) -> (i32, i32) {
    %c0_i32 = arith.constant 0 : i32
    %c0_i32_0 = arith.constant 0 : i32
    return %arg0, %c0_i32 : i32, i32
  }
  func.func @transform_1(%arg0: i32) -> (i32, i32) {
    %c0_i32 = arith.constant 0 : i32
    %c0_i32_0 = arith.constant 0 : i32
    return %arg0, %c0_i32 : i32, i32
  }
  func.func @transform_2(%arg0: i32) -> (i32, i32) {
    %c0_i32 = arith.constant 0 : i32
    %c0_i32_0 = arith.constant 0 : i32
    %c0_i32_1 = arith.constant 0 : i32
    return %c0_i32, %c0_i32_0 : i32, i32
  }
  func.func @transform_3(%arg0: i32) -> (i32, i32) {
    %c0_i32 = arith.constant 0 : i32
    %c0_i32_0 = arith.constant 0 : i32
    %c0_i32_1 = arith.constant 0 : i32
    return %c0_i32, %c0_i32_0 : i32, i32
  }
  func.func @transform_4(%arg0: i32) -> (i32, i32) {
    %c0_i32 = arith.constant 0 : i32
    %c0_i32_0 = arith.constant 0 : i32
    %c0_i32_1 = arith.constant 0 : i32
    return %c0_i32, %c0_i32_0 : i32, i32
  }
  func.func @transform_5(%arg0: i32) -> (i32, i32) {
    %c0_i32 = arith.constant 0 : i32
    %c0_i32_0 = arith.constant 0 : i32
    return %arg0, %c0_i32 : i32, i32
  }
}

module attributes {stable_mosaic.version = 14 : i64} {
  func.func @_gc_body(%arg0: i32, %arg1: memref<832x192xf32, #tpu.memory_space<vmem>>, %arg2: memref<832x192xf32, #tpu.memory_space<vmem>>, %arg3: memref<192x192xf32, #tpu.memory_space<vmem>>, %arg4: memref<192x192xf32, #tpu.memory_space<vmem>>, %arg5: memref<1x192xf32, #tpu.memory_space<vmem>>, %arg6: memref<832x192xf32, #tpu.memory_space<vmem>>) attributes {dimension_semantics = [#tpu.dimension_semantics<arbitrary>], iteration_bounds = array<i64: 8>, scalar_prefetch = 0 : i64, scratch_operands = 0 : i64, tpu.core_type = #tpu.core_type<tc>, window_params = [{transform_indices = @transform_0, window_bounds = array<i64: 832, 192>}, {transform_indices = @transform_1, window_bounds = array<i64: 832, 192>}, {pipeline_mode = #tpu.pipeline_mode<synchronous>, transform_indices = @transform_2, window_bounds = array<i64: 192, 192>}, {pipeline_mode = #tpu.pipeline_mode<synchronous>, transform_indices = @transform_3, window_bounds = array<i64: 192, 192>}, {pipeline_mode = #tpu.pipeline_mode<synchronous>, transform_indices = @transform_4, window_bounds = array<i64: 1, 192>}, {transform_indices = @transform_5, window_bounds = array<i64: 832, 192>}]} {
    %get3A = arith.constant 0 : index
    %get3A_0 = arith.constant 0 : index
    %get3A_1 = vector.load %arg1[%get3A, %get3A_0] : memref<832x192xf32, #tpu.memory_space<vmem>>, vector<832x192xf32>
    %get3A_2 = arith.constant 0 : index
    %get3A_3 = arith.constant 0 : index
    %get3A_4 = vector.load %arg3[%get3A_2, %get3A_3] : memref<192x192xf32, #tpu.memory_space<vmem>>, vector<192x192xf32>
    %dot_general3A = arith.constant dense<0.000000e+00> : vector<832x192xf32>
    %dot_general3A_5 = tpu.matmul %get3A_1, %get3A_4, %dot_general3A {dimension_numbers = #tpu.dot_dimension_numbers<[1], [0], [0], [1], [0, 0, 1, 1], [], []>, transpose_lhs_hint = false} : vector<832x192xf32>, vector<192x192xf32>, vector<832x192xf32> -> vector<832x192xf32>
    %get3A_6 = arith.constant 0 : index
    %get3A_7 = arith.constant 0 : index
    %get3A_8 = vector.load %arg2[%get3A_6, %get3A_7] : memref<832x192xf32, #tpu.memory_space<vmem>>, vector<832x192xf32>
    %get3A_9 = arith.constant 0 : index
    %get3A_10 = arith.constant 0 : index
    %get3A_11 = vector.load %arg4[%get3A_9, %get3A_10] : memref<192x192xf32, #tpu.memory_space<vmem>>, vector<192x192xf32>
    %dot_general3A_12 = arith.constant dense<0.000000e+00> : vector<832x192xf32>
    %dot_general3A_13 = tpu.matmul %get3A_8, %get3A_11, %dot_general3A_12 {dimension_numbers = #tpu.dot_dimension_numbers<[1], [0], [0], [1], [0, 0, 1, 1], [], []>, transpose_lhs_hint = false} : vector<832x192xf32>, vector<192x192xf32>, vector<832x192xf32> -> vector<832x192xf32>
    %add3A = arith.addf %dot_general3A_5, %dot_general3A_13 : vector<832x192xf32>
    %get3A_14 = arith.constant 0 : index
    %get3A_15 = arith.constant 0 : index
    %get3A_16 = vector.load %arg5[%get3A_14, %get3A_15] : memref<1x192xf32, #tpu.memory_space<vmem>>, vector<1x192xf32>
    %add3A_17 = vector.broadcast %get3A_16 : vector<1x192xf32> to vector<832x192xf32>
    %add3A_18 = arith.addf %add3A, %add3A_17 : vector<832x192xf32>
    %ge3A = arith.constant 0.000000e+00 : f32
    %ge3A_19 = vector.broadcast %ge3A : f32 to vector<832x192xf32>
    %ge3A_20 = arith.cmpf oge, %add3A_18, %ge3A_19 : vector<832x192xf32>
    %mul3A = arith.constant 5.000000e-02 : f32
    %mul3A_21 = vector.broadcast %mul3A : f32 to vector<832x192xf32>
    %mul3A_22 = arith.mulf %mul3A_21, %add3A_18 : vector<832x192xf32>
    %select_n3A = arith.select %ge3A_20, %add3A_18, %mul3A_22 : vector<832x192xi1>, vector<832x192xf32>
    %swap3A = arith.constant 0 : index
    %swap3A_23 = arith.constant 0 : index
    %swap3A_24 = vector.load %arg6[%swap3A, %swap3A_23] : memref<832x192xf32, #tpu.memory_space<vmem>>, vector<832x192xf32>
    tpu.vector_store %arg6[%swap3A, %swap3A_23], %select_n3A {strides = array<i32>} : memref<832x192xf32, #tpu.memory_space<vmem>>, vector<832x192xf32>,
    return
  }
  func.func @transform_0(%arg0: i32) -> (i32, i32) {
    %c0_i32 = arith.constant 0 : i32
    %c0_i32_0 = arith.constant 0 : i32
    return %arg0, %c0_i32 : i32, i32
  }
  func.func @transform_1(%arg0: i32) -> (i32, i32) {
    %c0_i32 = arith.constant 0 : i32
    %c0_i32_0 = arith.constant 0 : i32
    return %arg0, %c0_i32 : i32, i32
  }
  func.func @transform_2(%arg0: i32) -> (i32, i32) {
    %c0_i32 = arith.constant 0 : i32
    %c0_i32_0 = arith.constant 0 : i32
    %c0_i32_1 = arith.constant 0 : i32
    return %c0_i32, %c0_i32_0 : i32, i32
  }
  func.func @transform_3(%arg0: i32) -> (i32, i32) {
    %c0_i32 = arith.constant 0 : i32
    %c0_i32_0 = arith.constant 0 : i32
    %c0_i32_1 = arith.constant 0 : i32
    return %c0_i32, %c0_i32_0 : i32, i32
  }
  func.func @transform_4(%arg0: i32) -> (i32, i32) {
    %c0_i32 = arith.constant 0 : i32
    %c0_i32_0 = arith.constant 0 : i32
    %c0_i32_1 = arith.constant 0 : i32
    return %c0_i32, %c0_i32_0 : i32, i32
  }
  func.func @transform_5(%arg0: i32) -> (i32, i32) {
    %c0_i32 = arith.constant 0 : i32
    %c0_i32_0 = arith.constant 0 : i32
    return %arg0, %c0_i32 : i32, i32
  }
}

</mosaic_0001>

<sc_bundles>
// kernel: kernel.10.cloned.1.call-start
scs
__scs_entry_jumppad:
0x0: {  	(pc) =	sbr.rel $0x88, $3  }
0x1: {  	(tag) =	ssettag $0x0;
	lr =	simm.s32 $0x1  }
0x2: {  	[smem:$0x3F93] =	sst lr;
	_ =	strace $0xD0000000  }
0x3: {  	_ = 	snop  }
0x4: {  	_ = 	snop  }
0x5: {  	_ = 	snop  }
0x6: {  	_ = 	snop  }
0x7: {  	_ = 	snop  }
__scs_overlays_trampoline_lowered:
0x8: {  	[smem:$0x3FA2] =	sst s0  }
0x9: {  	[smem:$0x3FA3] =	sst s1  }
0xa: {  	[smem:$0x3FA4] =	sst s2  }
0xb: {  	[smem:$0x3FA5] =	sst s3  }
0xc: {  	[smem:$0x3FA6] =	sst s4  }
0xd: {  	[smem:$0x3FA7] =	sst s5  }
0xe: {  	[smem:$0x3FA8] =	sst s6  }
0xf: {  	[smem:$0x3FA9] =	sst s7  }
0x10: {  	[smem:$0x3FAA] =	sst s8  }
0x11: {  	[smem:$0x3FAB] =	sst s9;
	s0 =	simm.s32 @!p0 $0x0  }
0x12: {  	s1 =	sld [smem:$0x3F91];
	s0 =	simm.s32 @p0 $0x1  }
0x13: {  	[smem:$0x3FAC] =	sst s0;
	s0 =	simm.s32 @!p1 $0x0  }
0x14: {  	s2 =	sld [smem:$0x3F90];
	s0 =	simm.s32 @p1 $0x1  }
0x15: {  	[smem:$0x3FAD] =	sst s0;
	s0 =	simm.s32 @!p2 $0x0  }
0x16: {  	s3 =	sld [smem:$0x3FDB];
	s0 =	simm.s32 @p2 $0x1  }
0x17: {  	s4 =	simm.s32 $0x1BF5;
	[smem:$0x3FAF] =	sst s0  }
0x18: {  	s0 =	sld [smem:$0x3F92];
	_ =	swait.ge [sflag:s4], $0x0  }
0x19: {  	s7 =	sld [smem:$0x3F93]  }
0x1a: {  	s8 =	sadd.s32 $0xFFFFE003, lr  }
0x1b: {  	s9 =	sadd.s32 $0xFFFFFEF7, lr;
	s5 =	simm.s32 $0xFFFFFFFF;
	p2 =	slt.u32 s8, $0xFFFFF086  }
0x1c: {  	p1 =	slt.u32 s9, $0xF7A;
	s5 =	simm.s32 @!p2 $0x0  }
0x1d: {  	s5 =	simm.s32 @p1 $0x1;
	p0 =	seq.s32 s7, s2  }
0x1e: {  	s7 =	smul.u32 @!p0 $0xF7A, s2;
	p2 =	seq.s32 @!p0 s5, $0x0  }
0x1f: {  	s9 =	smul.u32 $0xF7A, s1;
	s8 =	simm.s32 @!p0 $0x1BF5;
	p2 =	por !p2, p0  }
0x20: {  	[sflag:s8] =	ssyncset.s32 @!p0 $0xFFFFF086;
	s6 =	sadd.s32 @!p0 s3, s7;
	s7 =	simm.s32 @!p0 $0x108  }
0x21: {  	s3 =	sadd.s32 s3, s9;
	s6 =	sadd.s32 @!p0 $0x88, s6;
	s7 =	simm.s32 @p2 $0x1082  }
0x22: {  	[simem:s7], [sflag:s8] =	dma.local @!p0 [hbm:s6], $0xF7A  }
0x23: {  	s9 =	sor.u32 $0xD0000000, s2;
	s6 =	simm.s32 $0x108;
	_ =	swait.ge @!p0 [sflag:s8], $0x0  }
0x24: {  	s3 =	sadd.s32 $0x88, s3;
	s6 =	simm.s32 @!p1 $0x1082;
	[sflag:s4] =	ssyncset.s32 $0xFFFFF086  }
0x25: {  	[simem:s6], [sflag:s4] =	dma.local [hbm:s3], $0xF7A  }
0x26: {  	[smem:$0x3F93] =	sst s1;
	(tag) =	ssettag s2;
	_ =	strace s9  }
0x27: {  	s1 =	sld [smem:$0x3FA3]  }
0x28: {  	s2 =	sld [smem:$0x3FA4]  }
0x29: {  	s4 =	sld [smem:$0x3FA6]  }
0x2a: {  	p0 =	seq.s32 s5, $0x0;
	s5 =	sld [smem:$0x3FA7]  }
0x2b: {  	s6 =	sld [smem:$0x3FA8]  }
0x2c: {  	s7 =	sld [smem:$0x3FA9]  }
0x2d: {  	s3 =	simm.s32 $0x108;
	s8 =	sld [smem:$0x3FAA]  }
0x2e: {  	s3 =	simm.s32 @!p0 $0x1082;
	s9 =	sld [smem:$0x3FAB]  }
0x2f: {  	lr =	sadd.s32 s0, s3;
	s0 =	sld [smem:$0x3FA2]  }
0x30: {  	s3 =	sld [smem:$0x3FA5]  }
0x31: {  	[smem:$0x3FAE] =	sst s10  }
0x32: {  	s10 =	sld [smem:$0x3FAC];
	_ =	sdelay $0x3  }
0x33: {  	p0 =	seq.s32 s10, $0x1;
	s10 =	sld [smem:$0x3FAE];
	_ =	sdelay $0x3  }
0x34: {  	[smem:$0x3FAE] =	sst s10  }
0x35: {  	s10 =	sld [smem:$0x3FAD];
	_ =	sdelay $0x3  }
0x36: {  	p1 =	seq.s32 s10, $0x1;
	s10 =	sld [smem:$0x3FAE];
	_ =	sdelay $0x3  }
0x37: {  	[smem:$0x3FAE] =	sst s10  }
0x38: {  	s10 =	sld [smem:$0x3FAF]  }
0x39: {  	_ = 	snop;
	(pc) =	sbr.ind lr, $3  }
0x3a: {  	_ = 	snop  }
0x3b: {  	_ = 	snop  }
0x3c: {  	p2 =	seq.s32 s10, $0x1;
	s10 =	sld [smem:$0x3FAE]  }
0x3d: {  	_ =	shalt  }
0x3e: {  	_ =	shalt  }
0x3f: {  	_ =	shalt  }
0x40: {  	_ =	shalt  }
0x41: {  	_ =	shalt  }
0x42: {  	_ =	shalt  }
0x43: {  	_ =	shalt  }
0x44: {  	_ =	shalt  }
0x45: {  	_ =	shalt  }
0x46: {  	_ =	shalt  }
0x47: {  	_ =	shalt  }
0x48: {  	_ =	shalt  }
0x49: {  	_ =	shalt  }
0x4a: {  	_ =	shalt  }
0x4b: {  	_ =	shalt  }
0x4c: {  	_ =	shalt  }
0x4d: {  	_ =	shalt  }
0x4e: {  	_ =	shalt  }
0x4f: {  	_ =	shalt  }
0x50: {  	_ =	shalt  }
0x51: {  	_ =	shalt  }
0x52: {  	_ =	shalt  }
0x53: {  	_ =	shalt  }
0x54: {  	_ =	shalt  }
0x55: {  	_ =	shalt  }
0x56: {  	_ =	shalt  }
0x57: {  	_ =	shalt  }
0x58: {  	_ =	shalt  }
0x59: {  	_ =	shalt  }
0x5a: {  	_ =	shalt  }
0x5b: {  	_ =	shalt  }
0x5c: {  	_ =	shalt  }
0x5d: {  	_ =	shalt  }
0x5e: {  	_ =	shalt  }
0x5f: {  	_ =	shalt  }
0x60: {  	_ =	shalt  }
0x61: {  	_ =	shalt  }
0x62: {  	_ =	shalt  }
0x63: {  	_ =	shalt  }
0x64: {  	_ =	shalt  }
0x65: {  	_ =	shalt  }
0x66: {  	_ =	shalt  }
0x67: {  	_ =	shalt  }
0x68: {  	_ =	shalt  }
0x69: {  	_ =	shalt  }
0x6a: {  	_ =	shalt  }
0x6b: {  	_ =	shalt  }
0x6c: {  	_ =	shalt  }
0x6d: {  	_ =	shalt  }
0x6e: {  	_ =	shalt  }
0x6f: {  	_ =	shalt  }
0x70: {  	_ =	shalt  }
0x71: {  	_ =	shalt  }
0x72: {  	_ =	shalt  }
0x73: {  	_ =	shalt  }
0x74: {  	_ =	shalt  }
0x75: {  	_ =	shalt  }
0x76: {  	_ =	shalt  }
0x77: {  	_ =	shalt  }
0x78: {  	_ =	shalt  }
0x79: {  	_ =	shalt  }
0x7a: {  	_ =	shalt  }
0x7b: {  	_ =	shalt  }
0x7c: {  	_ =	shalt  }
0x7d: {  	_ =	shalt  }
0x7e: {  	_ =	shalt  }
0x7f: {  	_ =	shalt  }
0x80: {  	_ =	shalt  }
0x81: {  	_ =	shalt  }
0x82: {  	_ =	shalt  }
0x83: {  	_ =	shalt  }
0x84: {  	_ =	shalt  }
0x85: {  	_ =	shalt  }
0x86: {  	_ =	shalt  }
0x87: {  	_ =	shalt  }
.Lfunc_end0:
.L_simem_size_0:
called_computation_lowered:
.L_overlay_start_0:
0x88: {  	s2 =	sld [smem:$0x3FD9]  }
0x89: {  	s3 =	sld [smem:$0x3FFE];
	_ =	sdelay $0x1  }
0x8a: {  	s1 =	srdreg.scid  }
0x8b: {  	s0 =	sand.u32 $0x1, s1  }
0x8c: {  	s17 =	sshll.u32 s0, $0xA;
	s2 =	sadd.s32 s3, s2  }
0x8d: {  	s2 =	sadd.s32 s2, s17  }
0x8e: {  	[smem:$0x3FBA] =	sst s2  }
0x8f: {  	_ = 	snop  }
0x90: {  	s2 =	sld [smem:$0x3FD0];
	(tm) =	ssettm $0x1  }
0x91: {  	s18 =	sld [smem:$0x3FFB];
	_ =	sdelay $0x3  }
0x92: {  	_ =	strace s18  }
0x93: {  	s3 =	sld [smem:$0x3FFC];
	_ =	sdelay $0x3  }
0x94: {  	_ =	strace s3  }
0x95: {  	s3 =	sld [smem:$0x3FFD];
	_ =	sdelay $0x3  }
0x96: {  	_ =	strace s3  }
0x97: {  	_ =	strace $0x8FFFFFFF  }
0x98: {  	s19 =	sld [smem:$0x3FDB];
	_ =	sdelay $0x1  }
0x99: {  	s4 =	simm.s32 $_scs_section_size  }
0x9a: {  	s5 =	simm.s32 $_size__tile_overlayer_lowered;
	s6 =	simm.s32 $_tile_overlayer_lowered  }
0x9b: {  	s22 =	simm.s32 $0x1BFF;
	s21 =	sshll.u32 s6, $0x1;
	s3 =	sadd.s32 s4, s19  }
0x9c: {  	s7 =	simm.s32 $0x0;
	s20 =	sshll.u32 s5, $0x1;
	s5 =	sadd.s32 s21, s3  }
0x9d: {  	[timem:s7], [sflag:s22] =	dma.local [hbm:s5], s20  }
0x9e: {  	_ =	swait.ge [sflag:s22], s20  }
0x9f: {  	s4 =	ssub.s32 $0x0, s20;
	[sflag:s22] =	ssyncset.done $0x0  }
0xa0: {  	[sflag:s22] =	ssyncadd.s32 s4;
	_ =	sdelay $0x1  }
0xa1: {  	s23 =	simm.s32 $0x1B8B  }
0xa2: {  	_ =	swait.ge [sflag:s23], $0x1  }
0xa3: {  	[sflag:s23] =	ssyncset.done $0x0  }
0xa4: {  	s25 =	simm.s32 $0x1B8E;
	s24 =	sld [smem:$0x3FFE];
	[sflag:s23] =	ssyncadd.s32 $0xFFFFFFFF  }
0xa5: {  	s26 =	simm.s32 $execute0_lowered;
	[smem:$0x3FD2] =	sst s25  }
0xa6: {  	s5 =	sshll.u32 s26, $0x1;
	_ =	strace $0x80000046;
	[dreg:$0x1] =	wrdreg $0xFFFFFFFF  }
0xa7: {  	s28 =	simm.s32 $_size_execute0_lowered;
	s3 =	sadd.s32 s3, s5;
	[dreg:$0x0] =	wrdreg $0x0  }
0xa8: {  	s5 =	sshll.u32 s28, $0x1;
	[dreg:$0x2] =	wrdreg s3  }
0xa9: {  	[dreg:$0x3] =	wrdreg s5  }
0xaa: {  	[dreg:$0x4] =	wrdreg $0xC0  }
0xab: {  	_ =	task [dreg:s7], $0x5FFFF  }
0xac: {  	[dreg:$0x1] =	wrdreg $0xFFFFFFFF  }
0xad: {  	[dreg:$0x0] =	wrdreg $0x60  }
0xae: {  	[dreg:$0x2] =	wrdreg s2  }
0xaf: {  	[dreg:$0x3] =	wrdreg s24  }
0xb0: {  	[dreg:$0x4] =	wrdreg $0x9  }
0xb1: {  	_ =	task.clear_ibuf [dreg:s7], $0x5FFFF;
	_ =	strace $0x90000046  }
0xb2: {  	s29 =	simm.s32 $0x9;
	_ =	strace $0x8000004C  }
0xb3: {  	_ =	swait.ge [sflag:s29], $0x1  }
0xb4: {  	[sflag:s29] =	ssyncadd.s32 $0xFFFFFFFF  }
0xb5: {  	_ =	strace $0x9000004C  }
0xb6: {  	_ =	sfence  }
0xb7: {  	s30 =	sld [smem:$0x0];
	_ =	sdelay $0x2  }
0xb8: {  	s31 =	sshll.u32 s1, $0xD;
	s1 =	sshrl.u32 s1, $0x2  }
0xb9: {  	s3 =	sand.u32 $0x4000, s31;
	s1 =	sadd.s32 s1, s30  }
0xba: {  	s0 =	sor.u32 s3, s0;
	s1 =	sshll.u32 s1, $0x11  }
0xbb: {  	s0 =	sor.u32 s1, s0  }
0xbc: {  	s0 =	sadd.s32 $0x8F2B, s0  }
0xbd: {  	[sflag:s0] =	ssyncadd.remote.s32 $0x1  }
0xbe: {  	_ =	sfence.sel $0xFFFF  }
0xbf: {  	[dreg:$0x0] =	wrdreg $0xFFFFFFFF;
	(pc) =	sbr.abs _section_cstart, $3  }
0xc0: {  	[dreg:$0x1] =	wrdreg $0xFFFFFFFF  }
0xc1: {  	_ =	task.clear_ibuf [dreg:s7], $0x2FFFF;
	_ =	strace $0x9FFFFFFF  }
0xc2: {  	(tm) =	ssettm $0x7FFFFFFF  }
0xc3: {  	_ =	shalt  }
tec
execute0_lowered:
.L_overlay_start_1:
0x0: {  	(tag) =	ssettag $0x1  }
0x1: {  	s1 =	srdreg.scid;
	s2 =	rddreg [dreg:$0x0]  }
0x2: {  	s0 =	stileid.u32;
	s5 =	rddreg [dreg:$0x1];
	s3 =	simm.s32 $0x0  }
0x3: {  	s8 =	simm.s32 $0x68;
	s9 =	simm.s32 $0x680;
	s10 =	simm.s32 $0x2D80  }
0x4: {  	s11 =	simm.s32 $0xD0;
	s12 =	simm.s32 $0x138;
	s13 =	simm.s32 $0x1A0  }
0x5: {  	s14 =	simm.s32 $0x208;
	s15 =	simm.s32 $0x270;
	s16 =	simm.s32 $0x2D8  }
0x6: {  	s17 =	simm.s32 $0x340;
	s18 =	simm.s32 $0x3A8;
	s19 =	simm.s32 $0x410  }
0x7: {  	s20 =	simm.s32 $0x478;
	s21 =	simm.s32 $0x4E0;
	s22 =	simm.s32 $0x548  }
0x8: {  	s23 =	simm.s32 $0x5B0;
	s4 =	sand.u32 $0x1, s1;
	s30 =	sshll.u32 s0, $0x1  }
0x9: {  	s24 =	simm.s32 $0x618;
	s25 =	simm.s32 $0x1;
	s6 =	sor.u32 s4, s30  }
0xa: {  	s26 =	simm.s32 $0x0;
	s1 =	rddreg [dreg:$0x2];
	s7 =	smul.u32 $0xD0, s6  }
0xb: {  	[smem:$0x7FF] =	sst s3;
	s4 =	ssub.s32 $0x2, s4;
	s6 =	smul.u32 $0x9C0, s6  }
0xc: {  	_ =	strace $0x80000047;
	s31 =	sshrl.u32 s4, $0x1;
	s7 =	sadd.s32 s7, s5  }
0xd: {  	s5 =	sadd.s32 s6, s5;
	s6 =	ssub.s32 s4, s31;
	s4 =	sadd.s32 $0x2200, s7  }
0xe: {  	v0 =	vimm.f32 $0.0e+00;
	s5 =	sadd.s32 $0x3C00, s5;
	s6 =	smax.u32 s6, $0x1;
	s7 =	simm.s32 $0x2  }
.LBB2_1:
0xf: {  	_ =	strace $0x80000048  }
0x10: {  	[tilespmem:s3], [sflag:$0x2] =	stream.linear.gather [hbm4b:s4+s3], $0x680, $0x200038;
	[tilespmem:$0x5480] =	vst v63  }
0x11: {  	_ =	swait.ge [sflag:s7], $0x680  }
0x12: {  	[sflag:s7] =	ssyncset.done $0x0  }
0x13: {  	[sflag:s7] =	ssyncadd.s32 $0xFFFFF980  }
0x14: {  	s28 =	simm.s32 $0x0;
	_ =	strace $0x90000048  }
0x15: {  	_ =	strace $0x80000049;
	[tilespmem:s28+$0x6D0] =	vst v0  }
0x16: {  	[tilespmem:s28+$0x680] =	vst v0  }
0x17: {  	[tilespmem:s28+$0x690] =	vst v0  }
0x18: {  	[tilespmem:s28+$0x6A0] =	vst v0  }
0x19: {  	s29 =	simm.s32 $0x180;
	[tilespmem:s28+$0x6B0] =	vst v0  }
.LBB2_2:
0x1a: {  	p0 =	sne.s32 s29, $0x13680;
	[tilespmem:s28+$0x6C0] =	vst v0;
	s28 =	sshra.s32 s29, $0x2;
	s29 =	sadd.s32 $0x180, s29  }
.Ltmp0:
0x1b: {  	[tilespmem:s28+$0x6D0] =	vst v0;
	(pc) =	sbr.rel @p0 .LBB2_2-.Ltmp0, $4  }
0x1c: {  	[tilespmem:s28+$0x680] =	vst v0  }
0x1d: {  	[tilespmem:s28+$0x690] =	vst v0  }
0x1e: {  	[tilespmem:s28+$0x6A0] =	vst v0  }
0x1f: {  	[tilespmem:s28+$0x6B0] =	vst v0  }
0x20: {  	[tilespmem:s28+$0x6C0] =	vst v0  }
0x21: {  	_ =	strace $0x90000049  }
0x22: {  	_ =	strace $0x8000004A  }
0x23: {  	[tilespmem:s9], [sflag:$0x1] =	stream.indirect.gather.add.f32 [hbm:s2], $0x60, s3, s8, $0x2000b8;
	[tilespmem:$0x5480] =	vst v63  }
0x24: {  	_ = 	snop  }
0x25: {  	[tilespmem:s10], [sflag:$0x1] =	stream.indirect.gather.add.f32 [hbm:s2], $0x60, s8, s8, $0x2000b8;
	[tilespmem:$0x5480] =	vst v63  }
0x26: {  	_ = 	snop  }
0x27: {  	[tilespmem:s9], [sflag:$0x1] =	stream.indirect.gather.add.f32 [hbm:s2], $0x60, s11, s8, $0x2000b8;
	[tilespmem:$0x5480] =	vst v63  }
0x28: {  	_ = 	snop  }
0x29: {  	[tilespmem:s10], [sflag:$0x1] =	stream.indirect.gather.add.f32 [hbm:s2], $0x60, s12, s8, $0x2000b8;
	[tilespmem:$0x5480] =	vst v63  }
0x2a: {  	_ = 	snop  }
0x2b: {  	[tilespmem:s9], [sflag:$0x1] =	stream.indirect.gather.add.f32 [hbm:s2], $0x60, s13, s8, $0x2000b8;
	[tilespmem:$0x5480] =	vst v63  }
0x2c: {  	_ = 	snop  }
0x2d: {  	[tilespmem:s10], [sflag:$0x1] =	stream.indirect.gather.add.f32 [hbm:s2], $0x60, s14, s8, $0x2000b8;
	[tilespmem:$0x5480] =	vst v63  }
0x2e: {  	_ = 	snop  }
0x2f: {  	[tilespmem:s9], [sflag:$0x1] =	stream.indirect.gather.add.f32 [hbm:s2], $0x60, s15, s8, $0x2000b8;
	[tilespmem:$0x5480] =	vst v63  }
0x30: {  	_ = 	snop  }
0x31: {  	[tilespmem:s10], [sflag:$0x1] =	stream.indirect.gather.add.f32 [hbm:s2], $0x60, s16, s8, $0x2000b8;
	[tilespmem:$0x5480] =	vst v63  }
0x32: {  	_ = 	snop  }
0x33: {  	[tilespmem:s9], [sflag:$0x1] =	stream.indirect.gather.add.f32 [hbm:s2], $0x60, s17, s8, $0x2000b8;
	[tilespmem:$0x5480] =	vst v63  }
0x34: {  	_ = 	snop  }
0x35: {  	[tilespmem:s10], [sflag:$0x1] =	stream.indirect.gather.add.f32 [hbm:s2], $0x60, s18, s8, $0x2000b8;
	[tilespmem:$0x5480] =	vst v63  }
0x36: {  	_ = 	snop  }
0x37: {  	[tilespmem:s9], [sflag:$0x1] =	stream.indirect.gather.add.f32 [hbm:s2], $0x60, s19, s8, $0x2000b8;
	[tilespmem:$0x5480] =	vst v63  }
0x38: {  	_ = 	snop  }
0x39: {  	[tilespmem:s10], [sflag:$0x1] =	stream.indirect.gather.add.f32 [hbm:s2], $0x60, s20, s8, $0x2000b8;
	[tilespmem:$0x5480] =	vst v63  }
0x3a: {  	_ = 	snop  }
0x3b: {  	[tilespmem:s9], [sflag:$0x1] =	stream.indirect.gather.add.f32 [hbm:s2], $0x60, s21, s8, $0x2000b8;
	[tilespmem:$0x5480] =	vst v63  }
0x3c: {  	_ = 	snop  }
0x3d: {  	[tilespmem:s10], [sflag:$0x1] =	stream.indirect.gather.add.f32 [hbm:s2], $0x60, s22, s8, $0x2000b8;
	[tilespmem:$0x5480] =	vst v63  }
0x3e: {  	_ = 	snop  }
0x3f: {  	[tilespmem:s9], [sflag:$0x1] =	stream.indirect.gather.add.f32 [hbm:s2], $0x60, s23, s8, $0x2000b8;
	[tilespmem:$0x5480] =	vst v63  }
0x40: {  	_ = 	snop  }
0x41: {  	[tilespmem:s10], [sflag:$0x1] =	stream.indirect.gather.add.f32 [hbm:s2], $0x60, s24, s8, $0x2000b8;
	[tilespmem:$0x5480] =	vst v63  }
0x42: {  	_ =	swait.ge [sflag:s25], $0x2700  }
0x43: {  	[sflag:s25] =	ssyncset.done $0x0  }
0x44: {  	[sflag:s25] =	ssyncadd.s32 $0xFFFFD900  }
0x45: {  	_ =	swait.ge [sflag:s25], $0x2700  }
0x46: {  	[sflag:s25] =	ssyncset.done $0x0  }
0x47: {  	[sflag:s25] =	ssyncadd.s32 $0xFFFFD900  }
0x48: {  	_ =	swait.ge [sflag:s25], $0x2700  }
0x49: {  	[sflag:s25] =	ssyncset.done $0x0  }
0x4a: {  	[sflag:s25] =	ssyncadd.s32 $0xFFFFD900  }
0x4b: {  	_ =	swait.ge [sflag:s25], $0x2700  }
0x4c: {  	[sflag:s25] =	ssyncset.done $0x0  }
0x4d: {  	[sflag:s25] =	ssyncadd.s32 $0xFFFFD900  }
0x4e: {  	_ =	swait.ge [sflag:s25], $0x2700  }
0x4f: {  	[sflag:s25] =	ssyncset.done $0x0  }
0x50: {  	[sflag:s25] =	ssyncadd.s32 $0xFFFFD900  }
0x51: {  	_ =	swait.ge [sflag:s25], $0x2700  }
0x52: {  	[sflag:s25] =	ssyncset.done $0x0  }
0x53: {  	[sflag:s25] =	ssyncadd.s32 $0xFFFFD900  }
0x54: {  	_ =	swait.ge [sflag:s25], $0x2700  }
0x55: {  	[sflag:s25] =	ssyncset.done $0x0  }
0x56: {  	[sflag:s25] =	ssyncadd.s32 $0xFFFFD900  }
0x57: {  	_ =	swait.ge [sflag:s25], $0x2700  }
0x58: {  	[sflag:s25] =	ssyncset.done $0x0  }
0x59: {  	[sflag:s25] =	ssyncadd.s32 $0xFFFFD900  }
0x5a: {  	_ =	swait.ge [sflag:s25], $0x2700  }
0x5b: {  	[sflag:s25] =	ssyncset.done $0x0  }
0x5c: {  	[sflag:s25] =	ssyncadd.s32 $0xFFFFD900  }
0x5d: {  	_ =	swait.ge [sflag:s25], $0x2700  }
0x5e: {  	[sflag:s25] =	ssyncset.done $0x0  }
0x5f: {  	[sflag:s25] =	ssyncadd.s32 $0xFFFFD900  }
0x60: {  	_ =	swait.ge [sflag:s25], $0x2700  }
0x61: {  	[sflag:s25] =	ssyncset.done $0x0  }
0x62: {  	[sflag:s25] =	ssyncadd.s32 $0xFFFFD900  }
0x63: {  	_ =	swait.ge [sflag:s25], $0x2700  }
0x64: {  	[sflag:s25] =	ssyncset.done $0x0  }
0x65: {  	[sflag:s25] =	ssyncadd.s32 $0xFFFFD900  }
0x66: {  	_ =	swait.ge [sflag:s25], $0x2700  }
0x67: {  	[sflag:s25] =	ssyncset.done $0x0  }
0x68: {  	[sflag:s25] =	ssyncadd.s32 $0xFFFFD900  }
0x69: {  	_ =	swait.ge [sflag:s25], $0x2700  }
0x6a: {  	[sflag:s25] =	ssyncset.done $0x0  }
0x6b: {  	[sflag:s25] =	ssyncadd.s32 $0xFFFFD900  }
0x6c: {  	_ =	swait.ge [sflag:s25], $0x2700  }
0x6d: {  	[sflag:s25] =	ssyncset.done $0x0  }
0x6e: {  	[sflag:s25] =	ssyncadd.s32 $0xFFFFD900  }
0x6f: {  	_ =	swait.ge [sflag:s25], $0x2700  }
0x70: {  	[sflag:s25] =	ssyncset.done $0x0  }
0x71: {  	[sflag:s25] =	ssyncadd.s32 $0xFFFFD900  }
0x72: {  	s26 =	sadd.s32 $0x1, s26;
	_ =	strace $0x9000004A  }
0x73: {  	p0 =	sne.s32 s26, s6;
	_ =	strace $0x8000004B  }
0x74: {  	[hbm4b:s5+s3] =	stream.linear.scatter [tilespmem:s9], [sflag:$0x2], $0x4E00, $0x200038;
	[tilespmem:$0x5480] =	vst v63  }
.Ltmp1:
0x75: {  	_ = 	snop;
	(pc) =	sbr.rel @p0 .LBB2_1-.Ltmp1, $4  }
0x76: {  	_ =	swait.ge [sflag:s7], $0x4E00  }
0x77: {  	[sflag:s7] =	ssyncset.done $0x0  }
0x78: {  	[sflag:s7] =	ssyncadd.s32 $0xFFFFB200  }
0x79: {  	_ =	strace $0x9000004B  }
0x7a: {  	_ =	sfence.sel $0x180000  }
0x7b: {  	[bflag:$0x0] =	sbarrier.arrive $0xFFFF  }
0x7c: {  	p0 =	sne.s32 s0, $0x0;
	_ =	strace $0x90000047  }
0x7d: {  	s0 =	sadd.s32 @!p0 $0x100000, s1;
	[bflag:$0x2] =	sbarrier.arrive $0xFFFF  }
0x7e: {  	[sflag:s0] =	ssyncadd.tile.s32 @!p0 $0x1;
	_ =	shalt  }
.Lfunc_end2:
_tile_overlayer_lowered:
.L_overlay_start_2:
0x7f: {  	(tag) =	ssettag $0x2  }
0x80: {  	s0 =	rddreg [dreg:$0x0];
	s2 =	stileid.u32  }
0x81: {  	s1 =	rddreg [dreg:$0x1];
	p0 =	sne.s32 s2, $0x0  }
0x82: {  	s3 =	rddreg [dreg:$0x2];
	[bflag:$0x3] =	sbarrier.arrive $0xFFFF;
	s2 =	simm.s32 @!p0 $0x1C02  }
0x83: {  	[timem:s3], [sflag:s2] =	dma.local @!p0 [hbm:s0], s1  }
0x84: {  	s0 =	simm.s32 @!p0 $0x2  }
0x85: {  	_ =	swait.ge @!p0 [sflag:s0], s1  }
0x86: {  	s1 =	ssub.s32 @!p0 $0x0, s1;
	[sflag:s0] =	ssyncset.done @!p0 $0x0  }
0x87: {  	[sflag:s0] =	ssyncadd.s32 @!p0 s1  }
0x88: {  	[bflag:$0x3] =	sbarrier.arrive $0xFFFF  }
0x89: {  	_ =	shalt  }

// kernel: kernel.13.cloned.1.call-start
scs
__scs_entry_jumppad:
0x0: {  	(pc) =	sbr.rel $0x88, $3  }
0x1: {  	(tag) =	ssettag $0x0;
	lr =	simm.s32 $0x1  }
0x2: {  	[smem:$0x3F93] =	sst lr;
	_ =	strace $0xD0000000  }
0x3: {  	_ = 	snop  }
0x4: {  	_ = 	snop  }
0x5: {  	_ = 	snop  }
0x6: {  	_ = 	snop  }
0x7: {  	_ = 	snop  }
__scs_overlays_trampoline_lowered:
0x8: {  	[smem:$0x3FA2] =	sst s0  }
0x9: {  	[smem:$0x3FA3] =	sst s1  }
0xa: {  	[smem:$0x3FA4] =	sst s2  }
0xb: {  	[smem:$0x3FA5] =	sst s3  }
0xc: {  	[smem:$0x3FA6] =	sst s4  }
0xd: {  	[smem:$0x3FA7] =	sst s5  }
0xe: {  	[smem:$0x3FA8] =	sst s6  }
0xf: {  	[smem:$0x3FA9] =	sst s7  }
0x10: {  	[smem:$0x3FAA] =	sst s8  }
0x11: {  	[smem:$0x3FAB] =	sst s9;
	s0 =	simm.s32 @!p0 $0x0  }
0x12: {  	s1 =	sld [smem:$0x3F91];
	s0 =	simm.s32 @p0 $0x1  }
0x13: {  	[smem:$0x3FAC] =	sst s0;
	s0 =	simm.s32 @!p1 $0x0  }
0x14: {  	s2 =	sld [smem:$0x3F90];
	s0 =	simm.s32 @p1 $0x1  }
0x15: {  	[smem:$0x3FAD] =	sst s0;
	s0 =	simm.s32 @!p2 $0x0  }
0x16: {  	s3 =	sld [smem:$0x3FDB];
	s0 =	simm.s32 @p2 $0x1  }
0x17: {  	s4 =	simm.s32 $0x1BF5;
	[smem:$0x3FAF] =	sst s0  }
0x18: {  	s0 =	sld [smem:$0x3F92];
	_ =	swait.ge [sflag:s4], $0x0  }
0x19: {  	s7 =	sld [smem:$0x3F93]  }
0x1a: {  	s8 =	sadd.s32 $0xFFFFE003, lr  }
0x1b: {  	s9 =	sadd.s32 $0xFFFFFEF7, lr;
	s5 =	simm.s32 $0xFFFFFFFF;
	p2 =	slt.u32 s8, $0xFFFFF086  }
0x1c: {  	p1 =	slt.u32 s9, $0xF7A;
	s5 =	simm.s32 @!p2 $0x0  }
0x1d: {  	s5 =	simm.s32 @p1 $0x1;
	p0 =	seq.s32 s7, s2  }
0x1e: {  	s7 =	smul.u32 @!p0 $0xF7A, s2;
	p2 =	seq.s32 @!p0 s5, $0x0  }
0x1f: {  	s9 =	smul.u32 $0xF7A, s1;
	s8 =	simm.s32 @!p0 $0x1BF5;
	p2 =	por !p2, p0  }
0x20: {  	[sflag:s8] =	ssyncset.s32 @!p0 $0xFFFFF086;
	s6 =	sadd.s32 @!p0 s3, s7;
	s7 =	simm.s32 @!p0 $0x108  }
0x21: {  	s3 =	sadd.s32 s3, s9;
	s6 =	sadd.s32 @!p0 $0x88, s6;
	s7 =	simm.s32 @p2 $0x1082  }
0x22: {  	[simem:s7], [sflag:s8] =	dma.local @!p0 [hbm:s6], $0xF7A  }
0x23: {  	s9 =	sor.u32 $0xD0000000, s2;
	s6 =	simm.s32 $0x108;
	_ =	swait.ge @!p0 [sflag:s8], $0x0  }
0x24: {  	s3 =	sadd.s32 $0x88, s3;
	s6 =	simm.s32 @!p1 $0x1082;
	[sflag:s4] =	ssyncset.s32 $0xFFFFF086  }
0x25: {  	[simem:s6], [sflag:s4] =	dma.local [hbm:s3], $0xF7A  }
0x26: {  	[smem:$0x3F93] =	sst s1;
	(tag) =	ssettag s2;
	_ =	strace s9  }
0x27: {  	s1 =	sld [smem:$0x3FA3]  }
0x28: {  	s2 =	sld [smem:$0x3FA4]  }
0x29: {  	s4 =	sld [smem:$0x3FA6]  }
0x2a: {  	p0 =	seq.s32 s5, $0x0;
	s5 =	sld [smem:$0x3FA7]  }
0x2b: {  	s6 =	sld [smem:$0x3FA8]  }
0x2c: {  	s7 =	sld [smem:$0x3FA9]  }
0x2d: {  	s3 =	simm.s32 $0x108;
	s8 =	sld [smem:$0x3FAA]  }
0x2e: {  	s3 =	simm.s32 @!p0 $0x1082;
	s9 =	sld [smem:$0x3FAB]  }
0x2f: {  	lr =	sadd.s32 s0, s3;
	s0 =	sld [smem:$0x3FA2]  }
0x30: {  	s3 =	sld [smem:$0x3FA5]  }
0x31: {  	[smem:$0x3FAE] =	sst s10  }
0x32: {  	s10 =	sld [smem:$0x3FAC];
	_ =	sdelay $0x3  }
0x33: {  	p0 =	seq.s32 s10, $0x1;
	s10 =	sld [smem:$0x3FAE];
	_ =	sdelay $0x3  }
0x34: {  	[smem:$0x3FAE] =	sst s10  }
0x35: {  	s10 =	sld [smem:$0x3FAD];
	_ =	sdelay $0x3  }
0x36: {  	p1 =	seq.s32 s10, $0x1;
	s10 =	sld [smem:$0x3FAE];
	_ =	sdelay $0x3  }
0x37: {  	[smem:$0x3FAE] =	sst s10  }
0x38: {  	s10 =	sld [smem:$0x3FAF]  }
0x39: {  	_ = 	snop;
	(pc) =	sbr.ind lr, $3  }
0x3a: {  	_ = 	snop  }
0x3b: {  	_ = 	snop  }
0x3c: {  	p2 =	seq.s32 s10, $0x1;
	s10 =	sld [smem:$0x3FAE]  }
0x3d: {  	_ =	shalt  }
0x3e: {  	_ =	shalt  }
0x3f: {  	_ =	shalt  }
0x40: {  	_ =	shalt  }
0x41: {  	_ =	shalt  }
0x42: {  	_ =	shalt  }
0x43: {  	_ =	shalt  }
0x44: {  	_ =	shalt  }
0x45: {  	_ =	shalt  }
0x46: {  	_ =	shalt  }
0x47: {  	_ =	shalt  }
0x48: {  	_ =	shalt  }
0x49: {  	_ =	shalt  }
0x4a: {  	_ =	shalt  }
0x4b: {  	_ =	shalt  }
0x4c: {  	_ =	shalt  }
0x4d: {  	_ =	shalt  }
0x4e: {  	_ =	shalt  }
0x4f: {  	_ =	shalt  }
0x50: {  	_ =	shalt  }
0x51: {  	_ =	shalt  }
0x52: {  	_ =	shalt  }
0x53: {  	_ =	shalt  }
0x54: {  	_ =	shalt  }
0x55: {  	_ =	shalt  }
0x56: {  	_ =	shalt  }
0x57: {  	_ =	shalt  }
0x58: {  	_ =	shalt  }
0x59: {  	_ =	shalt  }
0x5a: {  	_ =	shalt  }
0x5b: {  	_ =	shalt  }
0x5c: {  	_ =	shalt  }
0x5d: {  	_ =	shalt  }
0x5e: {  	_ =	shalt  }
0x5f: {  	_ =	shalt  }
0x60: {  	_ =	shalt  }
0x61: {  	_ =	shalt  }
0x62: {  	_ =	shalt  }
0x63: {  	_ =	shalt  }
0x64: {  	_ =	shalt  }
0x65: {  	_ =	shalt  }
0x66: {  	_ =	shalt  }
0x67: {  	_ =	shalt  }
0x68: {  	_ =	shalt  }
0x69: {  	_ =	shalt  }
0x6a: {  	_ =	shalt  }
0x6b: {  	_ =	shalt  }
0x6c: {  	_ =	shalt  }
0x6d: {  	_ =	shalt  }
0x6e: {  	_ =	shalt  }
0x6f: {  	_ =	shalt  }
0x70: {  	_ =	shalt  }
0x71: {  	_ =	shalt  }
0x72: {  	_ =	shalt  }
0x73: {  	_ =	shalt  }
0x74: {  	_ =	shalt  }
0x75: {  	_ =	shalt  }
0x76: {  	_ =	shalt  }
0x77: {  	_ =	shalt  }
0x78: {  	_ =	shalt  }
0x79: {  	_ =	shalt  }
0x7a: {  	_ =	shalt  }
0x7b: {  	_ =	shalt  }
0x7c: {  	_ =	shalt  }
0x7d: {  	_ =	shalt  }
0x7e: {  	_ =	shalt  }
0x7f: {  	_ =	shalt  }
0x80: {  	_ =	shalt  }
0x81: {  	_ =	shalt  }
0x82: {  	_ =	shalt  }
0x83: {  	_ =	shalt  }
0x84: {  	_ =	shalt  }
0x85: {  	_ =	shalt  }
0x86: {  	_ =	shalt  }
0x87: {  	_ =	shalt  }
.Lfunc_end0:
.L_simem_size_0:
called_computation.1_lowered:
.L_overlay_start_0:
0x88: {  	s2 =	sld [smem:$0x3FD9]  }
0x89: {  	s3 =	sld [smem:$0x3FFE];
	_ =	sdelay $0x1  }
0x8a: {  	s1 =	srdreg.scid  }
0x8b: {  	s0 =	sand.u32 $0x1, s1  }
0x8c: {  	s17 =	sshll.u32 s0, $0xA;
	s2 =	sadd.s32 s3, s2  }
0x8d: {  	s2 =	sadd.s32 s2, s17  }
0x8e: {  	[smem:$0x3FBA] =	sst s2  }
0x8f: {  	_ = 	snop  }
0x90: {  	s2 =	sld [smem:$0x3FD0];
	(tm) =	ssettm $0x1  }
0x91: {  	s18 =	sld [smem:$0x3FFB];
	_ =	sdelay $0x3  }
0x92: {  	_ =	strace s18  }
0x93: {  	s3 =	sld [smem:$0x3FFC];
	_ =	sdelay $0x3  }
0x94: {  	_ =	strace s3  }
0x95: {  	s3 =	sld [smem:$0x3FFD];
	_ =	sdelay $0x3  }
0x96: {  	_ =	strace s3  }
0x97: {  	_ =	strace $0x8FFFFFFF  }
0x98: {  	s19 =	sld [smem:$0x3FDB];
	_ =	sdelay $0x1  }
0x99: {  	s4 =	simm.s32 $_scs_section_size  }
0x9a: {  	s5 =	simm.s32 $_size__tile_overlayer_lowered;
	s6 =	simm.s32 $_tile_overlayer_lowered  }
0x9b: {  	s22 =	simm.s32 $0x1BFF;
	s21 =	sshll.u32 s6, $0x1;
	s3 =	sadd.s32 s4, s19  }
0x9c: {  	s7 =	simm.s32 $0x0;
	s20 =	sshll.u32 s5, $0x1;
	s5 =	sadd.s32 s21, s3  }
0x9d: {  	[timem:s7], [sflag:s22] =	dma.local [hbm:s5], s20  }
0x9e: {  	_ =	swait.ge [sflag:s22], s20  }
0x9f: {  	s4 =	ssub.s32 $0x0, s20;
	[sflag:s22] =	ssyncset.done $0x0  }
0xa0: {  	[sflag:s22] =	ssyncadd.s32 s4;
	_ =	sdelay $0x1  }
0xa1: {  	s23 =	simm.s32 $0x1B8B  }
0xa2: {  	_ =	swait.ge [sflag:s23], $0x1  }
0xa3: {  	[sflag:s23] =	ssyncset.done $0x0  }
0xa4: {  	s25 =	simm.s32 $0x1B8E;
	s24 =	sld [smem:$0x3FFE];
	[sflag:s23] =	ssyncadd.s32 $0xFFFFFFFF  }
0xa5: {  	s26 =	simm.s32 $execute0_lowered;
	[smem:$0x3FD2] =	sst s25  }
0xa6: {  	s5 =	sshll.u32 s26, $0x1;
	_ =	strace $0x8000004D;
	[dreg:$0x1] =	wrdreg $0xFFFFFFFF  }
0xa7: {  	s28 =	simm.s32 $_size_execute0_lowered;
	s3 =	sadd.s32 s3, s5;
	[dreg:$0x0] =	wrdreg $0x0  }
0xa8: {  	s5 =	sshll.u32 s28, $0x1;
	[dreg:$0x2] =	wrdreg s3  }
0xa9: {  	[dreg:$0x3] =	wrdreg s5  }
0xaa: {  	[dreg:$0x4] =	wrdreg $0xC0  }
0xab: {  	_ =	task [dreg:s7], $0x5FFFF  }
0xac: {  	[dreg:$0x1] =	wrdreg $0xFFFFFFFF  }
0xad: {  	[dreg:$0x0] =	wrdreg $0x60  }
0xae: {  	[dreg:$0x2] =	wrdreg s2  }
0xaf: {  	[dreg:$0x3] =	wrdreg s24  }
0xb0: {  	[dreg:$0x4] =	wrdreg $0x9  }
0xb1: {  	_ =	task.clear_ibuf [dreg:s7], $0x5FFFF;
	_ =	strace $0x9000004D  }
0xb2: {  	s29 =	simm.s32 $0x9;
	_ =	strace $0x80000053  }
0xb3: {  	_ =	swait.ge [sflag:s29], $0x1  }
0xb4: {  	[sflag:s29] =	ssyncadd.s32 $0xFFFFFFFF  }
0xb5: {  	_ =	strace $0x90000053  }
0xb6: {  	_ =	sfence  }
0xb7: {  	s30 =	sld [smem:$0x0];
	_ =	sdelay $0x2  }
0xb8: {  	s31 =	sshll.u32 s1, $0xD;
	s1 =	sshrl.u32 s1, $0x2  }
0xb9: {  	s3 =	sand.u32 $0x4000, s31;
	s1 =	sadd.s32 s1, s30  }
0xba: {  	s0 =	sor.u32 s3, s0;
	s1 =	sshll.u32 s1, $0x11  }
0xbb: {  	s0 =	sor.u32 s1, s0  }
0xbc: {  	s0 =	sadd.s32 $0x8F2B, s0  }
0xbd: {  	[sflag:s0] =	ssyncadd.remote.s32 $0x1  }
0xbe: {  	_ =	sfence.sel $0xFFFF  }
0xbf: {  	[dreg:$0x0] =	wrdreg $0xFFFFFFFF;
	(pc) =	sbr.abs _section_cstart, $3  }
0xc0: {  	[dreg:$0x1] =	wrdreg $0xFFFFFFFF  }
0xc1: {  	_ =	task.clear_ibuf [dreg:s7], $0x2FFFF;
	_ =	strace $0x9FFFFFFF  }
0xc2: {  	(tm) =	ssettm $0x7FFFFFFF  }
0xc3: {  	_ =	shalt  }
tec
execute0_lowered:
.L_overlay_start_1:
0x0: {  	(tag) =	ssettag $0x1  }
0x1: {  	s1 =	srdreg.scid;
	s2 =	rddreg [dreg:$0x0]  }
0x2: {  	s0 =	stileid.u32;
	s5 =	rddreg [dreg:$0x1];
	s3 =	simm.s32 $0x0  }
0x3: {  	s8 =	simm.s32 $0x68;
	s9 =	simm.s32 $0x680;
	s10 =	simm.s32 $0x2D80  }
0x4: {  	s11 =	simm.s32 $0xD0;
	s12 =	simm.s32 $0x138;
	s13 =	simm.s32 $0x1A0  }
0x5: {  	s14 =	simm.s32 $0x208;
	s15 =	simm.s32 $0x270;
	s16 =	simm.s32 $0x2D8  }
0x6: {  	s17 =	simm.s32 $0x340;
	s18 =	simm.s32 $0x3A8;
	s19 =	simm.s32 $0x410  }
0x7: {  	s20 =	simm.s32 $0x478;
	s21 =	simm.s32 $0x4E0;
	s22 =	simm.s32 $0x548  }
0x8: {  	s23 =	simm.s32 $0x5B0;
	s4 =	sand.u32 $0x1, s1;
	s30 =	sshll.u32 s0, $0x1  }
0x9: {  	s24 =	simm.s32 $0x618;
	s25 =	simm.s32 $0x1;
	s6 =	sor.u32 s4, s30  }
0xa: {  	s26 =	simm.s32 $0x0;
	s1 =	rddreg [dreg:$0x2];
	s7 =	smul.u32 $0xD0, s6  }
0xb: {  	[smem:$0x7FF] =	sst s3;
	s4 =	ssub.s32 $0x2, s4;
	s6 =	smul.u32 $0x9C0, s6  }
0xc: {  	_ =	strace $0x8000004E;
	s31 =	sshrl.u32 s4, $0x1;
	s7 =	sadd.s32 s7, s5  }
0xd: {  	s5 =	sadd.s32 s6, s5;
	s6 =	ssub.s32 s4, s31;
	s4 =	sadd.s32 $0x2200, s7  }
0xe: {  	v0 =	vimm.f32 $0.0e+00;
	s5 =	sadd.s32 $0x3C00, s5;
	s6 =	smax.u32 s6, $0x1;
	s7 =	simm.s32 $0x2  }
.LBB2_1:
0xf: {  	_ =	strace $0x8000004F  }
0x10: {  	[tilespmem:s3], [sflag:$0x2] =	stream.linear.gather [hbm4b:s4+s3], $0x680, $0x200038;
	[tilespmem:$0x5480] =	vst v63  }
0x11: {  	_ =	swait.ge [sflag:s7], $0x680  }
0x12: {  	[sflag:s7] =	ssyncset.done $0x0  }
0x13: {  	[sflag:s7] =	ssyncadd.s32 $0xFFFFF980  }
0x14: {  	s28 =	simm.s32 $0x0;
	_ =	strace $0x9000004F  }
0x15: {  	_ =	strace $0x80000050;
	[tilespmem:s28+$0x6D0] =	vst v0  }
0x16: {  	[tilespmem:s28+$0x680] =	vst v0  }
0x17: {  	[tilespmem:s28+$0x690] =	vst v0  }
0x18: {  	[tilespmem:s28+$0x6A0] =	vst v0  }
0x19: {  	s29 =	simm.s32 $0x180;
	[tilespmem:s28+$0x6B0] =	vst v0  }
.LBB2_2:
0x1a: {  	p0 =	sne.s32 s29, $0x13680;
	[tilespmem:s28+$0x6C0] =	vst v0;
	s28 =	sshra.s32 s29, $0x2;
	s29 =	sadd.s32 $0x180, s29  }
.Ltmp0:
0x1b: {  	[tilespmem:s28+$0x6D0] =	vst v0;
	(pc) =	sbr.rel @p0 .LBB2_2-.Ltmp0, $4  }
0x1c: {  	[tilespmem:s28+$0x680] =	vst v0  }
0x1d: {  	[tilespmem:s28+$0x690] =	vst v0  }
0x1e: {  	[tilespmem:s28+$0x6A0] =	vst v0  }
0x1f: {  	[tilespmem:s28+$0x6B0] =	vst v0  }
0x20: {  	[tilespmem:s28+$0x6C0] =	vst v0  }
0x21: {  	_ =	strace $0x90000050  }
0x22: {  	_ =	strace $0x80000051  }
0x23: {  	[tilespmem:s9], [sflag:$0x1] =	stream.indirect.gather.add.f32 [hbm:s2], $0x60, s3, s8, $0x2000b8;
	[tilespmem:$0x5480] =	vst v63  }
0x24: {  	_ = 	snop  }
0x25: {  	[tilespmem:s10], [sflag:$0x1] =	stream.indirect.gather.add.f32 [hbm:s2], $0x60, s8, s8, $0x2000b8;
	[tilespmem:$0x5480] =	vst v63  }
0x26: {  	_ = 	snop  }
0x27: {  	[tilespmem:s9], [sflag:$0x1] =	stream.indirect.gather.add.f32 [hbm:s2], $0x60, s11, s8, $0x2000b8;
	[tilespmem:$0x5480] =	vst v63  }
0x28: {  	_ = 	snop  }
0x29: {  	[tilespmem:s10], [sflag:$0x1] =	stream.indirect.gather.add.f32 [hbm:s2], $0x60, s12, s8, $0x2000b8;
	[tilespmem:$0x5480] =	vst v63  }
0x2a: {  	_ = 	snop  }
0x2b: {  	[tilespmem:s9], [sflag:$0x1] =	stream.indirect.gather.add.f32 [hbm:s2], $0x60, s13, s8, $0x2000b8;
	[tilespmem:$0x5480] =	vst v63  }
0x2c: {  	_ = 	snop  }
0x2d: {  	[tilespmem:s10], [sflag:$0x1] =	stream.indirect.gather.add.f32 [hbm:s2], $0x60, s14, s8, $0x2000b8;
	[tilespmem:$0x5480] =	vst v63  }
0x2e: {  	_ = 	snop  }
0x2f: {  	[tilespmem:s9], [sflag:$0x1] =	stream.indirect.gather.add.f32 [hbm:s2], $0x60, s15, s8, $0x2000b8;
	[tilespmem:$0x5480] =	vst v63  }
0x30: {  	_ = 	snop  }
0x31: {  	[tilespmem:s10], [sflag:$0x1] =	stream.indirect.gather.add.f32 [hbm:s2], $0x60, s16, s8, $0x2000b8;
	[tilespmem:$0x5480] =	vst v63  }
0x32: {  	_ = 	snop  }
0x33: {  	[tilespmem:s9], [sflag:$0x1] =	stream.indirect.gather.add.f32 [hbm:s2], $0x60, s17, s8, $0x2000b8;
	[tilespmem:$0x5480] =	vst v63  }
0x34: {  	_ = 	snop  }
0x35: {  	[tilespmem:s10], [sflag:$0x1] =	stream.indirect.gather.add.f32 [hbm:s2], $0x60, s18, s8, $0x2000b8;
	[tilespmem:$0x5480] =	vst v63  }
0x36: {  	_ = 	snop  }
0x37: {  	[tilespmem:s9], [sflag:$0x1] =	stream.indirect.gather.add.f32 [hbm:s2], $0x60, s19, s8, $0x2000b8;
	[tilespmem:$0x5480] =	vst v63  }
0x38: {  	_ = 	snop  }
0x39: {  	[tilespmem:s10], [sflag:$0x1] =	stream.indirect.gather.add.f32 [hbm:s2], $0x60, s20, s8, $0x2000b8;
	[tilespmem:$0x5480] =	vst v63  }
0x3a: {  	_ = 	snop  }
0x3b: {  	[tilespmem:s9], [sflag:$0x1] =	stream.indirect.gather.add.f32 [hbm:s2], $0x60, s21, s8, $0x2000b8;
	[tilespmem:$0x5480] =	vst v63  }
0x3c: {  	_ = 	snop  }
0x3d: {  	[tilespmem:s10], [sflag:$0x1] =	stream.indirect.gather.add.f32 [hbm:s2], $0x60, s22, s8, $0x2000b8;
	[tilespmem:$0x5480] =	vst v63  }
0x3e: {  	_ = 	snop  }
0x3f: {  	[tilespmem:s9], [sflag:$0x1] =	stream.indirect.gather.add.f32 [hbm:s2], $0x60, s23, s8, $0x2000b8;
	[tilespmem:$0x5480] =	vst v63  }
0x40: {  	_ = 	snop  }
0x41: {  	[tilespmem:s10], [sflag:$0x1] =	stream.indirect.gather.add.f32 [hbm:s2], $0x60, s24, s8, $0x2000b8;
	[tilespmem:$0x5480] =	vst v63  }
0x42: {  	_ =	swait.ge [sflag:s25], $0x2700  }
0x43: {  	[sflag:s25] =	ssyncset.done $0x0  }
0x44: {  	[sflag:s25] =	ssyncadd.s32 $0xFFFFD900  }
0x45: {  	_ =	swait.ge [sflag:s25], $0x2700  }
0x46: {  	[sflag:s25] =	ssyncset.done $0x0  }
0x47: {  	[sflag:s25] =	ssyncadd.s32 $0xFFFFD900  }
0x48: {  	_ =	swait.ge [sflag:s25], $0x2700  }
0x49: {  	[sflag:s25] =	ssyncset.done $0x0  }
0x4a: {  	[sflag:s25] =	ssyncadd.s32 $0xFFFFD900  }
0x4b: {  	_ =	swait.ge [sflag:s25], $0x2700  }
0x4c: {  	[sflag:s25] =	ssyncset.done $0x0  }
0x4d: {  	[sflag:s25] =	ssyncadd.s32 $0xFFFFD900  }
0x4e: {  	_ =	swait.ge [sflag:s25], $0x2700  }
0x4f: {  	[sflag:s25] =	ssyncset.done $0x0  }
0x50: {  	[sflag:s25] =	ssyncadd.s32 $0xFFFFD900  }
0x51: {  	_ =	swait.ge [sflag:s25], $0x2700  }
0x52: {  	[sflag:s25] =	ssyncset.done $0x0  }
0x53: {  	[sflag:s25] =	ssyncadd.s32 $0xFFFFD900  }
0x54: {  	_ =	swait.ge [sflag:s25], $0x2700  }
0x55: {  	[sflag:s25] =	ssyncset.done $0x0  }
0x56: {  	[sflag:s25] =	ssyncadd.s32 $0xFFFFD900  }
0x57: {  	_ =	swait.ge [sflag:s25], $0x2700  }
0x58: {  	[sflag:s25] =	ssyncset.done $0x0  }
0x59: {  	[sflag:s25] =	ssyncadd.s32 $0xFFFFD900  }
0x5a: {  	_ =	swait.ge [sflag:s25], $0x2700  }
0x5b: {  	[sflag:s25] =	ssyncset.done $0x0  }
0x5c: {  	[sflag:s25] =	ssyncadd.s32 $0xFFFFD900  }
0x5d: {  	_ =	swait.ge [sflag:s25], $0x2700  }
0x5e: {  	[sflag:s25] =	ssyncset.done $0x0  }
0x5f: {  	[sflag:s25] =	ssyncadd.s32 $0xFFFFD900  }
0x60: {  	_ =	swait.ge [sflag:s25], $0x2700  }
0x61: {  	[sflag:s25] =	ssyncset.done $0x0  }
0x62: {  	[sflag:s25] =	ssyncadd.s32 $0xFFFFD900  }
0x63: {  	_ =	swait.ge [sflag:s25], $0x2700  }
0x64: {  	[sflag:s25] =	ssyncset.done $0x0  }
0x65: {  	[sflag:s25] =	ssyncadd.s32 $0xFFFFD900  }
0x66: {  	_ =	swait.ge [sflag:s25], $0x2700  }
0x67: {  	[sflag:s25] =	ssyncset.done $0x0  }
0x68: {  	[sflag:s25] =	ssyncadd.s32 $0xFFFFD900  }
0x69: {  	_ =	swait.ge [sflag:s25], $0x2700  }
0x6a: {  	[sflag:s25] =	ssyncset.done $0x0  }
0x6b: {  	[sflag:s25] =	ssyncadd.s32 $0xFFFFD900  }
0x6c: {  	_ =	swait.ge [sflag:s25], $0x2700  }
0x6d: {  	[sflag:s25] =	ssyncset.done $0x0  }
0x6e: {  	[sflag:s25] =	ssyncadd.s32 $0xFFFFD900  }
0x6f: {  	_ =	swait.ge [sflag:s25], $0x2700  }
0x70: {  	[sflag:s25] =	ssyncset.done $0x0  }
0x71: {  	[sflag:s25] =	ssyncadd.s32 $0xFFFFD900  }
0x72: {  	s26 =	sadd.s32 $0x1, s26;
	_ =	strace $0x90000051  }
0x73: {  	p0 =	sne.s32 s26, s6;
	_ =	strace $0x80000052  }
0x74: {  	[hbm4b:s5+s3] =	stream.linear.scatter [tilespmem:s9], [sflag:$0x2], $0x4E00, $0x200038;
	[tilespmem:$0x5480] =	vst v63  }
.Ltmp1:
0x75: {  	_ = 	snop;
	(pc) =	sbr.rel @p0 .LBB2_1-.Ltmp1, $4  }
0x76: {  	_ =	swait.ge [sflag:s7], $0x4E00  }
0x77: {  	[sflag:s7] =	ssyncset.done $0x0  }
0x78: {  	[sflag:s7] =	ssyncadd.s32 $0xFFFFB200  }
0x79: {  	_ =	strace $0x90000052  }
0x7a: {  	_ =	sfence.sel $0x180000  }
0x7b: {  	[bflag:$0x0] =	sbarrier.arrive $0xFFFF  }
0x7c: {  	p0 =	sne.s32 s0, $0x0;
	_ =	strace $0x9000004E  }
0x7d: {  	s0 =	sadd.s32 @!p0 $0x100000, s1;
	[bflag:$0x2] =	sbarrier.arrive $0xFFFF  }
0x7e: {  	[sflag:s0] =	ssyncadd.tile.s32 @!p0 $0x1;
	_ =	shalt  }
.Lfunc_end2:
_tile_overlayer_lowered:
.L_overlay_start_2:
0x7f: {  	(tag) =	ssettag $0x2  }
0x80: {  	s0 =	rddreg [dreg:$0x0];
	s2 =	stileid.u32  }
0x81: {  	s1 =	rddreg [dreg:$0x1];
	p0 =	sne.s32 s2, $0x0  }
0x82: {  	s3 =	rddreg [dreg:$0x2];
	[bflag:$0x3] =	sbarrier.arrive $0xFFFF;
	s2 =	simm.s32 @!p0 $0x1C02  }
0x83: {  	[timem:s3], [sflag:s2] =	dma.local @!p0 [hbm:s0], s1  }
0x84: {  	s0 =	simm.s32 @!p0 $0x2  }
0x85: {  	_ =	swait.ge @!p0 [sflag:s0], s1  }
0x86: {  	s1 =	ssub.s32 @!p0 $0x0, s1;
	[sflag:s0] =	ssyncset.done @!p0 $0x0  }
0x87: {  	[sflag:s0] =	ssyncadd.s32 @!p0 s1  }
0x88: {  	[bflag:$0x3] =	sbarrier.arrive $0xFFFF  }
0x89: {  	_ =	shalt  }

// kernel: kernel.16.cloned.1.call-start
scs
__scs_entry_jumppad:
0x0: {  	(pc) =	sbr.rel $0x88, $3  }
0x1: {  	(tag) =	ssettag $0x0;
	lr =	simm.s32 $0x1  }
0x2: {  	[smem:$0x3F93] =	sst lr;
	_ =	strace $0xD0000000  }
0x3: {  	_ = 	snop  }
0x4: {  	_ = 	snop  }
0x5: {  	_ = 	snop  }
0x6: {  	_ = 	snop  }
0x7: {  	_ = 	snop  }
__scs_overlays_trampoline_lowered:
0x8: {  	[smem:$0x3FA2] =	sst s0  }
0x9: {  	[smem:$0x3FA3] =	sst s1  }
0xa: {  	[smem:$0x3FA4] =	sst s2  }
0xb: {  	[smem:$0x3FA5] =	sst s3  }
0xc: {  	[smem:$0x3FA6] =	sst s4  }
0xd: {  	[smem:$0x3FA7] =	sst s5  }
0xe: {  	[smem:$0x3FA8] =	sst s6  }
0xf: {  	[smem:$0x3FA9] =	sst s7  }
0x10: {  	[smem:$0x3FAA] =	sst s8  }
0x11: {  	[smem:$0x3FAB] =	sst s9;
	s0 =	simm.s32 @!p0 $0x0  }
0x12: {  	s1 =	sld [smem:$0x3F91];
	s0 =	simm.s32 @p0 $0x1  }
0x13: {  	[smem:$0x3FAC] =	sst s0;
	s0 =	simm.s32 @!p1 $0x0  }
0x14: {  	s2 =	sld [smem:$0x3F90];
	s0 =	simm.s32 @p1 $0x1  }
0x15: {  	[smem:$0x3FAD] =	sst s0;
	s0 =	simm.s32 @!p2 $0x0  }
0x16: {  	s3 =	sld [smem:$0x3FDB];
	s0 =	simm.s32 @p2 $0x1  }
0x17: {  	s4 =	simm.s32 $0x1BF5;
	[smem:$0x3FAF] =	sst s0  }
0x18: {  	s0 =	sld [smem:$0x3F92];
	_ =	swait.ge [sflag:s4], $0x0  }
0x19: {  	s7 =	sld [smem:$0x3F93]  }
0x1a: {  	s8 =	sadd.s32 $0xFFFFE003, lr  }
0x1b: {  	s9 =	sadd.s32 $0xFFFFFEF7, lr;
	s5 =	simm.s32 $0xFFFFFFFF;
	p2 =	slt.u32 s8, $0xFFFFF086  }
0x1c: {  	p1 =	slt.u32 s9, $0xF7A;
	s5 =	simm.s32 @!p2 $0x0  }
0x1d: {  	s5 =	simm.s32 @p1 $0x1;
	p0 =	seq.s32 s7, s2  }
0x1e: {  	s7 =	smul.u32 @!p0 $0xF7A, s2;
	p2 =	seq.s32 @!p0 s5, $0x0  }
0x1f: {  	s9 =	smul.u32 $0xF7A, s1;
	s8 =	simm.s32 @!p0 $0x1BF5;
	p2 =	por !p2, p0  }
0x20: {  	[sflag:s8] =	ssyncset.s32 @!p0 $0xFFFFF086;
	s6 =	sadd.s32 @!p0 s3, s7;
	s7 =	simm.s32 @!p0 $0x108  }
0x21: {  	s3 =	sadd.s32 s3, s9;
	s6 =	sadd.s32 @!p0 $0x88, s6;
	s7 =	simm.s32 @p2 $0x1082  }
0x22: {  	[simem:s7], [sflag:s8] =	dma.local @!p0 [hbm:s6], $0xF7A  }
0x23: {  	s9 =	sor.u32 $0xD0000000, s2;
	s6 =	simm.s32 $0x108;
	_ =	swait.ge @!p0 [sflag:s8], $0x0  }
0x24: {  	s3 =	sadd.s32 $0x88, s3;
	s6 =	simm.s32 @!p1 $0x1082;
	[sflag:s4] =	ssyncset.s32 $0xFFFFF086  }
0x25: {  	[simem:s6], [sflag:s4] =	dma.local [hbm:s3], $0xF7A  }
0x26: {  	[smem:$0x3F93] =	sst s1;
	(tag) =	ssettag s2;
	_ =	strace s9  }
0x27: {  	s1 =	sld [smem:$0x3FA3]  }
0x28: {  	s2 =	sld [smem:$0x3FA4]  }
0x29: {  	s4 =	sld [smem:$0x3FA6]  }
0x2a: {  	p0 =	seq.s32 s5, $0x0;
	s5 =	sld [smem:$0x3FA7]  }
0x2b: {  	s6 =	sld [smem:$0x3FA8]  }
0x2c: {  	s7 =	sld [smem:$0x3FA9]  }
0x2d: {  	s3 =	simm.s32 $0x108;
	s8 =	sld [smem:$0x3FAA]  }
0x2e: {  	s3 =	simm.s32 @!p0 $0x1082;
	s9 =	sld [smem:$0x3FAB]  }
0x2f: {  	lr =	sadd.s32 s0, s3;
	s0 =	sld [smem:$0x3FA2]  }
0x30: {  	s3 =	sld [smem:$0x3FA5]  }
0x31: {  	[smem:$0x3FAE] =	sst s10  }
0x32: {  	s10 =	sld [smem:$0x3FAC];
	_ =	sdelay $0x3  }
0x33: {  	p0 =	seq.s32 s10, $0x1;
	s10 =	sld [smem:$0x3FAE];
	_ =	sdelay $0x3  }
0x34: {  	[smem:$0x3FAE] =	sst s10  }
0x35: {  	s10 =	sld [smem:$0x3FAD];
	_ =	sdelay $0x3  }
0x36: {  	p1 =	seq.s32 s10, $0x1;
	s10 =	sld [smem:$0x3FAE];
	_ =	sdelay $0x3  }
0x37: {  	[smem:$0x3FAE] =	sst s10  }
0x38: {  	s10 =	sld [smem:$0x3FAF]  }
0x39: {  	_ = 	snop;
	(pc) =	sbr.ind lr, $3  }
0x3a: {  	_ = 	snop  }
0x3b: {  	_ = 	snop  }
0x3c: {  	p2 =	seq.s32 s10, $0x1;
	s10 =	sld [smem:$0x3FAE]  }
0x3d: {  	_ =	shalt  }
0x3e: {  	_ =	shalt  }
0x3f: {  	_ =	shalt  }
0x40: {  	_ =	shalt  }
0x41: {  	_ =	shalt  }
0x42: {  	_ =	shalt  }
0x43: {  	_ =	shalt  }
0x44: {  	_ =	shalt  }
0x45: {  	_ =	shalt  }
0x46: {  	_ =	shalt  }
0x47: {  	_ =	shalt  }
0x48: {  	_ =	shalt  }
0x49: {  	_ =	shalt  }
0x4a: {  	_ =	shalt  }
0x4b: {  	_ =	shalt  }
0x4c: {  	_ =	shalt  }
0x4d: {  	_ =	shalt  }
0x4e: {  	_ =	shalt  }
0x4f: {  	_ =	shalt  }
0x50: {  	_ =	shalt  }
0x51: {  	_ =	shalt  }
0x52: {  	_ =	shalt  }
0x53: {  	_ =	shalt  }
0x54: {  	_ =	shalt  }
0x55: {  	_ =	shalt  }
0x56: {  	_ =	shalt  }
0x57: {  	_ =	shalt  }
0x58: {  	_ =	shalt  }
0x59: {  	_ =	shalt  }
0x5a: {  	_ =	shalt  }
0x5b: {  	_ =	shalt  }
0x5c: {  	_ =	shalt  }
0x5d: {  	_ =	shalt  }
0x5e: {  	_ =	shalt  }
0x5f: {  	_ =	shalt  }
0x60: {  	_ =	shalt  }
0x61: {  	_ =	shalt  }
0x62: {  	_ =	shalt  }
0x63: {  	_ =	shalt  }
0x64: {  	_ =	shalt  }
0x65: {  	_ =	shalt  }
0x66: {  	_ =	shalt  }
0x67: {  	_ =	shalt  }
0x68: {  	_ =	shalt  }
0x69: {  	_ =	shalt  }
0x6a: {  	_ =	shalt  }
0x6b: {  	_ =	shalt  }
0x6c: {  	_ =	shalt  }
0x6d: {  	_ =	shalt  }
0x6e: {  	_ =	shalt  }
0x6f: {  	_ =	shalt  }
0x70: {  	_ =	shalt  }
0x71: {  	_ =	shalt  }
0x72: {  	_ =	shalt  }
0x73: {  	_ =	shalt  }
0x74: {  	_ =	shalt  }
0x75: {  	_ =	shalt  }
0x76: {  	_ =	shalt  }
0x77: {  	_ =	shalt  }
0x78: {  	_ =	shalt  }
0x79: {  	_ =	shalt  }
0x7a: {  	_ =	shalt  }
0x7b: {  	_ =	shalt  }
0x7c: {  	_ =	shalt  }
0x7d: {  	_ =	shalt  }
0x7e: {  	_ =	shalt  }
0x7f: {  	_ =	shalt  }
0x80: {  	_ =	shalt  }
0x81: {  	_ =	shalt  }
0x82: {  	_ =	shalt  }
0x83: {  	_ =	shalt  }
0x84: {  	_ =	shalt  }
0x85: {  	_ =	shalt  }
0x86: {  	_ =	shalt  }
0x87: {  	_ =	shalt  }
.Lfunc_end0:
.L_simem_size_0:
called_computation.2_lowered:
.L_overlay_start_0:
0x88: {  	s2 =	sld [smem:$0x3FD9]  }
0x89: {  	s3 =	sld [smem:$0x3FFE];
	_ =	sdelay $0x1  }
0x8a: {  	s1 =	srdreg.scid  }
0x8b: {  	s0 =	sand.u32 $0x1, s1  }
0x8c: {  	s17 =	sshll.u32 s0, $0xA;
	s2 =	sadd.s32 s3, s2  }
0x8d: {  	s2 =	sadd.s32 s2, s17  }
0x8e: {  	[smem:$0x3FBA] =	sst s2  }
0x8f: {  	_ = 	snop  }
0x90: {  	s2 =	sld [smem:$0x3FD0];
	(tm) =	ssettm $0x1  }
0x91: {  	s18 =	sld [smem:$0x3FFB];
	_ =	sdelay $0x3  }
0x92: {  	_ =	strace s18  }
0x93: {  	s3 =	sld [smem:$0x3FFC];
	_ =	sdelay $0x3  }
0x94: {  	_ =	strace s3  }
0x95: {  	s3 =	sld [smem:$0x3FFD];
	_ =	sdelay $0x3  }
0x96: {  	_ =	strace s3  }
0x97: {  	_ =	strace $0x8FFFFFFF  }
0x98: {  	s19 =	sld [smem:$0x3FDB];
	_ =	sdelay $0x1  }
0x99: {  	s4 =	simm.s32 $_scs_section_size  }
0x9a: {  	s5 =	simm.s32 $_size__tile_overlayer_lowered;
	s6 =	simm.s32 $_tile_overlayer_lowered  }
0x9b: {  	s22 =	simm.s32 $0x1BFF;
	s21 =	sshll.u32 s6, $0x1;
	s3 =	sadd.s32 s4, s19  }
0x9c: {  	s7 =	simm.s32 $0x0;
	s20 =	sshll.u32 s5, $0x1;
	s5 =	sadd.s32 s21, s3  }
0x9d: {  	[timem:s7], [sflag:s22] =	dma.local [hbm:s5], s20  }
0x9e: {  	_ =	swait.ge [sflag:s22], s20  }
0x9f: {  	s4 =	ssub.s32 $0x0, s20;
	[sflag:s22] =	ssyncset.done $0x0  }
0xa0: {  	[sflag:s22] =	ssyncadd.s32 s4;
	_ =	sdelay $0x1  }
0xa1: {  	s23 =	simm.s32 $0x1B8B  }
0xa2: {  	_ =	swait.ge [sflag:s23], $0x1  }
0xa3: {  	[sflag:s23] =	ssyncset.done $0x0  }
0xa4: {  	s25 =	simm.s32 $0x1B8E;
	s24 =	sld [smem:$0x3FFE];
	[sflag:s23] =	ssyncadd.s32 $0xFFFFFFFF  }
0xa5: {  	s26 =	simm.s32 $execute0_lowered;
	[smem:$0x3FD2] =	sst s25  }
0xa6: {  	s5 =	sshll.u32 s26, $0x1;
	_ =	strace $0x80000054;
	[dreg:$0x1] =	wrdreg $0xFFFFFFFF  }
0xa7: {  	s28 =	simm.s32 $_size_execute0_lowered;
	s3 =	sadd.s32 s3, s5;
	[dreg:$0x0] =	wrdreg $0x0  }
0xa8: {  	s5 =	sshll.u32 s28, $0x1;
	[dreg:$0x2] =	wrdreg s3  }
0xa9: {  	[dreg:$0x3] =	wrdreg s5  }
0xaa: {  	[dreg:$0x4] =	wrdreg $0xC0  }
0xab: {  	_ =	task [dreg:s7], $0x5FFFF  }
0xac: {  	[dreg:$0x1] =	wrdreg $0xFFFFFFFF  }
0xad: {  	[dreg:$0x0] =	wrdreg $0x60  }
0xae: {  	[dreg:$0x2] =	wrdreg s2  }
0xaf: {  	[dreg:$0x3] =	wrdreg s24  }
0xb0: {  	[dreg:$0x4] =	wrdreg $0x9  }
0xb1: {  	_ =	task.clear_ibuf [dreg:s7], $0x5FFFF;
	_ =	strace $0x90000054  }
0xb2: {  	s29 =	simm.s32 $0x9;
	_ =	strace $0x8000005A  }
0xb3: {  	_ =	swait.ge [sflag:s29], $0x1  }
0xb4: {  	[sflag:s29] =	ssyncadd.s32 $0xFFFFFFFF  }
0xb5: {  	_ =	strace $0x9000005A  }
0xb6: {  	_ =	sfence  }
0xb7: {  	s30 =	sld [smem:$0x0];
	_ =	sdelay $0x2  }
0xb8: {  	s31 =	sshll.u32 s1, $0xD;
	s1 =	sshrl.u32 s1, $0x2  }
0xb9: {  	s3 =	sand.u32 $0x4000, s31;
	s1 =	sadd.s32 s1, s30  }
0xba: {  	s0 =	sor.u32 s3, s0;
	s1 =	sshll.u32 s1, $0x11  }
0xbb: {  	s0 =	sor.u32 s1, s0  }
0xbc: {  	s0 =	sadd.s32 $0x8F2B, s0  }
0xbd: {  	[sflag:s0] =	ssyncadd.remote.s32 $0x1  }
0xbe: {  	_ =	sfence.sel $0xFFFF  }
0xbf: {  	[dreg:$0x0] =	wrdreg $0xFFFFFFFF;
	(pc) =	sbr.abs _section_cstart, $3  }
0xc0: {  	[dreg:$0x1] =	wrdreg $0xFFFFFFFF  }
0xc1: {  	_ =	task.clear_ibuf [dreg:s7], $0x2FFFF;
	_ =	strace $0x9FFFFFFF  }
0xc2: {  	(tm) =	ssettm $0x7FFFFFFF  }
0xc3: {  	_ =	shalt  }
tec
execute0_lowered:
.L_overlay_start_1:
0x0: {  	(tag) =	ssettag $0x1  }
0x1: {  	s1 =	srdreg.scid;
	s2 =	rddreg [dreg:$0x0]  }
0x2: {  	s0 =	stileid.u32;
	s5 =	rddreg [dreg:$0x1];
	s3 =	simm.s32 $0x0  }
0x3: {  	s8 =	simm.s32 $0x68;
	s9 =	simm.s32 $0x680;
	s10 =	simm.s32 $0x5480  }
0x4: {  	s11 =	simm.s32 $0xD0;
	s12 =	simm.s32 $0x138;
	s13 =	simm.s32 $0x1A0  }
0x5: {  	s14 =	simm.s32 $0x208;
	s15 =	simm.s32 $0x270;
	s16 =	simm.s32 $0x2D8  }
0x6: {  	s17 =	simm.s32 $0x340;
	s18 =	simm.s32 $0x3A8;
	s19 =	simm.s32 $0x410  }
0x7: {  	s20 =	simm.s32 $0x478;
	s21 =	simm.s32 $0x4E0;
	s22 =	simm.s32 $0x548  }
0x8: {  	s23 =	simm.s32 $0x5B0;
	s4 =	sand.u32 $0x1, s1;
	s30 =	sshll.u32 s0, $0x1  }
0x9: {  	s24 =	simm.s32 $0x618;
	s25 =	simm.s32 $0x1;
	s6 =	sor.u32 s4, s30  }
0xa: {  	s26 =	simm.s32 $0x0;
	s1 =	rddreg [dreg:$0x2];
	s7 =	smul.u32 $0xD0, s6  }
0xb: {  	[smem:$0x7FF] =	sst s3;
	s4 =	ssub.s32 $0x2, s4;
	s6 =	smul.u32 $0x1380, s6  }
0xc: {  	_ =	strace $0x80000055;
	s31 =	sshrl.u32 s4, $0x1;
	s7 =	sadd.s32 s7, s5  }
0xd: {  	s5 =	sadd.s32 s6, s5;
	s6 =	ssub.s32 s4, s31;
	s4 =	sadd.s32 $0x2200, s7  }
0xe: {  	v0 =	vimm.f32 $0.0e+00;
	s5 =	sadd.s32 $0x3C00, s5;
	s6 =	smax.u32 s6, $0x1;
	s7 =	simm.s32 $0x2  }
.LBB2_1:
0xf: {  	_ =	strace $0x80000056  }
0x10: {  	[tilespmem:s3], [sflag:$0x2] =	stream.linear.gather [hbm4b:s4+s3], $0x680, $0x200038;
	[tilespmem:$0xA280] =	vst v63  }
0x11: {  	_ =	swait.ge [sflag:s7], $0x680  }
0x12: {  	[sflag:s7] =	ssyncset.done $0x0  }
0x13: {  	[sflag:s7] =	ssyncadd.s32 $0xFFFFF980  }
0x14: {  	_ =	strace $0x90000056  }
0x15: {  	s28 =	simm.s32 $0x0;
	s29 =	simm.s32 $0x300;
	_ =	strace $0x80000057  }
.LBB2_2:
0x16: {  	p0 =	sne.s32 s29, $0x26D00;
	[tilespmem:s28+$0x730] =	vst v0  }
0x17: {  	[tilespmem:s28+$0x680] =	vst v0  }
0x18: {  	[tilespmem:s28+$0x690] =	vst v0  }
0x19: {  	[tilespmem:s28+$0x6A0] =	vst v0  }
0x1a: {  	[tilespmem:s28+$0x6B0] =	vst v0  }
0x1b: {  	[tilespmem:s28+$0x6C0] =	vst v0  }
0x1c: {  	[tilespmem:s28+$0x6D0] =	vst v0  }
.Ltmp0:
0x1d: {  	[tilespmem:s28+$0x6E0] =	vst v0;
	(pc) =	sbr.rel @p0 .LBB2_2-.Ltmp0, $4  }
0x1e: {  	[tilespmem:s28+$0x6F0] =	vst v0  }
0x1f: {  	[tilespmem:s28+$0x700] =	vst v0  }
0x20: {  	[tilespmem:s28+$0x710] =	vst v0  }
0x21: {  	[tilespmem:s28+$0x720] =	vst v0;
	s28 =	sshra.s32 s29, $0x2;
	s29 =	sadd.s32 $0x300, s29  }
0x22: {  	[tilespmem:s28+$0x730] =	vst v0  }
0x23: {  	[tilespmem:s28+$0x680] =	vst v0  }
0x24: {  	[tilespmem:s28+$0x690] =	vst v0  }
0x25: {  	[tilespmem:s28+$0x6A0] =	vst v0  }
0x26: {  	[tilespmem:s28+$0x6B0] =	vst v0  }
0x27: {  	[tilespmem:s28+$0x6C0] =	vst v0  }
0x28: {  	[tilespmem:s28+$0x6D0] =	vst v0  }
0x29: {  	[tilespmem:s28+$0x6E0] =	vst v0  }
0x2a: {  	[tilespmem:s28+$0x6F0] =	vst v0  }
0x2b: {  	[tilespmem:s28+$0x700] =	vst v0  }
0x2c: {  	[tilespmem:s28+$0x710] =	vst v0  }
0x2d: {  	[tilespmem:s28+$0x720] =	vst v0  }
0x2e: {  	_ =	strace $0x90000057  }
0x2f: {  	_ =	strace $0x80000058  }
0x30: {  	[tilespmem:s9], [sflag:$0x1] =	stream.indirect.gather.add.f32 [hbm:s2], $0xC0, s3, s8, $0x2000b8;
	[tilespmem:$0xA280] =	vst v63  }
0x31: {  	_ = 	snop  }
0x32: {  	[tilespmem:s10], [sflag:$0x1] =	stream.indirect.gather.add.f32 [hbm:s2], $0xC0, s8, s8, $0x2000b8;
	[tilespmem:$0xA280] =	vst v63  }
0x33: {  	_ = 	snop  }
0x34: {  	[tilespmem:s9], [sflag:$0x1] =	stream.indirect.gather.add.f32 [hbm:s2], $0xC0, s11, s8, $0x2000b8;
	[tilespmem:$0xA280] =	vst v63  }
0x35: {  	_ = 	snop  }
0x36: {  	[tilespmem:s10], [sflag:$0x1] =	stream.indirect.gather.add.f32 [hbm:s2], $0xC0, s12, s8, $0x2000b8;
	[tilespmem:$0xA280] =	vst v63  }
0x37: {  	_ = 	snop  }
0x38: {  	[tilespmem:s9], [sflag:$0x1] =	stream.indirect.gather.add.f32 [hbm:s2], $0xC0, s13, s8, $0x2000b8;
	[tilespmem:$0xA280] =	vst v63  }
0x39: {  	_ = 	snop  }
0x3a: {  	[tilespmem:s10], [sflag:$0x1] =	stream.indirect.gather.add.f32 [hbm:s2], $0xC0, s14, s8, $0x2000b8;
	[tilespmem:$0xA280] =	vst v63  }
0x3b: {  	_ = 	snop  }
0x3c: {  	[tilespmem:s9], [sflag:$0x1] =	stream.indirect.gather.add.f32 [hbm:s2], $0xC0, s15, s8, $0x2000b8;
	[tilespmem:$0xA280] =	vst v63  }
0x3d: {  	_ = 	snop  }
0x3e: {  	[tilespmem:s10], [sflag:$0x1] =	stream.indirect.gather.add.f32 [hbm:s2], $0xC0, s16, s8, $0x2000b8;
	[tilespmem:$0xA280] =	vst v63  }
0x3f: {  	_ = 	snop  }
0x40: {  	[tilespmem:s9], [sflag:$0x1] =	stream.indirect.gather.add.f32 [hbm:s2], $0xC0, s17, s8, $0x2000b8;
	[tilespmem:$0xA280] =	vst v63  }
0x41: {  	_ = 	snop  }
0x42: {  	[tilespmem:s10], [sflag:$0x1] =	stream.indirect.gather.add.f32 [hbm:s2], $0xC0, s18, s8, $0x2000b8;
	[tilespmem:$0xA280] =	vst v63  }
0x43: {  	_ = 	snop  }
0x44: {  	[tilespmem:s9], [sflag:$0x1] =	stream.indirect.gather.add.f32 [hbm:s2], $0xC0, s19, s8, $0x2000b8;
	[tilespmem:$0xA280] =	vst v63  }
0x45: {  	_ = 	snop  }
0x46: {  	[tilespmem:s10], [sflag:$0x1] =	stream.indirect.gather.add.f32 [hbm:s2], $0xC0, s20, s8, $0x2000b8;
	[tilespmem:$0xA280] =	vst v63  }
0x47: {  	_ = 	snop  }
0x48: {  	[tilespmem:s9], [sflag:$0x1] =	stream.indirect.gather.add.f32 [hbm:s2], $0xC0, s21, s8, $0x2000b8;
	[tilespmem:$0xA280] =	vst v63  }
0x49: {  	_ = 	snop  }
0x4a: {  	[tilespmem:s10], [sflag:$0x1] =	stream.indirect.gather.add.f32 [hbm:s2], $0xC0, s22, s8, $0x2000b8;
	[tilespmem:$0xA280] =	vst v63  }
0x4b: {  	_ = 	snop  }
0x4c: {  	[tilespmem:s9], [sflag:$0x1] =	stream.indirect.gather.add.f32 [hbm:s2], $0xC0, s23, s8, $0x2000b8;
	[tilespmem:$0xA280] =	vst v63  }
0x4d: {  	_ = 	snop  }
0x4e: {  	[tilespmem:s10], [sflag:$0x1] =	stream.indirect.gather.add.f32 [hbm:s2], $0xC0, s24, s8, $0x2000b8;
	[tilespmem:$0xA280] =	vst v63  }
0x4f: {  	_ =	swait.ge [sflag:s25], $0x4E00  }
0x50: {  	[sflag:s25] =	ssyncset.done $0x0  }
0x51: {  	[sflag:s25] =	ssyncadd.s32 $0xFFFFB200  }
0x52: {  	_ =	swait.ge [sflag:s25], $0x4E00  }
0x53: {  	[sflag:s25] =	ssyncset.done $0x0  }
0x54: {  	[sflag:s25] =	ssyncadd.s32 $0xFFFFB200  }
0x55: {  	_ =	swait.ge [sflag:s25], $0x4E00  }
0x56: {  	[sflag:s25] =	ssyncset.done $0x0  }
0x57: {  	[sflag:s25] =	ssyncadd.s32 $0xFFFFB200  }
0x58: {  	_ =	swait.ge [sflag:s25], $0x4E00  }
0x59: {  	[sflag:s25] =	ssyncset.done $0x0  }
0x5a: {  	[sflag:s25] =	ssyncadd.s32 $0xFFFFB200  }
0x5b: {  	_ =	swait.ge [sflag:s25], $0x4E00  }
0x5c: {  	[sflag:s25] =	ssyncset.done $0x0  }
0x5d: {  	[sflag:s25] =	ssyncadd.s32 $0xFFFFB200  }
0x5e: {  	_ =	swait.ge [sflag:s25], $0x4E00  }
0x5f: {  	[sflag:s25] =	ssyncset.done $0x0  }
0x60: {  	[sflag:s25] =	ssyncadd.s32 $0xFFFFB200  }
0x61: {  	_ =	swait.ge [sflag:s25], $0x4E00  }
0x62: {  	[sflag:s25] =	ssyncset.done $0x0  }
0x63: {  	[sflag:s25] =	ssyncadd.s32 $0xFFFFB200  }
0x64: {  	_ =	swait.ge [sflag:s25], $0x4E00  }
0x65: {  	[sflag:s25] =	ssyncset.done $0x0  }
0x66: {  	[sflag:s25] =	ssyncadd.s32 $0xFFFFB200  }
0x67: {  	_ =	swait.ge [sflag:s25], $0x4E00  }
0x68: {  	[sflag:s25] =	ssyncset.done $0x0  }
0x69: {  	[sflag:s25] =	ssyncadd.s32 $0xFFFFB200  }
0x6a: {  	_ =	swait.ge [sflag:s25], $0x4E00  }
0x6b: {  	[sflag:s25] =	ssyncset.done $0x0  }
0x6c: {  	[sflag:s25] =	ssyncadd.s32 $0xFFFFB200  }
0x6d: {  	_ =	swait.ge [sflag:s25], $0x4E00  }
0x6e: {  	[sflag:s25] =	ssyncset.done $0x0  }
0x6f: {  	[sflag:s25] =	ssyncadd.s32 $0xFFFFB200  }
0x70: {  	_ =	swait.ge [sflag:s25], $0x4E00  }
0x71: {  	[sflag:s25] =	ssyncset.done $0x0  }
0x72: {  	[sflag:s25] =	ssyncadd.s32 $0xFFFFB200  }
0x73: {  	_ =	swait.ge [sflag:s25], $0x4E00  }
0x74: {  	[sflag:s25] =	ssyncset.done $0x0  }
0x75: {  	[sflag:s25] =	ssyncadd.s32 $0xFFFFB200  }
0x76: {  	_ =	swait.ge [sflag:s25], $0x4E00  }
0x77: {  	[sflag:s25] =	ssyncset.done $0x0  }
0x78: {  	[sflag:s25] =	ssyncadd.s32 $0xFFFFB200  }
0x79: {  	_ =	swait.ge [sflag:s25], $0x4E00  }
0x7a: {  	[sflag:s25] =	ssyncset.done $0x0  }
0x7b: {  	[sflag:s25] =	ssyncadd.s32 $0xFFFFB200  }
0x7c: {  	_ =	swait.ge [sflag:s25], $0x4E00  }
0x7d: {  	[sflag:s25] =	ssyncset.done $0x0  }
0x7e: {  	[sflag:s25] =	ssyncadd.s32 $0xFFFFB200  }
0x7f: {  	s26 =	sadd.s32 $0x1, s26;
	_ =	strace $0x90000058  }
0x80: {  	p0 =	sne.s32 s26, s6;
	_ =	strace $0x80000059  }
0x81: {  	[hbm4b:s5+s3] =	stream.linear.scatter [tilespmem:s9], [sflag:$0x2], $0x9C00, $0x200038;
	[tilespmem:$0xA280] =	vst v63  }
.Ltmp1:
0x82: {  	_ = 	snop;
	(pc) =	sbr.rel @p0 .LBB2_1-.Ltmp1, $4  }
0x83: {  	_ =	swait.ge [sflag:s7], $0x9C00  }
0x84: {  	[sflag:s7] =	ssyncset.done $0x0  }
0x85: {  	[sflag:s7] =	ssyncadd.s32 $0xFFFF6400  }
0x86: {  	_ =	strace $0x90000059  }
0x87: {  	_ =	sfence.sel $0x180000  }
0x88: {  	[bflag:$0x0] =	sbarrier.arrive $0xFFFF  }
0x89: {  	p0 =	sne.s32 s0, $0x0;
	_ =	strace $0x90000055  }
0x8a: {  	s0 =	sadd.s32 @!p0 $0x100000, s1;
	[bflag:$0x2] =	sbarrier.arrive $0xFFFF  }
0x8b: {  	[sflag:s0] =	ssyncadd.tile.s32 @!p0 $0x1;
	_ =	shalt  }
.Lfunc_end2:
_tile_overlayer_lowered:
.L_overlay_start_2:
0x8c: {  	(tag) =	ssettag $0x2  }
0x8d: {  	s0 =	rddreg [dreg:$0x0];
	s2 =	stileid.u32  }
0x8e: {  	s1 =	rddreg [dreg:$0x1];
	p0 =	sne.s32 s2, $0x0  }
0x8f: {  	s3 =	rddreg [dreg:$0x2];
	[bflag:$0x3] =	sbarrier.arrive $0xFFFF;
	s2 =	simm.s32 @!p0 $0x1C02  }
0x90: {  	[timem:s3], [sflag:s2] =	dma.local @!p0 [hbm:s0], s1  }
0x91: {  	s0 =	simm.s32 @!p0 $0x2  }
0x92: {  	_ =	swait.ge @!p0 [sflag:s0], s1  }
0x93: {  	s1 =	ssub.s32 @!p0 $0x0, s1;
	[sflag:s0] =	ssyncset.done @!p0 $0x0  }
0x94: {  	[sflag:s0] =	ssyncadd.s32 @!p0 s1  }
0x95: {  	[bflag:$0x3] =	sbarrier.arrive $0xFFFF  }
0x96: {  	_ =	shalt  }

</sc_bundles>
